<compile_context>
chip_gen: v7x
topology: tpu7x:2x2x1
jax: 0.10.2.dev20260603
libtpu: 0.0.44.dev20260713+nightly
codegen_flags: <defaults>
</compile_context>

<pallas_src>
import functools

import jax
import jax.numpy as jnp
from jax import lax
from jax.experimental import pallas as pl
from jax.experimental.pallas import tpu as pltpu
from jax.experimental.pallas import tpu_sc as plsc

B = 16384
V_S0 = 100000
V_S1 = 1000
V_S2 = 1000
V_S3 = 1000000
V_CR = V_S1 * V_S2
NC = 2
NS = 16
NW = NC * NS
BPW = B // NW
NCHUNK = 4
CHUNK = BPW // NCHUNK


def _gather_body(d0, d1, d2, d3, s0, s1, s2, s3, fw, f0, f1, f2, f3, fc,
                 out,
                 idx0, idx3, cidx, idx1_v, idx2_v,
                 g0_v, g3_v, gc_v, t1_v, t2_v,
                 dv0, dv1, dv2, dv3, w_v, out_v,
                 sem0, sem3, semc, semi, semj, semm):
    wid = lax.axis_index("s") * NC + lax.axis_index("c")
    base = wid * BPW

    cp_idx = []
    for j in range(NCHUNK):
        cp_idx.append(pltpu.async_copy(
            s0.at[pl.ds(base + j * CHUNK, CHUNK)], idx0.at[j], semi))
        cp_idx.append(pltpu.async_copy(
            s3.at[pl.ds(base + j * CHUNK, CHUNK)], idx3.at[j], semi))
    cp_i1 = pltpu.async_copy(s1.at[pl.ds(base, BPW)], idx1_v, semj)
    cp_i2 = pltpu.async_copy(s2.at[pl.ds(base, BPW)], idx2_v, semj)
    cp_m = [
        pltpu.async_copy(f1, t1_v, semm),
        pltpu.async_copy(f2, t2_v, semm),
        pltpu.async_copy(d0.at[pl.ds(base, BPW)], dv0, semm),
        pltpu.async_copy(d1.at[pl.ds(base, BPW)], dv1, semm),
        pltpu.async_copy(d2.at[pl.ds(base, BPW)], dv2, semm),
        pltpu.async_copy(d3.at[pl.ds(base, BPW)], dv3, semm),
        pltpu.async_copy(fw, w_v, semm),
    ]

    for cp in cp_idx:
        cp.wait()
    cps = []
    for j in range(NCHUNK):
        cps.append(pltpu.async_copy(
            f0.at[idx0.at[j]], g0_v.at[pl.ds(j * CHUNK, CHUNK)], sem0))
        cps.append(pltpu.async_copy(
            f3.at[idx3.at[j]], g3_v.at[pl.ds(j * CHUNK, CHUNK)], sem3))

    cp_i1.wait()
    cp_i2.wait()
    for j in range(NCHUNK):
        for k in range(CHUNK // 16):
            sl = pl.ds(j * CHUNK + k * 16, 16)
            a = idx1_v[sl]
            b = idx2_v[sl]
            cidx[j, pl.ds(k * 16, 16)] = a * V_S2 + b
    for j in range(NCHUNK):
        cps.append(pltpu.async_copy(
            fc.at[cidx.at[j]], gc_v.at[pl.ds(j * CHUNK, CHUNK)], semc))

    for cp in cp_m:
        cp.wait()
    w0 = w_v[pl.ds(0, 16)]
    w1 = w_v[pl.ds(16, 16)]
    w2 = w_v[pl.ds(32, 16)]
    w3 = w_v[pl.ds(48, 16)]

    for cp in cps:
        cp.wait()

    for i in range(BPW // 16):
        sl = pl.ds(i * 16, 16)
        e1 = plsc.load_gather(t1_v, [idx1_v[sl]])
        e2 = plsc.load_gather(t2_v, [idx2_v[sl]])
        acc = dv0[sl] * w0 + dv1[sl] * w1 + dv2[sl] * w2 + dv3[sl] * w3
        acc = acc + g0_v[sl] + g3_v[sl] + gc_v[sl] + e1 + e2
        out_v[sl] = acc

    pltpu.sync_copy(out_v, out.at[pl.ds(base, BPW)])


@jax.jit
def kernel(d0, d1, d2, d3, s0, s1, s2, s3, W_dense,
           emb_s0, emb_s1, emb_s2, emb_s3, emb_cross_s1_s2):
    mesh = plsc.VectorSubcoreMesh(core_axis_name="c", subcore_axis_name="s")

    gather = functools.partial(
        pl.kernel,
        mesh=mesh,
        compiler_params=pltpu.CompilerParams(needs_layout_passes=False),
        out_type=jax.ShapeDtypeStruct((B,), jnp.float32),
        scratch_types=[
            pltpu.VMEM((NCHUNK, CHUNK), jnp.int32),
            pltpu.VMEM((NCHUNK, CHUNK), jnp.int32),
            pltpu.VMEM((NCHUNK, CHUNK), jnp.int32),
            pltpu.VMEM((BPW,), jnp.int32),
            pltpu.VMEM((BPW,), jnp.int32),
            pltpu.VMEM((BPW,), jnp.float32),
            pltpu.VMEM((BPW,), jnp.float32),
            pltpu.VMEM((BPW,), jnp.float32),
            pltpu.VMEM((1024,), jnp.float32),
            pltpu.VMEM((1024,), jnp.float32),
            pltpu.VMEM((BPW,), jnp.float32),
            pltpu.VMEM((BPW,), jnp.float32),
            pltpu.VMEM((BPW,), jnp.float32),
            pltpu.VMEM((BPW,), jnp.float32),
            pltpu.VMEM((64,), jnp.float32),
            pltpu.VMEM((BPW,), jnp.float32),
            pltpu.SemaphoreType.DMA,
            pltpu.SemaphoreType.DMA,
            pltpu.SemaphoreType.DMA,
            pltpu.SemaphoreType.DMA,
            pltpu.SemaphoreType.DMA,
            pltpu.SemaphoreType.DMA,
        ],
    )(_gather_body)

    fw = jnp.broadcast_to(W_dense.reshape(4, 1), (4, 16)).reshape(64)
    pad24 = jnp.zeros((24,), jnp.float32)
    f0 = emb_s0.reshape(-1)
    f1 = jnp.concatenate([emb_s1.reshape(-1), pad24])
    f2 = jnp.concatenate([emb_s2.reshape(-1), pad24])
    f3 = emb_s3.reshape(-1)
    fc = emb_cross_s1_s2.reshape(-1)
    s0i = s0.astype(jnp.int32)
    s1i = s1.astype(jnp.int32)
    s2i = s2.astype(jnp.int32)
    s3i = s3.astype(jnp.int32)
    out = gather(d0, d1, d2, d3, s0i, s1i, s2i, s3i,
                 fw, f0, f1, f2, f3, fc)
    return out.reshape(B, 1)

# --- scband reference (transcript-rebuilt; emitter-appended) ---
"""Pipeline reference for scband-wide-19585050869933 (READ-ONLY COPY).

The authoritative reference and input builder live on the scoring server;
editing this copy changes nothing except your own understanding.
"""

import jax, jax.numpy as jnp
import numpy as np

B = 16384
V_S0 = 100000
V_S1 = 1000
V_S2 = 1000
V_S3 = 1000000
V_CROSS = V_S1 * V_S2


def setup_inputs(seed: int = 0) -> dict:
    key = jax.random.key(seed)
    ks = jax.random.split(key, 16)
    inp = {}
    # dense features
    inp['d0'] = jax.random.normal(ks[0], (B,), dtype=jnp.float32)
    inp['d1'] = jax.random.normal(ks[1], (B,), dtype=jnp.float32)
    inp['d2'] = jax.random.normal(ks[2], (B,), dtype=jnp.float32)
    inp['d3'] = jax.random.normal(ks[3], (B,), dtype=jnp.float32)
    # sparse features (indices)
    inp['s0'] = jax.random.randint(ks[4], (B,), 0, V_S0)
    inp['s1'] = jax.random.randint(ks[5], (B,), 0, V_S1)
    inp['s2'] = jax.random.randint(ks[6], (B,), 0, V_S2)
    inp['s3'] = jax.random.randint(ks[7], (B,), 0, V_S3)
    # learned parameters
    inp['W_dense'] = jax.random.normal(ks[8], (1, 4), dtype=jnp.float32) * 0.05  # torch Linear weight [out, in]
    inp['emb_s0'] = jax.random.normal(ks[9], (V_S0, 1), dtype=jnp.float32) * 0.01
    inp['emb_s1'] = jax.random.normal(ks[10], (V_S1, 1), dtype=jnp.float32) * 0.01
    inp['emb_s2'] = jax.random.normal(ks[11], (V_S2, 1), dtype=jnp.float32) * 0.01
    inp['emb_s3'] = jax.random.normal(ks[12], (V_S3, 1), dtype=jnp.float32) * 0.01
    inp['emb_cross_s1_s2'] = jax.random.normal(ks[13], (V_CROSS, 1), dtype=jnp.float32) * 0.01
    return inp


def reference(d0, d1, d2, d3, s0, s1, s2, s3, W_dense, emb_s0, emb_s1, emb_s2, emb_s3, emb_cross_s1_s2):
    # dense arch: stack features -> [B, 4], linear (no bias) -> [B, 1]
    dense = jnp.stack([d0, d1, d2, d3], axis=1)
    wide_out = dense @ W_dense.T
    # sparse arch: 1-dim embedding lookups, summed
    wide_out = wide_out + jnp.take(emb_s0, s0, axis=0)
    wide_out = wide_out + jnp.take(emb_s1, s1, axis=0)
    wide_out = wide_out + jnp.take(emb_s2, s2, axis=0)
    wide_out = wide_out + jnp.take(emb_s3, s3, axis=0)
    # cross feature: s1 * vocab(s2) + s2
    cross_idx = s1 * V_S2 + s2
    wide_out = wide_out + jnp.take(emb_cross_s1_s2, cross_idx, axis=0)
    return wide_out

if __name__ == "__main__":
    import jax
    _d = setup_inputs()
    print(jax.jit(kernel)(*tuple(_d.values())))

</pallas_src>

<mosaic_0001>
#map = affine_map<(d0, d1) -> (0)>
module attributes {stable_mosaic.version = 14 : i64} {
  func.func @_gather_body(%arg0: i32, %arg1: i32, %arg2: memref<16384xf32, #tpu.memory_space<hbm>>, %arg3: memref<16384xf32, #tpu.memory_space<hbm>>, %arg4: memref<16384xf32, #tpu.memory_space<hbm>>, %arg5: memref<16384xf32, #tpu.memory_space<hbm>>, %arg6: memref<16384xi32, #tpu.memory_space<hbm>>, %arg7: memref<16384xi32, #tpu.memory_space<hbm>>, %arg8: memref<16384xi32, #tpu.memory_space<hbm>>, %arg9: memref<16384xi32, #tpu.memory_space<hbm>>, %arg10: memref<64xf32, #tpu.memory_space<hbm>>, %arg11: memref<100000xf32, #tpu.memory_space<hbm>>, %arg12: memref<1024xf32, #tpu.memory_space<hbm>>, %arg13: memref<1024xf32, #tpu.memory_space<hbm>>, %arg14: memref<1000000xf32, #tpu.memory_space<hbm>>, %arg15: memref<1000000xf32, #tpu.memory_space<hbm>>, %arg16: memref<16384xf32, #tpu.memory_space<hbm>>, %arg17: memref<4x128xi32, #tpu.memory_space<vmem>>, %arg18: memref<4x128xi32, #tpu.memory_space<vmem>>, %arg19: memref<4x128xi32, #tpu.memory_space<vmem>>, %arg20: memref<512xi32, #tpu.memory_space<vmem>>, %arg21: memref<512xi32, #tpu.memory_space<vmem>>, %arg22: memref<512xf32, #tpu.memory_space<vmem>>, %arg23: memref<512xf32, #tpu.memory_space<vmem>>, %arg24: memref<512xf32, #tpu.memory_space<vmem>>, %arg25: memref<1024xf32, #tpu.memory_space<vmem>>, %arg26: memref<1024xf32, #tpu.memory_space<vmem>>, %arg27: memref<512xf32, #tpu.memory_space<vmem>>, %arg28: memref<512xf32, #tpu.memory_space<vmem>>, %arg29: memref<512xf32, #tpu.memory_space<vmem>>, %arg30: memref<512xf32, #tpu.memory_space<vmem>>, %arg31: memref<64xf32, #tpu.memory_space<vmem>>, %arg32: memref<512xf32, #tpu.memory_space<vmem>>, %arg33: memref<!tpu.dma_semaphore, #tpu.memory_space<semaphore_mem>>, %arg34: memref<!tpu.dma_semaphore, #tpu.memory_space<semaphore_mem>>, %arg35: memref<!tpu.dma_semaphore, #tpu.memory_space<semaphore_mem>>, %arg36: memref<!tpu.dma_semaphore, #tpu.memory_space<semaphore_mem>>, %arg37: memref<!tpu.dma_semaphore, #tpu.memory_space<semaphore_mem>>, %arg38: memref<!tpu.dma_semaphore, #tpu.memory_space<semaphore_mem>>) attributes {dimension_semantics = [#tpu.dimension_semantics<core_parallel>, #tpu.dimension_semantics<subcore_parallel>], iteration_bounds = array<i64: 2, 16>, scalar_prefetch = 0 : i64, scratch_operands = 22 : i64, tpu.core_type = #tpu.core_type<sc_vector_subcore>, window_params = [{transform_indices = #map}, {transform_indices = #map}, {transform_indices = #map}, {transform_indices = #map}, {transform_indices = #map}, {transform_indices = #map}, {transform_indices = #map}, {transform_indices = #map}, {transform_indices = #map}, {transform_indices = #map}, {transform_indices = #map}, {transform_indices = #map}, {transform_indices = #map}, {transform_indices = #map}, {transform_indices = #map}]} {
    %mul3A = arith.constant 2 : i32
    %mul3A_0 = arith.muli %arg1, %mul3A : i32
    %add3A = arith.addi %mul3A_0, %arg0 : i32
    %mul3A_1 = arith.constant 512 : i32
    %mul3A_2 = arith.muli %add3A, %mul3A_1 : i32
    %add3A_3 = arith.constant 0 : i32
    %add3A_4 = arith.addi %mul3A_2, %add3A_3 : i32
    %dma_start3A = arith.constant 0 : i32
    %dma_start3A_5 = arith.constant 0 : i32
    %dma_start3A_6 = tpu.memref_slice %arg17[%dma_start3A, %dma_start3A_5] : memref<4x128xi32, #tpu.memory_space<vmem>> -> memref<1x128xi32, #tpu.memory_space<vmem>>
    %dma_start3A_7 = tpu.memref_squeeze %dma_start3A_6 : memref<1x128xi32, #tpu.memory_space<vmem>> -> memref<128xi32, #tpu.memory_space<vmem>>
    %dma_start3A_8 = tpu.memref_slice %arg6[%add3A_4] : memref<16384xi32, #tpu.memory_space<hbm>> -> memref<128xi32, #tpu.memory_space<hbm>>
    %dma_start3A_9 = arith.constant 0 : i32
    %dma_start3A_10 = tpu.memref_slice %arg17[%dma_start3A, %dma_start3A_9] : memref<4x128xi32, #tpu.memory_space<vmem>> -> memref<1x128xi32, #tpu.memory_space<vmem>>
    %dma_start3A_11 = tpu.memref_squeeze %dma_start3A_10 : memref<1x128xi32, #tpu.memory_space<vmem>> -> memref<128xi32, #tpu.memory_space<vmem>>
    %dma_start3A_12 = tpu.memref_slice %arg6[%add3A_4] : memref<16384xi32, #tpu.memory_space<hbm>> -> memref<128xi32, #tpu.memory_space<hbm>>
    tpu.enqueue_dma source(%dma_start3A_12 : memref<128xi32, #tpu.memory_space<hbm>>) target(%dma_start3A_11 : memref<128xi32, #tpu.memory_space<vmem>>) target_semaphore(%arg36 : memref<!tpu.dma_semaphore, #tpu.memory_space<semaphore_mem>>)
    %add3A_13 = arith.constant 0 : i32
    %add3A_14 = arith.addi %mul3A_2, %add3A_13 : i32
    %dma_start3A_15 = arith.constant 0 : i32
    %dma_start3A_16 = arith.constant 0 : i32
    %dma_start3A_17 = tpu.memref_slice %arg18[%dma_start3A_15, %dma_start3A_16] : memref<4x128xi32, #tpu.memory_space<vmem>> -> memref<1x128xi32, #tpu.memory_space<vmem>>
    %dma_start3A_18 = tpu.memref_squeeze %dma_start3A_17 : memref<1x128xi32, #tpu.memory_space<vmem>> -> memref<128xi32, #tpu.memory_space<vmem>>
    %dma_start3A_19 = tpu.memref_slice %arg9[%add3A_14] : memref<16384xi32, #tpu.memory_space<hbm>> -> memref<128xi32, #tpu.memory_space<hbm>>
    %dma_start3A_20 = arith.constant 0 : i32
    %dma_start3A_21 = tpu.memref_slice %arg18[%dma_start3A_15, %dma_start3A_20] : memref<4x128xi32, #tpu.memory_space<vmem>> -> memref<1x128xi32, #tpu.memory_space<vmem>>
    %dma_start3A_22 = tpu.memref_squeeze %dma_start3A_21 : memref<1x128xi32, #tpu.memory_space<vmem>> -> memref<128xi32, #tpu.memory_space<vmem>>
    %dma_start3A_23 = tpu.memref_slice %arg9[%add3A_14] : memref<16384xi32, #tpu.memory_space<hbm>> -> memref<128xi32, #tpu.memory_space<hbm>>
    tpu.enqueue_dma source(%dma_start3A_23 : memref<128xi32, #tpu.memory_space<hbm>>) target(%dma_start3A_22 : memref<128xi32, #tpu.memory_space<vmem>>) target_semaphore(%arg36 : memref<!tpu.dma_semaphore, #tpu.memory_space<semaphore_mem>>)
    %add3A_24 = arith.constant 128 : i32
    %add3A_25 = arith.addi %mul3A_2, %add3A_24 : i32
    %dma_start3A_26 = arith.constant 1 : i32
    %dma_start3A_27 = arith.constant 0 : i32
    %dma_start3A_28 = tpu.memref_slice %arg17[%dma_start3A_26, %dma_start3A_27] : memref<4x128xi32, #tpu.memory_space<vmem>> -> memref<1x128xi32, #tpu.memory_space<vmem>>
    %dma_start3A_29 = tpu.memref_squeeze %dma_start3A_28 : memref<1x128xi32, #tpu.memory_space<vmem>> -> memref<128xi32, #tpu.memory_space<vmem>>
    %dma_start3A_30 = tpu.memref_slice %arg6[%add3A_25] : memref<16384xi32, #tpu.memory_space<hbm>> -> memref<128xi32, #tpu.memory_space<hbm>>
    %dma_start3A_31 = arith.constant 0 : i32
    %dma_start3A_32 = tpu.memref_slice %arg17[%dma_start3A_26, %dma_start3A_31] : memref<4x128xi32, #tpu.memory_space<vmem>> -> memref<1x128xi32, #tpu.memory_space<vmem>>
    %dma_start3A_33 = tpu.memref_squeeze %dma_start3A_32 : memref<1x128xi32, #tpu.memory_space<vmem>> -> memref<128xi32, #tpu.memory_space<vmem>>
    %dma_start3A_34 = tpu.memref_slice %arg6[%add3A_25] : memref<16384xi32, #tpu.memory_space<hbm>> -> memref<128xi32, #tpu.memory_space<hbm>>
    tpu.enqueue_dma source(%dma_start3A_34 : memref<128xi32, #tpu.memory_space<hbm>>) target(%dma_start3A_33 : memref<128xi32, #tpu.memory_space<vmem>>) target_semaphore(%arg36 : memref<!tpu.dma_semaphore, #tpu.memory_space<semaphore_mem>>)
    %add3A_35 = arith.constant 128 : i32
    %add3A_36 = arith.addi %mul3A_2, %add3A_35 : i32
    %dma_start3A_37 = arith.constant 1 : i32
    %dma_start3A_38 = arith.constant 0 : i32
    %dma_start3A_39 = tpu.memref_slice %arg18[%dma_start3A_37, %dma_start3A_38] : memref<4x128xi32, #tpu.memory_space<vmem>> -> memref<1x128xi32, #tpu.memory_space<vmem>>
    %dma_start3A_40 = tpu.memref_squeeze %dma_start3A_39 : memref<1x128xi32, #tpu.memory_space<vmem>> -> memref<128xi32, #tpu.memory_space<vmem>>
    %dma_start3A_41 = tpu.memref_slice %arg9[%add3A_36] : memref<16384xi32, #tpu.memory_space<hbm>> -> memref<128xi32, #tpu.memory_space<hbm>>
    %dma_start3A_42 = arith.constant 0 : i32
    %dma_start3A_43 = tpu.memref_slice %arg18[%dma_start3A_37, %dma_start3A_42] : memref<4x128xi32, #tpu.memory_space<vmem>> -> memref<1x128xi32, #tpu.memory_space<vmem>>
    %dma_start3A_44 = tpu.memref_squeeze %dma_start3A_43 : memref<1x128xi32, #tpu.memory_space<vmem>> -> memref<128xi32, #tpu.memory_space<vmem>>
    %dma_start3A_45 = tpu.memref_slice %arg9[%add3A_36] : memref<16384xi32, #tpu.memory_space<hbm>> -> memref<128xi32, #tpu.memory_space<hbm>>
    tpu.enqueue_dma source(%dma_start3A_45 : memref<128xi32, #tpu.memory_space<hbm>>) target(%dma_start3A_44 : memref<128xi32, #tpu.memory_space<vmem>>) target_semaphore(%arg36 : memref<!tpu.dma_semaphore, #tpu.memory_space<semaphore_mem>>)
    %add3A_46 = arith.constant 256 : i32
    %add3A_47 = arith.addi %mul3A_2, %add3A_46 : i32
    %dma_start3A_48 = arith.constant 2 : i32
    %dma_start3A_49 = arith.constant 0 : i32
    %dma_start3A_50 = tpu.memref_slice %arg17[%dma_start3A_48, %dma_start3A_49] : memref<4x128xi32, #tpu.memory_space<vmem>> -> memref<1x128xi32, #tpu.memory_space<vmem>>
    %dma_start3A_51 = tpu.memref_squeeze %dma_start3A_50 : memref<1x128xi32, #tpu.memory_space<vmem>> -> memref<128xi32, #tpu.memory_space<vmem>>
    %dma_start3A_52 = tpu.memref_slice %arg6[%add3A_47] : memref<16384xi32, #tpu.memory_space<hbm>> -> memref<128xi32, #tpu.memory_space<hbm>>
    %dma_start3A_53 = arith.constant 0 : i32
    %dma_start3A_54 = tpu.memref_slice %arg17[%dma_start3A_48, %dma_start3A_53] : memref<4x128xi32, #tpu.memory_space<vmem>> -> memref<1x128xi32, #tpu.memory_space<vmem>>
    %dma_start3A_55 = tpu.memref_squeeze %dma_start3A_54 : memref<1x128xi32, #tpu.memory_space<vmem>> -> memref<128xi32, #tpu.memory_space<vmem>>
    %dma_start3A_56 = tpu.memref_slice %arg6[%add3A_47] : memref<16384xi32, #tpu.memory_space<hbm>> -> memref<128xi32, #tpu.memory_space<hbm>>
    tpu.enqueue_dma source(%dma_start3A_56 : memref<128xi32, #tpu.memory_space<hbm>>) target(%dma_start3A_55 : memref<128xi32, #tpu.memory_space<vmem>>) target_semaphore(%arg36 : memref<!tpu.dma_semaphore, #tpu.memory_space<semaphore_mem>>)
    %add3A_57 = arith.constant 256 : i32
    %add3A_58 = arith.addi %mul3A_2, %add3A_57 : i32
    %dma_start3A_59 = arith.constant 2 : i32
    %dma_start3A_60 = arith.constant 0 : i32
    %dma_start3A_61 = tpu.memref_slice %arg18[%dma_start3A_59, %dma_start3A_60] : memref<4x128xi32, #tpu.memory_space<vmem>> -> memref<1x128xi32, #tpu.memory_space<vmem>>
    %dma_start3A_62 = tpu.memref_squeeze %dma_start3A_61 : memref<1x128xi32, #tpu.memory_space<vmem>> -> memref<128xi32, #tpu.memory_space<vmem>>
    %dma_start3A_63 = tpu.memref_slice %arg9[%add3A_58] : memref<16384xi32, #tpu.memory_space<hbm>> -> memref<128xi32, #tpu.memory_space<hbm>>
    %dma_start3A_64 = arith.constant 0 : i32
    %dma_start3A_65 = tpu.memref_slice %arg18[%dma_start3A_59, %dma_start3A_64] : memref<4x128xi32, #tpu.memory_space<vmem>> -> memref<1x128xi32, #tpu.memory_space<vmem>>
    %dma_start3A_66 = tpu.memref_squeeze %dma_start3A_65 : memref<1x128xi32, #tpu.memory_space<vmem>> -> memref<128xi32, #tpu.memory_space<vmem>>
    %dma_start3A_67 = tpu.memref_slice %arg9[%add3A_58] : memref<16384xi32, #tpu.memory_space<hbm>> -> memref<128xi32, #tpu.memory_space<hbm>>
    tpu.enqueue_dma source(%dma_start3A_67 : memref<128xi32, #tpu.memory_space<hbm>>) target(%dma_start3A_66 : memref<128xi32, #tpu.memory_space<vmem>>) target_semaphore(%arg36 : memref<!tpu.dma_semaphore, #tpu.memory_space<semaphore_mem>>)
    %add3A_68 = arith.constant 384 : i32
    %add3A_69 = arith.addi %mul3A_2, %add3A_68 : i32
    %dma_start3A_70 = arith.constant 3 : i32
    %dma_start3A_71 = arith.constant 0 : i32
    %dma_start3A_72 = tpu.memref_slice %arg17[%dma_start3A_70, %dma_start3A_71] : memref<4x128xi32, #tpu.memory_space<vmem>> -> memref<1x128xi32, #tpu.memory_space<vmem>>
    %dma_start3A_73 = tpu.memref_squeeze %dma_start3A_72 : memref<1x128xi32, #tpu.memory_space<vmem>> -> memref<128xi32, #tpu.memory_space<vmem>>
    %dma_start3A_74 = tpu.memref_slice %arg6[%add3A_69] : memref<16384xi32, #tpu.memory_space<hbm>> -> memref<128xi32, #tpu.memory_space<hbm>>
    %dma_start3A_75 = arith.constant 0 : i32
    %dma_start3A_76 = tpu.memref_slice %arg17[%dma_start3A_70, %dma_start3A_75] : memref<4x128xi32, #tpu.memory_space<vmem>> -> memref<1x128xi32, #tpu.memory_space<vmem>>
    %dma_start3A_77 = tpu.memref_squeeze %dma_start3A_76 : memref<1x128xi32, #tpu.memory_space<vmem>> -> memref<128xi32, #tpu.memory_space<vmem>>
    %dma_start3A_78 = tpu.memref_slice %arg6[%add3A_69] : memref<16384xi32, #tpu.memory_space<hbm>> -> memref<128xi32, #tpu.memory_space<hbm>>
    tpu.enqueue_dma source(%dma_start3A_78 : memref<128xi32, #tpu.memory_space<hbm>>) target(%dma_start3A_77 : memref<128xi32, #tpu.memory_space<vmem>>) target_semaphore(%arg36 : memref<!tpu.dma_semaphore, #tpu.memory_space<semaphore_mem>>)
    %add3A_79 = arith.constant 384 : i32
    %add3A_80 = arith.addi %mul3A_2, %add3A_79 : i32
    %dma_start3A_81 = arith.constant 3 : i32
    %dma_start3A_82 = arith.constant 0 : i32
    %dma_start3A_83 = tpu.memref_slice %arg18[%dma_start3A_81, %dma_start3A_82] : memref<4x128xi32, #tpu.memory_space<vmem>> -> memref<1x128xi32, #tpu.memory_space<vmem>>
    %dma_start3A_84 = tpu.memref_squeeze %dma_start3A_83 : memref<1x128xi32, #tpu.memory_space<vmem>> -> memref<128xi32, #tpu.memory_space<vmem>>
    %dma_start3A_85 = tpu.memref_slice %arg9[%add3A_80] : memref<16384xi32, #tpu.memory_space<hbm>> -> memref<128xi32, #tpu.memory_space<hbm>>
    %dma_start3A_86 = arith.constant 0 : i32
    %dma_start3A_87 = tpu.memref_slice %arg18[%dma_start3A_81, %dma_start3A_86] : memref<4x128xi32, #tpu.memory_space<vmem>> -> memref<1x128xi32, #tpu.memory_space<vmem>>
    %dma_start3A_88 = tpu.memref_squeeze %dma_start3A_87 : memref<1x128xi32, #tpu.memory_space<vmem>> -> memref<128xi32, #tpu.memory_space<vmem>>
    %dma_start3A_89 = tpu.memref_slice %arg9[%add3A_80] : memref<16384xi32, #tpu.memory_space<hbm>> -> memref<128xi32, #tpu.memory_space<hbm>>
    tpu.enqueue_dma source(%dma_start3A_89 : memref<128xi32, #tpu.memory_space<hbm>>) target(%dma_start3A_88 : memref<128xi32, #tpu.memory_space<vmem>>) target_semaphore(%arg36 : memref<!tpu.dma_semaphore, #tpu.memory_space<semaphore_mem>>)
    %dma_start3A_90 = tpu.memref_slice %arg7[%mul3A_2] : memref<16384xi32, #tpu.memory_space<hbm>> -> memref<512xi32, #tpu.memory_space<hbm>>
    %dma_start3A_91 = tpu.memref_slice %arg7[%mul3A_2] : memref<16384xi32, #tpu.memory_space<hbm>> -> memref<512xi32, #tpu.memory_space<hbm>>
    tpu.enqueue_dma source(%dma_start3A_91 : memref<512xi32, #tpu.memory_space<hbm>>) target(%arg20 : memref<512xi32, #tpu.memory_space<vmem>>) target_semaphore(%arg37 : memref<!tpu.dma_semaphore, #tpu.memory_space<semaphore_mem>>)
    %dma_start3A_92 = tpu.memref_slice %arg8[%mul3A_2] : memref<16384xi32, #tpu.memory_space<hbm>> -> memref<512xi32, #tpu.memory_space<hbm>>
    %dma_start3A_93 = tpu.memref_slice %arg8[%mul3A_2] : memref<16384xi32, #tpu.memory_space<hbm>> -> memref<512xi32, #tpu.memory_space<hbm>>
    tpu.enqueue_dma source(%dma_start3A_93 : memref<512xi32, #tpu.memory_space<hbm>>) target(%arg21 : memref<512xi32, #tpu.memory_space<vmem>>) target_semaphore(%arg37 : memref<!tpu.dma_semaphore, #tpu.memory_space<semaphore_mem>>)
    tpu.enqueue_dma source(%arg12 : memref<1024xf32, #tpu.memory_space<hbm>>) target(%arg25 : memref<1024xf32, #tpu.memory_space<vmem>>) target_semaphore(%arg38 : memref<!tpu.dma_semaphore, #tpu.memory_space<semaphore_mem>>)
    tpu.enqueue_dma source(%arg13 : memref<1024xf32, #tpu.memory_space<hbm>>) target(%arg26 : memref<1024xf32, #tpu.memory_space<vmem>>) target_semaphore(%arg38 : memref<!tpu.dma_semaphore, #tpu.memory_space<semaphore_mem>>)
    %dma_start3A_94 = tpu.memref_slice %arg2[%mul3A_2] : memref<16384xf32, #tpu.memory_space<hbm>> -> memref<512xf32, #tpu.memory_space<hbm>>
    %dma_start3A_95 = tpu.memref_slice %arg2[%mul3A_2] : memref<16384xf32, #tpu.memory_space<hbm>> -> memref<512xf32, #tpu.memory_space<hbm>>
    tpu.enqueue_dma source(%dma_start3A_95 : memref<512xf32, #tpu.memory_space<hbm>>) target(%arg27 : memref<512xf32, #tpu.memory_space<vmem>>) target_semaphore(%arg38 : memref<!tpu.dma_semaphore, #tpu.memory_space<semaphore_mem>>)
    %dma_start3A_96 = tpu.memref_slice %arg3[%mul3A_2] : memref<16384xf32, #tpu.memory_space<hbm>> -> memref<512xf32, #tpu.memory_space<hbm>>
    %dma_start3A_97 = tpu.memref_slice %arg3[%mul3A_2] : memref<16384xf32, #tpu.memory_space<hbm>> -> memref<512xf32, #tpu.memory_space<hbm>>
    tpu.enqueue_dma source(%dma_start3A_97 : memref<512xf32, #tpu.memory_space<hbm>>) target(%arg28 : memref<512xf32, #tpu.memory_space<vmem>>) target_semaphore(%arg38 : memref<!tpu.dma_semaphore, #tpu.memory_space<semaphore_mem>>)
    %dma_start3A_98 = tpu.memref_slice %arg4[%mul3A_2] : memref<16384xf32, #tpu.memory_space<hbm>> -> memref<512xf32, #tpu.memory_space<hbm>>
    %dma_start3A_99 = tpu.memref_slice %arg4[%mul3A_2] : memref<16384xf32, #tpu.memory_space<hbm>> -> memref<512xf32, #tpu.memory_space<hbm>>
    tpu.enqueue_dma source(%dma_start3A_99 : memref<512xf32, #tpu.memory_space<hbm>>) target(%arg29 : memref<512xf32, #tpu.memory_space<vmem>>) target_semaphore(%arg38 : memref<!tpu.dma_semaphore, #tpu.memory_space<semaphore_mem>>)
    %dma_start3A_100 = tpu.memref_slice %arg5[%mul3A_2] : memref<16384xf32, #tpu.memory_space<hbm>> -> memref<512xf32, #tpu.memory_space<hbm>>
    %dma_start3A_101 = tpu.memref_slice %arg5[%mul3A_2] : memref<16384xf32, #tpu.memory_space<hbm>> -> memref<512xf32, #tpu.memory_space<hbm>>
    tpu.enqueue_dma source(%dma_start3A_101 : memref<512xf32, #tpu.memory_space<hbm>>) target(%arg30 : memref<512xf32, #tpu.memory_space<vmem>>) target_semaphore(%arg38 : memref<!tpu.dma_semaphore, #tpu.memory_space<semaphore_mem>>)
    tpu.enqueue_dma source(%arg10 : memref<64xf32, #tpu.memory_space<hbm>>) target(%arg31 : memref<64xf32, #tpu.memory_space<vmem>>) target_semaphore(%arg38 : memref<!tpu.dma_semaphore, #tpu.memory_space<semaphore_mem>>)
    %dma_wait3A = arith.constant 0 : i32
    %dma_wait3A_102 = arith.constant 0 : i32
    %dma_wait3A_103 = tpu.memref_slice %arg17[%dma_wait3A, %dma_wait3A_102] : memref<4x128xi32, #tpu.memory_space<vmem>> -> memref<1x128xi32, #tpu.memory_space<vmem>>
    %dma_wait3A_104 = tpu.memref_squeeze %dma_wait3A_103 : memref<1x128xi32, #tpu.memory_space<vmem>> -> memref<128xi32, #tpu.memory_space<vmem>>
    %dma_wait3A_105 = tpu.memref_slice %arg6[%add3A_4] : memref<16384xi32, #tpu.memory_space<hbm>> -> memref<128xi32, #tpu.memory_space<hbm>>
    %dma_wait3A_106 = arith.constant 0 : i32
    %dma_wait3A_107 = tpu.memref_slice %arg17[%dma_wait3A, %dma_wait3A_106] : memref<4x128xi32, #tpu.memory_space<vmem>> -> memref<1x128xi32, #tpu.memory_space<vmem>>
    %dma_wait3A_108 = tpu.memref_squeeze %dma_wait3A_107 : memref<1x128xi32, #tpu.memory_space<vmem>> -> memref<128xi32, #tpu.memory_space<vmem>>
    %dma_wait3A_109 = tpu.memref_slice %arg6[%add3A_4] : memref<16384xi32, #tpu.memory_space<hbm>> -> memref<128xi32, #tpu.memory_space<hbm>>
    tpu.wait_dma2 semaphore(%arg36 : memref<!tpu.dma_semaphore, #tpu.memory_space<semaphore_mem>>) src(%dma_wait3A_109 : memref<128xi32, #tpu.memory_space<hbm>>) dst(%dma_wait3A_108 : memref<128xi32, #tpu.memory_space<vmem>>)
    %dma_wait3A_110 = arith.constant 0 : i32
    %dma_wait3A_111 = arith.constant 0 : i32
    %dma_wait3A_112 = tpu.memref_slice %arg18[%dma_wait3A_110, %dma_wait3A_111] : memref<4x128xi32, #tpu.memory_space<vmem>> -> memref<1x128xi32, #tpu.memory_space<vmem>>
    %dma_wait3A_113 = tpu.memref_squeeze %dma_wait3A_112 : memref<1x128xi32, #tpu.memory_space<vmem>> -> memref<128xi32, #tpu.memory_space<vmem>>
    %dma_wait3A_114 = tpu.memref_slice %arg9[%add3A_14] : memref<16384xi32, #tpu.memory_space<hbm>> -> memref<128xi32, #tpu.memory_space<hbm>>
    %dma_wait3A_115 = arith.constant 0 : i32
    %dma_wait3A_116 = tpu.memref_slice %arg18[%dma_wait3A_110, %dma_wait3A_115] : memref<4x128xi32, #tpu.memory_space<vmem>> -> memref<1x128xi32, #tpu.memory_space<vmem>>
    %dma_wait3A_117 = tpu.memref_squeeze %dma_wait3A_116 : memref<1x128xi32, #tpu.memory_space<vmem>> -> memref<128xi32, #tpu.memory_space<vmem>>
    %dma_wait3A_118 = tpu.memref_slice %arg9[%add3A_14] : memref<16384xi32, #tpu.memory_space<hbm>> -> memref<128xi32, #tpu.memory_space<hbm>>
    tpu.wait_dma2 semaphore(%arg36 : memref<!tpu.dma_semaphore, #tpu.memory_space<semaphore_mem>>) src(%dma_wait3A_118 : memref<128xi32, #tpu.memory_space<hbm>>) dst(%dma_wait3A_117 : memref<128xi32, #tpu.memory_space<vmem>>)
    %dma_wait3A_119 = arith.constant 1 : i32
    %dma_wait3A_120 = arith.constant 0 : i32
    %dma_wait3A_121 = tpu.memref_slice %arg17[%dma_wait3A_119, %dma_wait3A_120] : memref<4x128xi32, #tpu.memory_space<vmem>> -> memref<1x128xi32, #tpu.memory_space<vmem>>
    %dma_wait3A_122 = tpu.memref_squeeze %dma_wait3A_121 : memref<1x128xi32, #tpu.memory_space<vmem>> -> memref<128xi32, #tpu.memory_space<vmem>>
    %dma_wait3A_123 = tpu.memref_slice %arg6[%add3A_25] : memref<16384xi32, #tpu.memory_space<hbm>> -> memref<128xi32, #tpu.memory_space<hbm>>
    %dma_wait3A_124 = arith.constant 0 : i32
    %dma_wait3A_125 = tpu.memref_slice %arg17[%dma_wait3A_119, %dma_wait3A_124] : memref<4x128xi32, #tpu.memory_space<vmem>> -> memref<1x128xi32, #tpu.memory_space<vmem>>
    %dma_wait3A_126 = tpu.memref_squeeze %dma_wait3A_125 : memref<1x128xi32, #tpu.memory_space<vmem>> -> memref<128xi32, #tpu.memory_space<vmem>>
    %dma_wait3A_127 = tpu.memref_slice %arg6[%add3A_25] : memref<16384xi32, #tpu.memory_space<hbm>> -> memref<128xi32, #tpu.memory_space<hbm>>
    tpu.wait_dma2 semaphore(%arg36 : memref<!tpu.dma_semaphore, #tpu.memory_space<semaphore_mem>>) src(%dma_wait3A_127 : memref<128xi32, #tpu.memory_space<hbm>>) dst(%dma_wait3A_126 : memref<128xi32, #tpu.memory_space<vmem>>)
    %dma_wait3A_128 = arith.constant 1 : i32
    %dma_wait3A_129 = arith.constant 0 : i32
    %dma_wait3A_130 = tpu.memref_slice %arg18[%dma_wait3A_128, %dma_wait3A_129] : memref<4x128xi32, #tpu.memory_space<vmem>> -> memref<1x128xi32, #tpu.memory_space<vmem>>
    %dma_wait3A_131 = tpu.memref_squeeze %dma_wait3A_130 : memref<1x128xi32, #tpu.memory_space<vmem>> -> memref<128xi32, #tpu.memory_space<vmem>>
    %dma_wait3A_132 = tpu.memref_slice %arg9[%add3A_36] : memref<16384xi32, #tpu.memory_space<hbm>> -> memref<128xi32, #tpu.memory_space<hbm>>
    %dma_wait3A_133 = arith.constant 0 : i32
    %dma_wait3A_134 = tpu.memref_slice %arg18[%dma_wait3A_128, %dma_wait3A_133] : memref<4x128xi32, #tpu.memory_space<vmem>> -> memref<1x128xi32, #tpu.memory_space<vmem>>
    %dma_wait3A_135 = tpu.memref_squeeze %dma_wait3A_134 : memref<1x128xi32, #tpu.memory_space<vmem>> -> memref<128xi32, #tpu.memory_space<vmem>>
    %dma_wait3A_136 = tpu.memref_slice %arg9[%add3A_36] : memref<16384xi32, #tpu.memory_space<hbm>> -> memref<128xi32, #tpu.memory_space<hbm>>
    tpu.wait_dma2 semaphore(%arg36 : memref<!tpu.dma_semaphore, #tpu.memory_space<semaphore_mem>>) src(%dma_wait3A_136 : memref<128xi32, #tpu.memory_space<hbm>>) dst(%dma_wait3A_135 : memref<128xi32, #tpu.memory_space<vmem>>)
    %dma_wait3A_137 = arith.constant 2 : i32
    %dma_wait3A_138 = arith.constant 0 : i32
    %dma_wait3A_139 = tpu.memref_slice %arg17[%dma_wait3A_137, %dma_wait3A_138] : memref<4x128xi32, #tpu.memory_space<vmem>> -> memref<1x128xi32, #tpu.memory_space<vmem>>
    %dma_wait3A_140 = tpu.memref_squeeze %dma_wait3A_139 : memref<1x128xi32, #tpu.memory_space<vmem>> -> memref<128xi32, #tpu.memory_space<vmem>>
    %dma_wait3A_141 = tpu.memref_slice %arg6[%add3A_47] : memref<16384xi32, #tpu.memory_space<hbm>> -> memref<128xi32, #tpu.memory_space<hbm>>
    %dma_wait3A_142 = arith.constant 0 : i32
    %dma_wait3A_143 = tpu.memref_slice %arg17[%dma_wait3A_137, %dma_wait3A_142] : memref<4x128xi32, #tpu.memory_space<vmem>> -> memref<1x128xi32, #tpu.memory_space<vmem>>
    %dma_wait3A_144 = tpu.memref_squeeze %dma_wait3A_143 : memref<1x128xi32, #tpu.memory_space<vmem>> -> memref<128xi32, #tpu.memory_space<vmem>>
    %dma_wait3A_145 = tpu.memref_slice %arg6[%add3A_47] : memref<16384xi32, #tpu.memory_space<hbm>> -> memref<128xi32, #tpu.memory_space<hbm>>
    tpu.wait_dma2 semaphore(%arg36 : memref<!tpu.dma_semaphore, #tpu.memory_space<semaphore_mem>>) src(%dma_wait3A_145 : memref<128xi32, #tpu.memory_space<hbm>>) dst(%dma_wait3A_144 : memref<128xi32, #tpu.memory_space<vmem>>)
    %dma_wait3A_146 = arith.constant 2 : i32
    %dma_wait3A_147 = arith.constant 0 : i32
    %dma_wait3A_148 = tpu.memref_slice %arg18[%dma_wait3A_146, %dma_wait3A_147] : memref<4x128xi32, #tpu.memory_space<vmem>> -> memref<1x128xi32, #tpu.memory_space<vmem>>
    %dma_wait3A_149 = tpu.memref_squeeze %dma_wait3A_148 : memref<1x128xi32, #tpu.memory_space<vmem>> -> memref<128xi32, #tpu.memory_space<vmem>>
    %dma_wait3A_150 = tpu.memref_slice %arg9[%add3A_58] : memref<16384xi32, #tpu.memory_space<hbm>> -> memref<128xi32, #tpu.memory_space<hbm>>
    %dma_wait3A_151 = arith.constant 0 : i32
    %dma_wait3A_152 = tpu.memref_slice %arg18[%dma_wait3A_146, %dma_wait3A_151] : memref<4x128xi32, #tpu.memory_space<vmem>> -> memref<1x128xi32, #tpu.memory_space<vmem>>
    %dma_wait3A_153 = tpu.memref_squeeze %dma_wait3A_152 : memref<1x128xi32, #tpu.memory_space<vmem>> -> memref<128xi32, #tpu.memory_space<vmem>>
    %dma_wait3A_154 = tpu.memref_slice %arg9[%add3A_58] : memref<16384xi32, #tpu.memory_space<hbm>> -> memref<128xi32, #tpu.memory_space<hbm>>
    tpu.wait_dma2 semaphore(%arg36 : memref<!tpu.dma_semaphore, #tpu.memory_space<semaphore_mem>>) src(%dma_wait3A_154 : memref<128xi32, #tpu.memory_space<hbm>>) dst(%dma_wait3A_153 : memref<128xi32, #tpu.memory_space<vmem>>)
    %dma_wait3A_155 = arith.constant 3 : i32
    %dma_wait3A_156 = arith.constant 0 : i32
    %dma_wait3A_157 = tpu.memref_slice %arg17[%dma_wait3A_155, %dma_wait3A_156] : memref<4x128xi32, #tpu.memory_space<vmem>> -> memref<1x128xi32, #tpu.memory_space<vmem>>
    %dma_wait3A_158 = tpu.memref_squeeze %dma_wait3A_157 : memref<1x128xi32, #tpu.memory_space<vmem>> -> memref<128xi32, #tpu.memory_space<vmem>>
    %dma_wait3A_159 = tpu.memref_slice %arg6[%add3A_69] : memref<16384xi32, #tpu.memory_space<hbm>> -> memref<128xi32, #tpu.memory_space<hbm>>
    %dma_wait3A_160 = arith.constant 0 : i32
    %dma_wait3A_161 = tpu.memref_slice %arg17[%dma_wait3A_155, %dma_wait3A_160] : memref<4x128xi32, #tpu.memory_space<vmem>> -> memref<1x128xi32, #tpu.memory_space<vmem>>
    %dma_wait3A_162 = tpu.memref_squeeze %dma_wait3A_161 : memref<1x128xi32, #tpu.memory_space<vmem>> -> memref<128xi32, #tpu.memory_space<vmem>>
    %dma_wait3A_163 = tpu.memref_slice %arg6[%add3A_69] : memref<16384xi32, #tpu.memory_space<hbm>> -> memref<128xi32, #tpu.memory_space<hbm>>
    tpu.wait_dma2 semaphore(%arg36 : memref<!tpu.dma_semaphore, #tpu.memory_space<semaphore_mem>>) src(%dma_wait3A_163 : memref<128xi32, #tpu.memory_space<hbm>>) dst(%dma_wait3A_162 : memref<128xi32, #tpu.memory_space<vmem>>)
    %dma_wait3A_164 = arith.constant 3 : i32
    %dma_wait3A_165 = arith.constant 0 : i32
    %dma_wait3A_166 = tpu.memref_slice %arg18[%dma_wait3A_164, %dma_wait3A_165] : memref<4x128xi32, #tpu.memory_space<vmem>> -> memref<1x128xi32, #tpu.memory_space<vmem>>
    %dma_wait3A_167 = tpu.memref_squeeze %dma_wait3A_166 : memref<1x128xi32, #tpu.memory_space<vmem>> -> memref<128xi32, #tpu.memory_space<vmem>>
    %dma_wait3A_168 = tpu.memref_slice %arg9[%add3A_80] : memref<16384xi32, #tpu.memory_space<hbm>> -> memref<128xi32, #tpu.memory_space<hbm>>
    %dma_wait3A_169 = arith.constant 0 : i32
    %dma_wait3A_170 = tpu.memref_slice %arg18[%dma_wait3A_164, %dma_wait3A_169] : memref<4x128xi32, #tpu.memory_space<vmem>> -> memref<1x128xi32, #tpu.memory_space<vmem>>
    %dma_wait3A_171 = tpu.memref_squeeze %dma_wait3A_170 : memref<1x128xi32, #tpu.memory_space<vmem>> -> memref<128xi32, #tpu.memory_space<vmem>>
    %dma_wait3A_172 = tpu.memref_slice %arg9[%add3A_80] : memref<16384xi32, #tpu.memory_space<hbm>> -> memref<128xi32, #tpu.memory_space<hbm>>
    tpu.wait_dma2 semaphore(%arg36 : memref<!tpu.dma_semaphore, #tpu.memory_space<semaphore_mem>>) src(%dma_wait3A_172 : memref<128xi32, #tpu.memory_space<hbm>>) dst(%dma_wait3A_171 : memref<128xi32, #tpu.memory_space<vmem>>)
    %dma_start3A_173 = arith.constant 0 : i32
    %dma_start3A_174 = arith.constant 0 : i32
    %dma_start3A_175 = tpu.memref_slice %arg22[%dma_start3A_174] : memref<512xf32, #tpu.memory_space<vmem>> -> memref<128xf32, #tpu.memory_space<vmem>>
    %dma_start3A_176 = arith.constant 0 : i32
    %dma_start3A_177 = tpu.memref_slice %arg17[%dma_start3A_173, %dma_start3A_176] : memref<4x128xi32, #tpu.memory_space<vmem>> -> memref<1x128xi32, #tpu.memory_space<vmem>>
    %dma_start3A_178 = tpu.memref_squeeze %dma_start3A_177 : memref<1x128xi32, #tpu.memory_space<vmem>> -> memref<128xi32, #tpu.memory_space<vmem>>
    %dma_start3A_179 = arith.constant 0 : i32
    %dma_start3A_180 = tpu.memref_slice %arg11[%dma_start3A_179] : memref<100000xf32, #tpu.memory_space<hbm>> -> memref<100000xf32, #tpu.memory_space<hbm>>
    tpu.enqueue_indirect_dma source(%dma_start3A_180 : memref<100000xf32, #tpu.memory_space<hbm>>) target(%dma_start3A_175 : memref<128xf32, #tpu.memory_space<vmem>>) offsets(%dma_start3A_178 : memref<128xi32, #tpu.memory_space<vmem>>) semaphore(%arg33 : memref<!tpu.dma_semaphore, #tpu.memory_space<semaphore_mem>>)
    %dma_start3A_181 = arith.constant 0 : i32
    %dma_start3A_182 = arith.constant 0 : i32
    %dma_start3A_183 = tpu.memref_slice %arg23[%dma_start3A_182] : memref<512xf32, #tpu.memory_space<vmem>> -> memref<128xf32, #tpu.memory_space<vmem>>
    %dma_start3A_184 = arith.constant 0 : i32
    %dma_start3A_185 = tpu.memref_slice %arg18[%dma_start3A_181, %dma_start3A_184] : memref<4x128xi32, #tpu.memory_space<vmem>> -> memref<1x128xi32, #tpu.memory_space<vmem>>
    %dma_start3A_186 = tpu.memref_squeeze %dma_start3A_185 : memref<1x128xi32, #tpu.memory_space<vmem>> -> memref<128xi32, #tpu.memory_space<vmem>>
    %dma_start3A_187 = arith.constant 0 : i32
    %dma_start3A_188 = tpu.memref_slice %arg14[%dma_start3A_187] : memref<1000000xf32, #tpu.memory_space<hbm>> -> memref<1000000xf32, #tpu.memory_space<hbm>>
    tpu.enqueue_indirect_dma source(%dma_start3A_188 : memref<1000000xf32, #tpu.memory_space<hbm>>) target(%dma_start3A_183 : memref<128xf32, #tpu.memory_space<vmem>>) offsets(%dma_start3A_186 : memref<128xi32, #tpu.memory_space<vmem>>) semaphore(%arg34 : memref<!tpu.dma_semaphore, #tpu.memory_space<semaphore_mem>>)
    %dma_start3A_189 = arith.constant 1 : i32
    %dma_start3A_190 = arith.constant 128 : i32
    %dma_start3A_191 = tpu.memref_slice %arg22[%dma_start3A_190] : memref<512xf32, #tpu.memory_space<vmem>> -> memref<128xf32, #tpu.memory_space<vmem>>
    %dma_start3A_192 = arith.constant 0 : i32
    %dma_start3A_193 = tpu.memref_slice %arg17[%dma_start3A_189, %dma_start3A_192] : memref<4x128xi32, #tpu.memory_space<vmem>> -> memref<1x128xi32, #tpu.memory_space<vmem>>
    %dma_start3A_194 = tpu.memref_squeeze %dma_start3A_193 : memref<1x128xi32, #tpu.memory_space<vmem>> -> memref<128xi32, #tpu.memory_space<vmem>>
    %dma_start3A_195 = arith.constant 0 : i32
    %dma_start3A_196 = tpu.memref_slice %arg11[%dma_start3A_195] : memref<100000xf32, #tpu.memory_space<hbm>> -> memref<100000xf32, #tpu.memory_space<hbm>>
    tpu.enqueue_indirect_dma source(%dma_start3A_196 : memref<100000xf32, #tpu.memory_space<hbm>>) target(%dma_start3A_191 : memref<128xf32, #tpu.memory_space<vmem>>) offsets(%dma_start3A_194 : memref<128xi32, #tpu.memory_space<vmem>>) semaphore(%arg33 : memref<!tpu.dma_semaphore, #tpu.memory_space<semaphore_mem>>)
    %dma_start3A_197 = arith.constant 1 : i32
    %dma_start3A_198 = arith.constant 128 : i32
    %dma_start3A_199 = tpu.memref_slice %arg23[%dma_start3A_198] : memref<512xf32, #tpu.memory_space<vmem>> -> memref<128xf32, #tpu.memory_space<vmem>>
    %dma_start3A_200 = arith.constant 0 : i32
    %dma_start3A_201 = tpu.memref_slice %arg18[%dma_start3A_197, %dma_start3A_200] : memref<4x128xi32, #tpu.memory_space<vmem>> -> memref<1x128xi32, #tpu.memory_space<vmem>>
    %dma_start3A_202 = tpu.memref_squeeze %dma_start3A_201 : memref<1x128xi32, #tpu.memory_space<vmem>> -> memref<128xi32, #tpu.memory_space<vmem>>
    %dma_start3A_203 = arith.constant 0 : i32
    %dma_start3A_204 = tpu.memref_slice %arg14[%dma_start3A_203] : memref<1000000xf32, #tpu.memory_space<hbm>> -> memref<1000000xf32, #tpu.memory_space<hbm>>
    tpu.enqueue_indirect_dma source(%dma_start3A_204 : memref<1000000xf32, #tpu.memory_space<hbm>>) target(%dma_start3A_199 : memref<128xf32, #tpu.memory_space<vmem>>) offsets(%dma_start3A_202 : memref<128xi32, #tpu.memory_space<vmem>>) semaphore(%arg34 : memref<!tpu.dma_semaphore, #tpu.memory_space<semaphore_mem>>)
    %dma_start3A_205 = arith.constant 2 : i32
    %dma_start3A_206 = arith.constant 256 : i32
    %dma_start3A_207 = tpu.memref_slice %arg22[%dma_start3A_206] : memref<512xf32, #tpu.memory_space<vmem>> -> memref<128xf32, #tpu.memory_space<vmem>>
    %dma_start3A_208 = arith.constant 0 : i32
    %dma_start3A_209 = tpu.memref_slice %arg17[%dma_start3A_205, %dma_start3A_208] : memref<4x128xi32, #tpu.memory_space<vmem>> -> memref<1x128xi32, #tpu.memory_space<vmem>>
    %dma_start3A_210 = tpu.memref_squeeze %dma_start3A_209 : memref<1x128xi32, #tpu.memory_space<vmem>> -> memref<128xi32, #tpu.memory_space<vmem>>
    %dma_start3A_211 = arith.constant 0 : i32
    %dma_start3A_212 = tpu.memref_slice %arg11[%dma_start3A_211] : memref<100000xf32, #tpu.memory_space<hbm>> -> memref<100000xf32, #tpu.memory_space<hbm>>
    tpu.enqueue_indirect_dma source(%dma_start3A_212 : memref<100000xf32, #tpu.memory_space<hbm>>) target(%dma_start3A_207 : memref<128xf32, #tpu.memory_space<vmem>>) offsets(%dma_start3A_210 : memref<128xi32, #tpu.memory_space<vmem>>) semaphore(%arg33 : memref<!tpu.dma_semaphore, #tpu.memory_space<semaphore_mem>>)
    %dma_start3A_213 = arith.constant 2 : i32
    %dma_start3A_214 = arith.constant 256 : i32
    %dma_start3A_215 = tpu.memref_slice %arg23[%dma_start3A_214] : memref<512xf32, #tpu.memory_space<vmem>> -> memref<128xf32, #tpu.memory_space<vmem>>
    %dma_start3A_216 = arith.constant 0 : i32
    %dma_start3A_217 = tpu.memref_slice %arg18[%dma_start3A_213, %dma_start3A_216] : memref<4x128xi32, #tpu.memory_space<vmem>> -> memref<1x128xi32, #tpu.memory_space<vmem>>
    %dma_start3A_218 = tpu.memref_squeeze %dma_start3A_217 : memref<1x128xi32, #tpu.memory_space<vmem>> -> memref<128xi32, #tpu.memory_space<vmem>>
    %dma_start3A_219 = arith.constant 0 : i32
    %dma_start3A_220 = tpu.memref_slice %arg14[%dma_start3A_219] : memref<1000000xf32, #tpu.memory_space<hbm>> -> memref<1000000xf32, #tpu.memory_space<hbm>>
    tpu.enqueue_indirect_dma source(%dma_start3A_220 : memref<1000000xf32, #tpu.memory_space<hbm>>) target(%dma_start3A_215 : memref<128xf32, #tpu.memory_space<vmem>>) offsets(%dma_start3A_218 : memref<128xi32, #tpu.memory_space<vmem>>) semaphore(%arg34 : memref<!tpu.dma_semaphore, #tpu.memory_space<semaphore_mem>>)
    %dma_start3A_221 = arith.constant 3 : i32
    %dma_start3A_222 = arith.constant 384 : i32
    %dma_start3A_223 = tpu.memref_slice %arg22[%dma_start3A_222] : memref<512xf32, #tpu.memory_space<vmem>> -> memref<128xf32, #tpu.memory_space<vmem>>
    %dma_start3A_224 = arith.constant 0 : i32
    %dma_start3A_225 = tpu.memref_slice %arg17[%dma_start3A_221, %dma_start3A_224] : memref<4x128xi32, #tpu.memory_space<vmem>> -> memref<1x128xi32, #tpu.memory_space<vmem>>
    %dma_start3A_226 = tpu.memref_squeeze %dma_start3A_225 : memref<1x128xi32, #tpu.memory_space<vmem>> -> memref<128xi32, #tpu.memory_space<vmem>>
    %dma_start3A_227 = arith.constant 0 : i32
    %dma_start3A_228 = tpu.memref_slice %arg11[%dma_start3A_227] : memref<100000xf32, #tpu.memory_space<hbm>> -> memref<100000xf32, #tpu.memory_space<hbm>>
    tpu.enqueue_indirect_dma source(%dma_start3A_228 : memref<100000xf32, #tpu.memory_space<hbm>>) target(%dma_start3A_223 : memref<128xf32, #tpu.memory_space<vmem>>) offsets(%dma_start3A_226 : memref<128xi32, #tpu.memory_space<vmem>>) semaphore(%arg33 : memref<!tpu.dma_semaphore, #tpu.memory_space<semaphore_mem>>)
    %dma_start3A_229 = arith.constant 3 : i32
    %dma_start3A_230 = arith.constant 384 : i32
    %dma_start3A_231 = tpu.memref_slice %arg23[%dma_start3A_230] : memref<512xf32, #tpu.memory_space<vmem>> -> memref<128xf32, #tpu.memory_space<vmem>>
    %dma_start3A_232 = arith.constant 0 : i32
    %dma_start3A_233 = tpu.memref_slice %arg18[%dma_start3A_229, %dma_start3A_232] : memref<4x128xi32, #tpu.memory_space<vmem>> -> memref<1x128xi32, #tpu.memory_space<vmem>>
    %dma_start3A_234 = tpu.memref_squeeze %dma_start3A_233 : memref<1x128xi32, #tpu.memory_space<vmem>> -> memref<128xi32, #tpu.memory_space<vmem>>
    %dma_start3A_235 = arith.constant 0 : i32
    %dma_start3A_236 = tpu.memref_slice %arg14[%dma_start3A_235] : memref<1000000xf32, #tpu.memory_space<hbm>> -> memref<1000000xf32, #tpu.memory_space<hbm>>
    tpu.enqueue_indirect_dma source(%dma_start3A_236 : memref<1000000xf32, #tpu.memory_space<hbm>>) target(%dma_start3A_231 : memref<128xf32, #tpu.memory_space<vmem>>) offsets(%dma_start3A_234 : memref<128xi32, #tpu.memory_space<vmem>>) semaphore(%arg34 : memref<!tpu.dma_semaphore, #tpu.memory_space<semaphore_mem>>)
    %dma_wait3A_237 = tpu.memref_slice %arg7[%mul3A_2] : memref<16384xi32, #tpu.memory_space<hbm>> -> memref<512xi32, #tpu.memory_space<hbm>>
    %dma_wait3A_238 = tpu.memref_slice %arg7[%mul3A_2] : memref<16384xi32, #tpu.memory_space<hbm>> -> memref<512xi32, #tpu.memory_space<hbm>>
    tpu.wait_dma2 semaphore(%arg37 : memref<!tpu.dma_semaphore, #tpu.memory_space<semaphore_mem>>) src(%dma_wait3A_238 : memref<512xi32, #tpu.memory_space<hbm>>) dst(%arg20 : memref<512xi32, #tpu.memory_space<vmem>>)
    %dma_wait3A_239 = tpu.memref_slice %arg8[%mul3A_2] : memref<16384xi32, #tpu.memory_space<hbm>> -> memref<512xi32, #tpu.memory_space<hbm>>
    %dma_wait3A_240 = tpu.memref_slice %arg8[%mul3A_2] : memref<16384xi32, #tpu.memory_space<hbm>> -> memref<512xi32, #tpu.memory_space<hbm>>
    tpu.wait_dma2 semaphore(%arg37 : memref<!tpu.dma_semaphore, #tpu.memory_space<semaphore_mem>>) src(%dma_wait3A_240 : memref<512xi32, #tpu.memory_space<hbm>>) dst(%arg21 : memref<512xi32, #tpu.memory_space<vmem>>)
    %get3A = arith.constant 0 : index
    %get3A_241 = tpu.vector_load %arg20[%get3A] {strides = array<i32>} : memref<512xi32, #tpu.memory_space<vmem>>, vector<16xi32>,
    %get3A_242 = arith.constant 0 : index
    %get3A_243 = tpu.vector_load %arg21[%get3A_242] {strides = array<i32>} : memref<512xi32, #tpu.memory_space<vmem>>, vector<16xi32>,
    %mul3A_244 = arith.constant 1000 : i32
    %mul3A_245 = vector.broadcast %mul3A_244 : i32 to vector<16xi32>
    %mul3A_246 = arith.muli %get3A_241, %mul3A_245 : vector<16xi32>
    %add3A_247 = arith.addi %mul3A_246, %get3A_243 : vector<16xi32>
    %swap3A = arith.constant 0 : i32
    %swap3A_248 = arith.index_cast %swap3A : i32 to index
    %swap3A_249 = arith.constant 0 : index
    %swap3A_250 = tpu.vector_load %arg19[%swap3A_248, %swap3A_249] {strides = array<i32>} : memref<4x128xi32, #tpu.memory_space<vmem>>, vector<16xi32>,
    tpu.vector_store %arg19[%swap3A_248, %swap3A_249], %add3A_247 {strides = array<i32>} : memref<4x128xi32, #tpu.memory_space<vmem>>, vector<16xi32>,
    %get3A_251 = arith.constant 16 : index
    %get3A_252 = tpu.vector_load %arg20[%get3A_251] {strides = array<i32>} : memref<512xi32, #tpu.memory_space<vmem>>, vector<16xi32>,
    %get3A_253 = arith.constant 16 : index
    %get3A_254 = tpu.vector_load %arg21[%get3A_253] {strides = array<i32>} : memref<512xi32, #tpu.memory_space<vmem>>, vector<16xi32>,
    %mul3A_255 = arith.constant 1000 : i32
    %mul3A_256 = vector.broadcast %mul3A_255 : i32 to vector<16xi32>
    %mul3A_257 = arith.muli %get3A_252, %mul3A_256 : vector<16xi32>
    %add3A_258 = arith.addi %mul3A_257, %get3A_254 : vector<16xi32>
    %swap3A_259 = arith.constant 0 : i32
    %swap3A_260 = arith.index_cast %swap3A_259 : i32 to index
    %swap3A_261 = arith.constant 16 : index
    %swap3A_262 = tpu.vector_load %arg19[%swap3A_260, %swap3A_261] {strides = array<i32>} : memref<4x128xi32, #tpu.memory_space<vmem>>, vector<16xi32>,
    tpu.vector_store %arg19[%swap3A_260, %swap3A_261], %add3A_258 {strides = array<i32>} : memref<4x128xi32, #tpu.memory_space<vmem>>, vector<16xi32>,
    %get3A_263 = arith.constant 32 : index
    %get3A_264 = tpu.vector_load %arg20[%get3A_263] {strides = array<i32>} : memref<512xi32, #tpu.memory_space<vmem>>, vector<16xi32>,
    %get3A_265 = arith.constant 32 : index
    %get3A_266 = tpu.vector_load %arg21[%get3A_265] {strides = array<i32>} : memref<512xi32, #tpu.memory_space<vmem>>, vector<16xi32>,
    %mul3A_267 = arith.constant 1000 : i32
    %mul3A_268 = vector.broadcast %mul3A_267 : i32 to vector<16xi32>
    %mul3A_269 = arith.muli %get3A_264, %mul3A_268 : vector<16xi32>
    %add3A_270 = arith.addi %mul3A_269, %get3A_266 : vector<16xi32>
    %swap3A_271 = arith.constant 0 : i32
    %swap3A_272 = arith.index_cast %swap3A_271 : i32 to index
    %swap3A_273 = arith.constant 32 : index
    %swap3A_274 = tpu.vector_load %arg19[%swap3A_272, %swap3A_273] {strides = array<i32>} : memref<4x128xi32, #tpu.memory_space<vmem>>, vector<16xi32>,
    tpu.vector_store %arg19[%swap3A_272, %swap3A_273], %add3A_270 {strides = array<i32>} : memref<4x128xi32, #tpu.memory_space<vmem>>, vector<16xi32>,
    %get3A_275 = arith.constant 48 : index
    %get3A_276 = tpu.vector_load %arg20[%get3A_275] {strides = array<i32>} : memref<512xi32, #tpu.memory_space<vmem>>, vector<16xi32>,
    %get3A_277 = arith.constant 48 : index
    %get3A_278 = tpu.vector_load %arg21[%get3A_277] {strides = array<i32>} : memref<512xi32, #tpu.memory_space<vmem>>, vector<16xi32>,
    %mul3A_279 = arith.constant 1000 : i32
    %mul3A_280 = vector.broadcast %mul3A_279 : i32 to vector<16xi32>
    %mul3A_281 = arith.muli %get3A_276, %mul3A_280 : vector<16xi32>
    %add3A_282 = arith.addi %mul3A_281, %get3A_278 : vector<16xi32>
    %swap3A_283 = arith.constant 0 : i32
    %swap3A_284 = arith.index_cast %swap3A_283 : i32 to index
    %swap3A_285 = arith.constant 48 : index
    %swap3A_286 = tpu.vector_load %arg19[%swap3A_284, %swap3A_285] {strides = array<i32>} : memref<4x128xi32, #tpu.memory_space<vmem>>, vector<16xi32>,
    tpu.vector_store %arg19[%swap3A_284, %swap3A_285], %add3A_282 {strides = array<i32>} : memref<4x128xi32, #tpu.memory_space<vmem>>, vector<16xi32>,
    %get3A_287 = arith.constant 64 : index
    %get3A_288 = tpu.vector_load %arg20[%get3A_287] {strides = array<i32>} : memref<512xi32, #tpu.memory_space<vmem>>, vector<16xi32>,
    %get3A_289 = arith.constant 64 : index
    %get3A_290 = tpu.vector_load %arg21[%get3A_289] {strides = array<i32>} : memref<512xi32, #tpu.memory_space<vmem>>, vector<16xi32>,
    %mul3A_291 = arith.constant 1000 : i32
    %mul3A_292 = vector.broadcast %mul3A_291 : i32 to vector<16xi32>
    %mul3A_293 = arith.muli %get3A_288, %mul3A_292 : vector<16xi32>
    %add3A_294 = arith.addi %mul3A_293, %get3A_290 : vector<16xi32>
    %swap3A_295 = arith.constant 0 : i32
    %swap3A_296 = arith.index_cast %swap3A_295 : i32 to index
    %swap3A_297 = arith.constant 64 : index
    %swap3A_298 = tpu.vector_load %arg19[%swap3A_296, %swap3A_297] {strides = array<i32>} : memref<4x128xi32, #tpu.memory_space<vmem>>, vector<16xi32>,
    tpu.vector_store %arg19[%swap3A_296, %swap3A_297], %add3A_294 {strides = array<i32>} : memref<4x128xi32, #tpu.memory_space<vmem>>, vector<16xi32>,
    %get3A_299 = arith.constant 80 : index
    %get3A_300 = tpu.vector_load %arg20[%get3A_299] {strides = array<i32>} : memref<512xi32, #tpu.memory_space<vmem>>, vector<16xi32>,
    %get3A_301 = arith.constant 80 : index
    %get3A_302 = tpu.vector_load %arg21[%get3A_301] {strides = array<i32>} : memref<512xi32, #tpu.memory_space<vmem>>, vector<16xi32>,
    %mul3A_303 = arith.constant 1000 : i32
    %mul3A_304 = vector.broadcast %mul3A_303 : i32 to vector<16xi32>
    %mul3A_305 = arith.muli %get3A_300, %mul3A_304 : vector<16xi32>
    %add3A_306 = arith.addi %mul3A_305, %get3A_302 : vector<16xi32>
    %swap3A_307 = arith.constant 0 : i32
    %swap3A_308 = arith.index_cast %swap3A_307 : i32 to index
    %swap3A_309 = arith.constant 80 : index
    %swap3A_310 = tpu.vector_load %arg19[%swap3A_308, %swap3A_309] {strides = array<i32>} : memref<4x128xi32, #tpu.memory_space<vmem>>, vector<16xi32>,
    tpu.vector_store %arg19[%swap3A_308, %swap3A_309], %add3A_306 {strides = array<i32>} : memref<4x128xi32, #tpu.memory_space<vmem>>, vector<16xi32>,
    %get3A_311 = arith.constant 96 : index
    %get3A_312 = tpu.vector_load %arg20[%get3A_311] {strides = array<i32>} : memref<512xi32, #tpu.memory_space<vmem>>, vector<16xi32>,
    %get3A_313 = arith.constant 96 : index
    %get3A_314 = tpu.vector_load %arg21[%get3A_313] {strides = array<i32>} : memref<512xi32, #tpu.memory_space<vmem>>, vector<16xi32>,
    %mul3A_315 = arith.constant 1000 : i32
    %mul3A_316 = vector.broadcast %mul3A_315 : i32 to vector<16xi32>
    %mul3A_317 = arith.muli %get3A_312, %mul3A_316 : vector<16xi32>
    %add3A_318 = arith.addi %mul3A_317, %get3A_314 : vector<16xi32>
    %swap3A_319 = arith.constant 0 : i32
    %swap3A_320 = arith.index_cast %swap3A_319 : i32 to index
    %swap3A_321 = arith.constant 96 : index
    %swap3A_322 = tpu.vector_load %arg19[%swap3A_320, %swap3A_321] {strides = array<i32>} : memref<4x128xi32, #tpu.memory_space<vmem>>, vector<16xi32>,
    tpu.vector_store %arg19[%swap3A_320, %swap3A_321], %add3A_318 {strides = array<i32>} : memref<4x128xi32, #tpu.memory_space<vmem>>, vector<16xi32>,
    %get3A_323 = arith.constant 112 : index
    %get3A_324 = tpu.vector_load %arg20[%get3A_323] {strides = array<i32>} : memref<512xi32, #tpu.memory_space<vmem>>, vector<16xi32>,
    %get3A_325 = arith.constant 112 : index
    %get3A_326 = tpu.vector_load %arg21[%get3A_325] {strides = array<i32>} : memref<512xi32, #tpu.memory_space<vmem>>, vector<16xi32>,
    %mul3A_327 = arith.constant 1000 : i32
    %mul3A_328 = vector.broadcast %mul3A_327 : i32 to vector<16xi32>
    %mul3A_329 = arith.muli %get3A_324, %mul3A_328 : vector<16xi32>
    %add3A_330 = arith.addi %mul3A_329, %get3A_326 : vector<16xi32>
    %swap3A_331 = arith.constant 0 : i32
    %swap3A_332 = arith.index_cast %swap3A_331 : i32 to index
    %swap3A_333 = arith.constant 112 : index
    %swap3A_334 = tpu.vector_load %arg19[%swap3A_332, %swap3A_333] {strides = array<i32>} : memref<4x128xi32, #tpu.memory_space<vmem>>, vector<16xi32>,
    tpu.vector_store %arg19[%swap3A_332, %swap3A_333], %add3A_330 {strides = array<i32>} : memref<4x128xi32, #tpu.memory_space<vmem>>, vector<16xi32>,
    %get3A_335 = arith.constant 128 : index
    %get3A_336 = tpu.vector_load %arg20[%get3A_335] {strides = array<i32>} : memref<512xi32, #tpu.memory_space<vmem>>, vector<16xi32>,
    %get3A_337 = arith.constant 128 : index
    %get3A_338 = tpu.vector_load %arg21[%get3A_337] {strides = array<i32>} : memref<512xi32, #tpu.memory_space<vmem>>, vector<16xi32>,
    %mul3A_339 = arith.constant 1000 : i32
    %mul3A_340 = vector.broadcast %mul3A_339 : i32 to vector<16xi32>
    %mul3A_341 = arith.muli %get3A_336, %mul3A_340 : vector<16xi32>
    %add3A_342 = arith.addi %mul3A_341, %get3A_338 : vector<16xi32>
    %swap3A_343 = arith.constant 1 : i32
    %swap3A_344 = arith.index_cast %swap3A_343 : i32 to index
    %swap3A_345 = arith.constant 0 : index
    %swap3A_346 = tpu.vector_load %arg19[%swap3A_344, %swap3A_345] {strides = array<i32>} : memref<4x128xi32, #tpu.memory_space<vmem>>, vector<16xi32>,
    tpu.vector_store %arg19[%swap3A_344, %swap3A_345], %add3A_342 {strides = array<i32>} : memref<4x128xi32, #tpu.memory_space<vmem>>, vector<16xi32>,
    %get3A_347 = arith.constant 144 : index
    %get3A_348 = tpu.vector_load %arg20[%get3A_347] {strides = array<i32>} : memref<512xi32, #tpu.memory_space<vmem>>, vector<16xi32>,
    %get3A_349 = arith.constant 144 : index
    %get3A_350 = tpu.vector_load %arg21[%get3A_349] {strides = array<i32>} : memref<512xi32, #tpu.memory_space<vmem>>, vector<16xi32>,
    %mul3A_351 = arith.constant 1000 : i32
    %mul3A_352 = vector.broadcast %mul3A_351 : i32 to vector<16xi32>
    %mul3A_353 = arith.muli %get3A_348, %mul3A_352 : vector<16xi32>
    %add3A_354 = arith.addi %mul3A_353, %get3A_350 : vector<16xi32>
    %swap3A_355 = arith.constant 1 : i32
    %swap3A_356 = arith.index_cast %swap3A_355 : i32 to index
    %swap3A_357 = arith.constant 16 : index
    %swap3A_358 = tpu.vector_load %arg19[%swap3A_356, %swap3A_357] {strides = array<i32>} : memref<4x128xi32, #tpu.memory_space<vmem>>, vector<16xi32>,
    tpu.vector_store %arg19[%swap3A_356, %swap3A_357], %add3A_354 {strides = array<i32>} : memref<4x128xi32, #tpu.memory_space<vmem>>, vector<16xi32>,
    %get3A_359 = arith.constant 160 : index
    %get3A_360 = tpu.vector_load %arg20[%get3A_359] {strides = array<i32>} : memref<512xi32, #tpu.memory_space<vmem>>, vector<16xi32>,
    %get3A_361 = arith.constant 160 : index
    %get3A_362 = tpu.vector_load %arg21[%get3A_361] {strides = array<i32>} : memref<512xi32, #tpu.memory_space<vmem>>, vector<16xi32>,
    %mul3A_363 = arith.constant 1000 : i32
    %mul3A_364 = vector.broadcast %mul3A_363 : i32 to vector<16xi32>
    %mul3A_365 = arith.muli %get3A_360, %mul3A_364 : vector<16xi32>
    %add3A_366 = arith.addi %mul3A_365, %get3A_362 : vector<16xi32>
    %swap3A_367 = arith.constant 1 : i32
    %swap3A_368 = arith.index_cast %swap3A_367 : i32 to index
    %swap3A_369 = arith.constant 32 : index
    %swap3A_370 = tpu.vector_load %arg19[%swap3A_368, %swap3A_369] {strides = array<i32>} : memref<4x128xi32, #tpu.memory_space<vmem>>, vector<16xi32>,
    tpu.vector_store %arg19[%swap3A_368, %swap3A_369], %add3A_366 {strides = array<i32>} : memref<4x128xi32, #tpu.memory_space<vmem>>, vector<16xi32>,
    %get3A_371 = arith.constant 176 : index
    %get3A_372 = tpu.vector_load %arg20[%get3A_371] {strides = array<i32>} : memref<512xi32, #tpu.memory_space<vmem>>, vector<16xi32>,
    %get3A_373 = arith.constant 176 : index
    %get3A_374 = tpu.vector_load %arg21[%get3A_373] {strides = array<i32>} : memref<512xi32, #tpu.memory_space<vmem>>, vector<16xi32>,
    %mul3A_375 = arith.constant 1000 : i32
    %mul3A_376 = vector.broadcast %mul3A_375 : i32 to vector<16xi32>
    %mul3A_377 = arith.muli %get3A_372, %mul3A_376 : vector<16xi32>
    %add3A_378 = arith.addi %mul3A_377, %get3A_374 : vector<16xi32>
    %swap3A_379 = arith.constant 1 : i32
    %swap3A_380 = arith.index_cast %swap3A_379 : i32 to index
    %swap3A_381 = arith.constant 48 : index
    %swap3A_382 = tpu.vector_load %arg19[%swap3A_380, %swap3A_381] {strides = array<i32>} : memref<4x128xi32, #tpu.memory_space<vmem>>, vector<16xi32>,
    tpu.vector_store %arg19[%swap3A_380, %swap3A_381], %add3A_378 {strides = array<i32>} : memref<4x128xi32, #tpu.memory_space<vmem>>, vector<16xi32>,
    %get3A_383 = arith.constant 192 : index
    %get3A_384 = tpu.vector_load %arg20[%get3A_383] {strides = array<i32>} : memref<512xi32, #tpu.memory_space<vmem>>, vector<16xi32>,
    %get3A_385 = arith.constant 192 : index
    %get3A_386 = tpu.vector_load %arg21[%get3A_385] {strides = array<i32>} : memref<512xi32, #tpu.memory_space<vmem>>, vector<16xi32>,
    %mul3A_387 = arith.constant 1000 : i32
    %mul3A_388 = vector.broadcast %mul3A_387 : i32 to vector<16xi32>
    %mul3A_389 = arith.muli %get3A_384, %mul3A_388 : vector<16xi32>
    %add3A_390 = arith.addi %mul3A_389, %get3A_386 : vector<16xi32>
    %swap3A_391 = arith.constant 1 : i32
    %swap3A_392 = arith.index_cast %swap3A_391 : i32 to index
    %swap3A_393 = arith.constant 64 : index
    %swap3A_394 = tpu.vector_load %arg19[%swap3A_392, %swap3A_393] {strides = array<i32>} : memref<4x128xi32, #tpu.memory_space<vmem>>, vector<16xi32>,
    tpu.vector_store %arg19[%swap3A_392, %swap3A_393], %add3A_390 {strides = array<i32>} : memref<4x128xi32, #tpu.memory_space<vmem>>, vector<16xi32>,
    %get3A_395 = arith.constant 208 : index
    %get3A_396 = tpu.vector_load %arg20[%get3A_395] {strides = array<i32>} : memref<512xi32, #tpu.memory_space<vmem>>, vector<16xi32>,
    %get3A_397 = arith.constant 208 : index
    %get3A_398 = tpu.vector_load %arg21[%get3A_397] {strides = array<i32>} : memref<512xi32, #tpu.memory_space<vmem>>, vector<16xi32>,
    %mul3A_399 = arith.constant 1000 : i32
    %mul3A_400 = vector.broadcast %mul3A_399 : i32 to vector<16xi32>
    %mul3A_401 = arith.muli %get3A_396, %mul3A_400 : vector<16xi32>
    %add3A_402 = arith.addi %mul3A_401, %get3A_398 : vector<16xi32>
    %swap3A_403 = arith.constant 1 : i32
    %swap3A_404 = arith.index_cast %swap3A_403 : i32 to index
    %swap3A_405 = arith.constant 80 : index
    %swap3A_406 = tpu.vector_load %arg19[%swap3A_404, %swap3A_405] {strides = array<i32>} : memref<4x128xi32, #tpu.memory_space<vmem>>, vector<16xi32>,
    tpu.vector_store %arg19[%swap3A_404, %swap3A_405], %add3A_402 {strides = array<i32>} : memref<4x128xi32, #tpu.memory_space<vmem>>, vector<16xi32>,
    %get3A_407 = arith.constant 224 : index
    %get3A_408 = tpu.vector_load %arg20[%get3A_407] {strides = array<i32>} : memref<512xi32, #tpu.memory_space<vmem>>, vector<16xi32>,
    %get3A_409 = arith.constant 224 : index
    %get3A_410 = tpu.vector_load %arg21[%get3A_409] {strides = array<i32>} : memref<512xi32, #tpu.memory_space<vmem>>, vector<16xi32>,
    %mul3A_411 = arith.constant 1000 : i32
    %mul3A_412 = vector.broadcast %mul3A_411 : i32 to vector<16xi32>
    %mul3A_413 = arith.muli %get3A_408, %mul3A_412 : vector<16xi32>
    %add3A_414 = arith.addi %mul3A_413, %get3A_410 : vector<16xi32>
    %swap3A_415 = arith.constant 1 : i32
    %swap3A_416 = arith.index_cast %swap3A_415 : i32 to index
    %swap3A_417 = arith.constant 96 : index
    %swap3A_418 = tpu.vector_load %arg19[%swap3A_416, %swap3A_417] {strides = array<i32>} : memref<4x128xi32, #tpu.memory_space<vmem>>, vector<16xi32>,
    tpu.vector_store %arg19[%swap3A_416, %swap3A_417], %add3A_414 {strides = array<i32>} : memref<4x128xi32, #tpu.memory_space<vmem>>, vector<16xi32>,
    %get3A_419 = arith.constant 240 : index
    %get3A_420 = tpu.vector_load %arg20[%get3A_419] {strides = array<i32>} : memref<512xi32, #tpu.memory_space<vmem>>, vector<16xi32>,
    %get3A_421 = arith.constant 240 : index
    %get3A_422 = tpu.vector_load %arg21[%get3A_421] {strides = array<i32>} : memref<512xi32, #tpu.memory_space<vmem>>, vector<16xi32>,
    %mul3A_423 = arith.constant 1000 : i32
    %mul3A_424 = vector.broadcast %mul3A_423 : i32 to vector<16xi32>
    %mul3A_425 = arith.muli %get3A_420, %mul3A_424 : vector<16xi32>
    %add3A_426 = arith.addi %mul3A_425, %get3A_422 : vector<16xi32>
    %swap3A_427 = arith.constant 1 : i32
    %swap3A_428 = arith.index_cast %swap3A_427 : i32 to index
    %swap3A_429 = arith.constant 112 : index
    %swap3A_430 = tpu.vector_load %arg19[%swap3A_428, %swap3A_429] {strides = array<i32>} : memref<4x128xi32, #tpu.memory_space<vmem>>, vector<16xi32>,
    tpu.vector_store %arg19[%swap3A_428, %swap3A_429], %add3A_426 {strides = array<i32>} : memref<4x128xi32, #tpu.memory_space<vmem>>, vector<16xi32>,
    %get3A_431 = arith.constant 256 : index
    %get3A_432 = tpu.vector_load %arg20[%get3A_431] {strides = array<i32>} : memref<512xi32, #tpu.memory_space<vmem>>, vector<16xi32>,
    %get3A_433 = arith.constant 256 : index
    %get3A_434 = tpu.vector_load %arg21[%get3A_433] {strides = array<i32>} : memref<512xi32, #tpu.memory_space<vmem>>, vector<16xi32>,
    %mul3A_435 = arith.constant 1000 : i32
    %mul3A_436 = vector.broadcast %mul3A_435 : i32 to vector<16xi32>
    %mul3A_437 = arith.muli %get3A_432, %mul3A_436 : vector<16xi32>
    %add3A_438 = arith.addi %mul3A_437, %get3A_434 : vector<16xi32>
    %swap3A_439 = arith.constant 2 : i32
    %swap3A_440 = arith.index_cast %swap3A_439 : i32 to index
    %swap3A_441 = arith.constant 0 : index
    %swap3A_442 = tpu.vector_load %arg19[%swap3A_440, %swap3A_441] {strides = array<i32>} : memref<4x128xi32, #tpu.memory_space<vmem>>, vector<16xi32>,
    tpu.vector_store %arg19[%swap3A_440, %swap3A_441], %add3A_438 {strides = array<i32>} : memref<4x128xi32, #tpu.memory_space<vmem>>, vector<16xi32>,
    %get3A_443 = arith.constant 272 : index
    %get3A_444 = tpu.vector_load %arg20[%get3A_443] {strides = array<i32>} : memref<512xi32, #tpu.memory_space<vmem>>, vector<16xi32>,
    %get3A_445 = arith.constant 272 : index
    %get3A_446 = tpu.vector_load %arg21[%get3A_445] {strides = array<i32>} : memref<512xi32, #tpu.memory_space<vmem>>, vector<16xi32>,
    %mul3A_447 = arith.constant 1000 : i32
    %mul3A_448 = vector.broadcast %mul3A_447 : i32 to vector<16xi32>
    %mul3A_449 = arith.muli %get3A_444, %mul3A_448 : vector<16xi32>
    %add3A_450 = arith.addi %mul3A_449, %get3A_446 : vector<16xi32>
    %swap3A_451 = arith.constant 2 : i32
    %swap3A_452 = arith.index_cast %swap3A_451 : i32 to index
    %swap3A_453 = arith.constant 16 : index
    %swap3A_454 = tpu.vector_load %arg19[%swap3A_452, %swap3A_453] {strides = array<i32>} : memref<4x128xi32, #tpu.memory_space<vmem>>, vector<16xi32>,
    tpu.vector_store %arg19[%swap3A_452, %swap3A_453], %add3A_450 {strides = array<i32>} : memref<4x128xi32, #tpu.memory_space<vmem>>, vector<16xi32>,
    %get3A_455 = arith.constant 288 : index
    %get3A_456 = tpu.vector_load %arg20[%get3A_455] {strides = array<i32>} : memref<512xi32, #tpu.memory_space<vmem>>, vector<16xi32>,
    %get3A_457 = arith.constant 288 : index
    %get3A_458 = tpu.vector_load %arg21[%get3A_457] {strides = array<i32>} : memref<512xi32, #tpu.memory_space<vmem>>, vector<16xi32>,
    %mul3A_459 = arith.constant 1000 : i32
    %mul3A_460 = vector.broadcast %mul3A_459 : i32 to vector<16xi32>
    %mul3A_461 = arith.muli %get3A_456, %mul3A_460 : vector<16xi32>
    %add3A_462 = arith.addi %mul3A_461, %get3A_458 : vector<16xi32>
    %swap3A_463 = arith.constant 2 : i32
    %swap3A_464 = arith.index_cast %swap3A_463 : i32 to index
    %swap3A_465 = arith.constant 32 : index
    %swap3A_466 = tpu.vector_load %arg19[%swap3A_464, %swap3A_465] {strides = array<i32>} : memref<4x128xi32, #tpu.memory_space<vmem>>, vector<16xi32>,
    tpu.vector_store %arg19[%swap3A_464, %swap3A_465], %add3A_462 {strides = array<i32>} : memref<4x128xi32, #tpu.memory_space<vmem>>, vector<16xi32>,
    %get3A_467 = arith.constant 304 : index
    %get3A_468 = tpu.vector_load %arg20[%get3A_467] {strides = array<i32>} : memref<512xi32, #tpu.memory_space<vmem>>, vector<16xi32>,
    %get3A_469 = arith.constant 304 : index
    %get3A_470 = tpu.vector_load %arg21[%get3A_469] {strides = array<i32>} : memref<512xi32, #tpu.memory_space<vmem>>, vector<16xi32>,
    %mul3A_471 = arith.constant 1000 : i32
    %mul3A_472 = vector.broadcast %mul3A_471 : i32 to vector<16xi32>
    %mul3A_473 = arith.muli %get3A_468, %mul3A_472 : vector<16xi32>
    %add3A_474 = arith.addi %mul3A_473, %get3A_470 : vector<16xi32>
    %swap3A_475 = arith.constant 2 : i32
    %swap3A_476 = arith.index_cast %swap3A_475 : i32 to index
    %swap3A_477 = arith.constant 48 : index
    %swap3A_478 = tpu.vector_load %arg19[%swap3A_476, %swap3A_477] {strides = array<i32>} : memref<4x128xi32, #tpu.memory_space<vmem>>, vector<16xi32>,
    tpu.vector_store %arg19[%swap3A_476, %swap3A_477], %add3A_474 {strides = array<i32>} : memref<4x128xi32, #tpu.memory_space<vmem>>, vector<16xi32>,
    %get3A_479 = arith.constant 320 : index
    %get3A_480 = tpu.vector_load %arg20[%get3A_479] {strides = array<i32>} : memref<512xi32, #tpu.memory_space<vmem>>, vector<16xi32>,
    %get3A_481 = arith.constant 320 : index
    %get3A_482 = tpu.vector_load %arg21[%get3A_481] {strides = array<i32>} : memref<512xi32, #tpu.memory_space<vmem>>, vector<16xi32>,
    %mul3A_483 = arith.constant 1000 : i32
    %mul3A_484 = vector.broadcast %mul3A_483 : i32 to vector<16xi32>
    %mul3A_485 = arith.muli %get3A_480, %mul3A_484 : vector<16xi32>
    %add3A_486 = arith.addi %mul3A_485, %get3A_482 : vector<16xi32>
    %swap3A_487 = arith.constant 2 : i32
    %swap3A_488 = arith.index_cast %swap3A_487 : i32 to index
    %swap3A_489 = arith.constant 64 : index
    %swap3A_490 = tpu.vector_load %arg19[%swap3A_488, %swap3A_489] {strides = array<i32>} : memref<4x128xi32, #tpu.memory_space<vmem>>, vector<16xi32>,
    tpu.vector_store %arg19[%swap3A_488, %swap3A_489], %add3A_486 {strides = array<i32>} : memref<4x128xi32, #tpu.memory_space<vmem>>, vector<16xi32>,
    %get3A_491 = arith.constant 336 : index
    %get3A_492 = tpu.vector_load %arg20[%get3A_491] {strides = array<i32>} : memref<512xi32, #tpu.memory_space<vmem>>, vector<16xi32>,
    %get3A_493 = arith.constant 336 : index
    %get3A_494 = tpu.vector_load %arg21[%get3A_493] {strides = array<i32>} : memref<512xi32, #tpu.memory_space<vmem>>, vector<16xi32>,
    %mul3A_495 = arith.constant 1000 : i32
    %mul3A_496 = vector.broadcast %mul3A_495 : i32 to vector<16xi32>
    %mul3A_497 = arith.muli %get3A_492, %mul3A_496 : vector<16xi32>
    %add3A_498 = arith.addi %mul3A_497, %get3A_494 : vector<16xi32>
    %swap3A_499 = arith.constant 2 : i32
    %swap3A_500 = arith.index_cast %swap3A_499 : i32 to index
    %swap3A_501 = arith.constant 80 : index
    %swap3A_502 = tpu.vector_load %arg19[%swap3A_500, %swap3A_501] {strides = array<i32>} : memref<4x128xi32, #tpu.memory_space<vmem>>, vector<16xi32>,
    tpu.vector_store %arg19[%swap3A_500, %swap3A_501], %add3A_498 {strides = array<i32>} : memref<4x128xi32, #tpu.memory_space<vmem>>, vector<16xi32>,
    %get3A_503 = arith.constant 352 : index
    %get3A_504 = tpu.vector_load %arg20[%get3A_503] {strides = array<i32>} : memref<512xi32, #tpu.memory_space<vmem>>, vector<16xi32>,
    %get3A_505 = arith.constant 352 : index
    %get3A_506 = tpu.vector_load %arg21[%get3A_505] {strides = array<i32>} : memref<512xi32, #tpu.memory_space<vmem>>, vector<16xi32>,
    %mul3A_507 = arith.constant 1000 : i32
    %mul3A_508 = vector.broadcast %mul3A_507 : i32 to vector<16xi32>
    %mul3A_509 = arith.muli %get3A_504, %mul3A_508 : vector<16xi32>
    %add3A_510 = arith.addi %mul3A_509, %get3A_506 : vector<16xi32>
    %swap3A_511 = arith.constant 2 : i32
    %swap3A_512 = arith.index_cast %swap3A_511 : i32 to index
    %swap3A_513 = arith.constant 96 : index
    %swap3A_514 = tpu.vector_load %arg19[%swap3A_512, %swap3A_513] {strides = array<i32>} : memref<4x128xi32, #tpu.memory_space<vmem>>, vector<16xi32>,
    tpu.vector_store %arg19[%swap3A_512, %swap3A_513], %add3A_510 {strides = array<i32>} : memref<4x128xi32, #tpu.memory_space<vmem>>, vector<16xi32>,
    %get3A_515 = arith.constant 368 : index
    %get3A_516 = tpu.vector_load %arg20[%get3A_515] {strides = array<i32>} : memref<512xi32, #tpu.memory_space<vmem>>, vector<16xi32>,
    %get3A_517 = arith.constant 368 : index
    %get3A_518 = tpu.vector_load %arg21[%get3A_517] {strides = array<i32>} : memref<512xi32, #tpu.memory_space<vmem>>, vector<16xi32>,
    %mul3A_519 = arith.constant 1000 : i32
    %mul3A_520 = vector.broadcast %mul3A_519 : i32 to vector<16xi32>
    %mul3A_521 = arith.muli %get3A_516, %mul3A_520 : vector<16xi32>
    %add3A_522 = arith.addi %mul3A_521, %get3A_518 : vector<16xi32>
    %swap3A_523 = arith.constant 2 : i32
    %swap3A_524 = arith.index_cast %swap3A_523 : i32 to index
    %swap3A_525 = arith.constant 112 : index
    %swap3A_526 = tpu.vector_load %arg19[%swap3A_524, %swap3A_525] {strides = array<i32>} : memref<4x128xi32, #tpu.memory_space<vmem>>, vector<16xi32>,
    tpu.vector_store %arg19[%swap3A_524, %swap3A_525], %add3A_522 {strides = array<i32>} : memref<4x128xi32, #tpu.memory_space<vmem>>, vector<16xi32>,
    %get3A_527 = arith.constant 384 : index
    %get3A_528 = tpu.vector_load %arg20[%get3A_527] {strides = array<i32>} : memref<512xi32, #tpu.memory_space<vmem>>, vector<16xi32>,
    %get3A_529 = arith.constant 384 : index
    %get3A_530 = tpu.vector_load %arg21[%get3A_529] {strides = array<i32>} : memref<512xi32, #tpu.memory_space<vmem>>, vector<16xi32>,
    %mul3A_531 = arith.constant 1000 : i32
    %mul3A_532 = vector.broadcast %mul3A_531 : i32 to vector<16xi32>
    %mul3A_533 = arith.muli %get3A_528, %mul3A_532 : vector<16xi32>
    %add3A_534 = arith.addi %mul3A_533, %get3A_530 : vector<16xi32>
    %swap3A_535 = arith.constant 3 : i32
    %swap3A_536 = arith.index_cast %swap3A_535 : i32 to index
    %swap3A_537 = arith.constant 0 : index
    %swap3A_538 = tpu.vector_load %arg19[%swap3A_536, %swap3A_537] {strides = array<i32>} : memref<4x128xi32, #tpu.memory_space<vmem>>, vector<16xi32>,
    tpu.vector_store %arg19[%swap3A_536, %swap3A_537], %add3A_534 {strides = array<i32>} : memref<4x128xi32, #tpu.memory_space<vmem>>, vector<16xi32>,
    %get3A_539 = arith.constant 400 : index
    %get3A_540 = tpu.vector_load %arg20[%get3A_539] {strides = array<i32>} : memref<512xi32, #tpu.memory_space<vmem>>, vector<16xi32>,
    %get3A_541 = arith.constant 400 : index
    %get3A_542 = tpu.vector_load %arg21[%get3A_541] {strides = array<i32>} : memref<512xi32, #tpu.memory_space<vmem>>, vector<16xi32>,
    %mul3A_543 = arith.constant 1000 : i32
    %mul3A_544 = vector.broadcast %mul3A_543 : i32 to vector<16xi32>
    %mul3A_545 = arith.muli %get3A_540, %mul3A_544 : vector<16xi32>
    %add3A_546 = arith.addi %mul3A_545, %get3A_542 : vector<16xi32>
    %swap3A_547 = arith.constant 3 : i32
    %swap3A_548 = arith.index_cast %swap3A_547 : i32 to index
    %swap3A_549 = arith.constant 16 : index
    %swap3A_550 = tpu.vector_load %arg19[%swap3A_548, %swap3A_549] {strides = array<i32>} : memref<4x128xi32, #tpu.memory_space<vmem>>, vector<16xi32>,
    tpu.vector_store %arg19[%swap3A_548, %swap3A_549], %add3A_546 {strides = array<i32>} : memref<4x128xi32, #tpu.memory_space<vmem>>, vector<16xi32>,
    %get3A_551 = arith.constant 416 : index
    %get3A_552 = tpu.vector_load %arg20[%get3A_551] {strides = array<i32>} : memref<512xi32, #tpu.memory_space<vmem>>, vector<16xi32>,
    %get3A_553 = arith.constant 416 : index
    %get3A_554 = tpu.vector_load %arg21[%get3A_553] {strides = array<i32>} : memref<512xi32, #tpu.memory_space<vmem>>, vector<16xi32>,
    %mul3A_555 = arith.constant 1000 : i32
    %mul3A_556 = vector.broadcast %mul3A_555 : i32 to vector<16xi32>
    %mul3A_557 = arith.muli %get3A_552, %mul3A_556 : vector<16xi32>
    %add3A_558 = arith.addi %mul3A_557, %get3A_554 : vector<16xi32>
    %swap3A_559 = arith.constant 3 : i32
    %swap3A_560 = arith.index_cast %swap3A_559 : i32 to index
    %swap3A_561 = arith.constant 32 : index
    %swap3A_562 = tpu.vector_load %arg19[%swap3A_560, %swap3A_561] {strides = array<i32>} : memref<4x128xi32, #tpu.memory_space<vmem>>, vector<16xi32>,
    tpu.vector_store %arg19[%swap3A_560, %swap3A_561], %add3A_558 {strides = array<i32>} : memref<4x128xi32, #tpu.memory_space<vmem>>, vector<16xi32>,
    %get3A_563 = arith.constant 432 : index
    %get3A_564 = tpu.vector_load %arg20[%get3A_563] {strides = array<i32>} : memref<512xi32, #tpu.memory_space<vmem>>, vector<16xi32>,
    %get3A_565 = arith.constant 432 : index
    %get3A_566 = tpu.vector_load %arg21[%get3A_565] {strides = array<i32>} : memref<512xi32, #tpu.memory_space<vmem>>, vector<16xi32>,
    %mul3A_567 = arith.constant 1000 : i32
    %mul3A_568 = vector.broadcast %mul3A_567 : i32 to vector<16xi32>
    %mul3A_569 = arith.muli %get3A_564, %mul3A_568 : vector<16xi32>
    %add3A_570 = arith.addi %mul3A_569, %get3A_566 : vector<16xi32>
    %swap3A_571 = arith.constant 3 : i32
    %swap3A_572 = arith.index_cast %swap3A_571 : i32 to index
    %swap3A_573 = arith.constant 48 : index
    %swap3A_574 = tpu.vector_load %arg19[%swap3A_572, %swap3A_573] {strides = array<i32>} : memref<4x128xi32, #tpu.memory_space<vmem>>, vector<16xi32>,
    tpu.vector_store %arg19[%swap3A_572, %swap3A_573], %add3A_570 {strides = array<i32>} : memref<4x128xi32, #tpu.memory_space<vmem>>, vector<16xi32>,
    %get3A_575 = arith.constant 448 : index
    %get3A_576 = tpu.vector_load %arg20[%get3A_575] {strides = array<i32>} : memref<512xi32, #tpu.memory_space<vmem>>, vector<16xi32>,
    %get3A_577 = arith.constant 448 : index
    %get3A_578 = tpu.vector_load %arg21[%get3A_577] {strides = array<i32>} : memref<512xi32, #tpu.memory_space<vmem>>, vector<16xi32>,
    %mul3A_579 = arith.constant 1000 : i32
    %mul3A_580 = vector.broadcast %mul3A_579 : i32 to vector<16xi32>
    %mul3A_581 = arith.muli %get3A_576, %mul3A_580 : vector<16xi32>
    %add3A_582 = arith.addi %mul3A_581, %get3A_578 : vector<16xi32>
    %swap3A_583 = arith.constant 3 : i32
    %swap3A_584 = arith.index_cast %swap3A_583 : i32 to index
    %swap3A_585 = arith.constant 64 : index
    %swap3A_586 = tpu.vector_load %arg19[%swap3A_584, %swap3A_585] {strides = array<i32>} : memref<4x128xi32, #tpu.memory_space<vmem>>, vector<16xi32>,
    tpu.vector_store %arg19[%swap3A_584, %swap3A_585], %add3A_582 {strides = array<i32>} : memref<4x128xi32, #tpu.memory_space<vmem>>, vector<16xi32>,
    %get3A_587 = arith.constant 464 : index
    %get3A_588 = tpu.vector_load %arg20[%get3A_587] {strides = array<i32>} : memref<512xi32, #tpu.memory_space<vmem>>, vector<16xi32>,
    %get3A_589 = arith.constant 464 : index
    %get3A_590 = tpu.vector_load %arg21[%get3A_589] {strides = array<i32>} : memref<512xi32, #tpu.memory_space<vmem>>, vector<16xi32>,
    %mul3A_591 = arith.constant 1000 : i32
    %mul3A_592 = vector.broadcast %mul3A_591 : i32 to vector<16xi32>
    %mul3A_593 = arith.muli %get3A_588, %mul3A_592 : vector<16xi32>
    %add3A_594 = arith.addi %mul3A_593, %get3A_590 : vector<16xi32>
    %swap3A_595 = arith.constant 3 : i32
    %swap3A_596 = arith.index_cast %swap3A_595 : i32 to index
    %swap3A_597 = arith.constant 80 : index
    %swap3A_598 = tpu.vector_load %arg19[%swap3A_596, %swap3A_597] {strides = array<i32>} : memref<4x128xi32, #tpu.memory_space<vmem>>, vector<16xi32>,
    tpu.vector_store %arg19[%swap3A_596, %swap3A_597], %add3A_594 {strides = array<i32>} : memref<4x128xi32, #tpu.memory_space<vmem>>, vector<16xi32>,
    %get3A_599 = arith.constant 480 : index
    %get3A_600 = tpu.vector_load %arg20[%get3A_599] {strides = array<i32>} : memref<512xi32, #tpu.memory_space<vmem>>, vector<16xi32>,
    %get3A_601 = arith.constant 480 : index
    %get3A_602 = tpu.vector_load %arg21[%get3A_601] {strides = array<i32>} : memref<512xi32, #tpu.memory_space<vmem>>, vector<16xi32>,
    %mul3A_603 = arith.constant 1000 : i32
    %mul3A_604 = vector.broadcast %mul3A_603 : i32 to vector<16xi32>
    %mul3A_605 = arith.muli %get3A_600, %mul3A_604 : vector<16xi32>
    %add3A_606 = arith.addi %mul3A_605, %get3A_602 : vector<16xi32>
    %swap3A_607 = arith.constant 3 : i32
    %swap3A_608 = arith.index_cast %swap3A_607 : i32 to index
    %swap3A_609 = arith.constant 96 : index
    %swap3A_610 = tpu.vector_load %arg19[%swap3A_608, %swap3A_609] {strides = array<i32>} : memref<4x128xi32, #tpu.memory_space<vmem>>, vector<16xi32>,
    tpu.vector_store %arg19[%swap3A_608, %swap3A_609], %add3A_606 {strides = array<i32>} : memref<4x128xi32, #tpu.memory_space<vmem>>, vector<16xi32>,
    %get3A_611 = arith.constant 496 : index
    %get3A_612 = tpu.vector_load %arg20[%get3A_611] {strides = array<i32>} : memref<512xi32, #tpu.memory_space<vmem>>, vector<16xi32>,
    %get3A_613 = arith.constant 496 : index
    %get3A_614 = tpu.vector_load %arg21[%get3A_613] {strides = array<i32>} : memref<512xi32, #tpu.memory_space<vmem>>, vector<16xi32>,
    %mul3A_615 = arith.constant 1000 : i32
    %mul3A_616 = vector.broadcast %mul3A_615 : i32 to vector<16xi32>
    %mul3A_617 = arith.muli %get3A_612, %mul3A_616 : vector<16xi32>
    %add3A_618 = arith.addi %mul3A_617, %get3A_614 : vector<16xi32>
    %swap3A_619 = arith.constant 3 : i32
    %swap3A_620 = arith.index_cast %swap3A_619 : i32 to index
    %swap3A_621 = arith.constant 112 : index
    %swap3A_622 = tpu.vector_load %arg19[%swap3A_620, %swap3A_621] {strides = array<i32>} : memref<4x128xi32, #tpu.memory_space<vmem>>, vector<16xi32>,
    tpu.vector_store %arg19[%swap3A_620, %swap3A_621], %add3A_618 {strides = array<i32>} : memref<4x128xi32, #tpu.memory_space<vmem>>, vector<16xi32>,
    %dma_start3A_623 = arith.constant 0 : i32
    %dma_start3A_624 = arith.constant 0 : i32
    %dma_start3A_625 = tpu.memref_slice %arg24[%dma_start3A_624] : memref<512xf32, #tpu.memory_space<vmem>> -> memref<128xf32, #tpu.memory_space<vmem>>
    %dma_start3A_626 = arith.constant 0 : i32
    %dma_start3A_627 = tpu.memref_slice %arg19[%dma_start3A_623, %dma_start3A_626] : memref<4x128xi32, #tpu.memory_space<vmem>> -> memref<1x128xi32, #tpu.memory_space<vmem>>
    %dma_start3A_628 = tpu.memref_squeeze %dma_start3A_627 : memref<1x128xi32, #tpu.memory_space<vmem>> -> memref<128xi32, #tpu.memory_space<vmem>>
    %dma_start3A_629 = arith.constant 0 : i32
    %dma_start3A_630 = tpu.memref_slice %arg15[%dma_start3A_629] : memref<1000000xf32, #tpu.memory_space<hbm>> -> memref<1000000xf32, #tpu.memory_space<hbm>>
    tpu.enqueue_indirect_dma source(%dma_start3A_630 : memref<1000000xf32, #tpu.memory_space<hbm>>) target(%dma_start3A_625 : memref<128xf32, #tpu.memory_space<vmem>>) offsets(%dma_start3A_628 : memref<128xi32, #tpu.memory_space<vmem>>) semaphore(%arg35 : memref<!tpu.dma_semaphore, #tpu.memory_space<semaphore_mem>>)
    %dma_start3A_631 = arith.constant 1 : i32
    %dma_start3A_632 = arith.constant 128 : i32
    %dma_start3A_633 = tpu.memref_slice %arg24[%dma_start3A_632] : memref<512xf32, #tpu.memory_space<vmem>> -> memref<128xf32, #tpu.memory_space<vmem>>
    %dma_start3A_634 = arith.constant 0 : i32
    %dma_start3A_635 = tpu.memref_slice %arg19[%dma_start3A_631, %dma_start3A_634] : memref<4x128xi32, #tpu.memory_space<vmem>> -> memref<1x128xi32, #tpu.memory_space<vmem>>
    %dma_start3A_636 = tpu.memref_squeeze %dma_start3A_635 : memref<1x128xi32, #tpu.memory_space<vmem>> -> memref<128xi32, #tpu.memory_space<vmem>>
    %dma_start3A_637 = arith.constant 0 : i32
    %dma_start3A_638 = tpu.memref_slice %arg15[%dma_start3A_637] : memref<1000000xf32, #tpu.memory_space<hbm>> -> memref<1000000xf32, #tpu.memory_space<hbm>>
    tpu.enqueue_indirect_dma source(%dma_start3A_638 : memref<1000000xf32, #tpu.memory_space<hbm>>) target(%dma_start3A_633 : memref<128xf32, #tpu.memory_space<vmem>>) offsets(%dma_start3A_636 : memref<128xi32, #tpu.memory_space<vmem>>) semaphore(%arg35 : memref<!tpu.dma_semaphore, #tpu.memory_space<semaphore_mem>>)
    %dma_start3A_639 = arith.constant 2 : i32
    %dma_start3A_640 = arith.constant 256 : i32
    %dma_start3A_641 = tpu.memref_slice %arg24[%dma_start3A_640] : memref<512xf32, #tpu.memory_space<vmem>> -> memref<128xf32, #tpu.memory_space<vmem>>
    %dma_start3A_642 = arith.constant 0 : i32
    %dma_start3A_643 = tpu.memref_slice %arg19[%dma_start3A_639, %dma_start3A_642] : memref<4x128xi32, #tpu.memory_space<vmem>> -> memref<1x128xi32, #tpu.memory_space<vmem>>
    %dma_start3A_644 = tpu.memref_squeeze %dma_start3A_643 : memref<1x128xi32, #tpu.memory_space<vmem>> -> memref<128xi32, #tpu.memory_space<vmem>>
    %dma_start3A_645 = arith.constant 0 : i32
    %dma_start3A_646 = tpu.memref_slice %arg15[%dma_start3A_645] : memref<1000000xf32, #tpu.memory_space<hbm>> -> memref<1000000xf32, #tpu.memory_space<hbm>>
    tpu.enqueue_indirect_dma source(%dma_start3A_646 : memref<1000000xf32, #tpu.memory_space<hbm>>) target(%dma_start3A_641 : memref<128xf32, #tpu.memory_space<vmem>>) offsets(%dma_start3A_644 : memref<128xi32, #tpu.memory_space<vmem>>) semaphore(%arg35 : memref<!tpu.dma_semaphore, #tpu.memory_space<semaphore_mem>>)
    %dma_start3A_647 = arith.constant 3 : i32
    %dma_start3A_648 = arith.constant 384 : i32
    %dma_start3A_649 = tpu.memref_slice %arg24[%dma_start3A_648] : memref<512xf32, #tpu.memory_space<vmem>> -> memref<128xf32, #tpu.memory_space<vmem>>
    %dma_start3A_650 = arith.constant 0 : i32
    %dma_start3A_651 = tpu.memref_slice %arg19[%dma_start3A_647, %dma_start3A_650] : memref<4x128xi32, #tpu.memory_space<vmem>> -> memref<1x128xi32, #tpu.memory_space<vmem>>
    %dma_start3A_652 = tpu.memref_squeeze %dma_start3A_651 : memref<1x128xi32, #tpu.memory_space<vmem>> -> memref<128xi32, #tpu.memory_space<vmem>>
    %dma_start3A_653 = arith.constant 0 : i32
    %dma_start3A_654 = tpu.memref_slice %arg15[%dma_start3A_653] : memref<1000000xf32, #tpu.memory_space<hbm>> -> memref<1000000xf32, #tpu.memory_space<hbm>>
    tpu.enqueue_indirect_dma source(%dma_start3A_654 : memref<1000000xf32, #tpu.memory_space<hbm>>) target(%dma_start3A_649 : memref<128xf32, #tpu.memory_space<vmem>>) offsets(%dma_start3A_652 : memref<128xi32, #tpu.memory_space<vmem>>) semaphore(%arg35 : memref<!tpu.dma_semaphore, #tpu.memory_space<semaphore_mem>>)
    tpu.wait_dma2 semaphore(%arg38 : memref<!tpu.dma_semaphore, #tpu.memory_space<semaphore_mem>>) src(%arg12 : memref<1024xf32, #tpu.memory_space<hbm>>) dst(%arg25 : memref<1024xf32, #tpu.memory_space<vmem>>)
    tpu.wait_dma2 semaphore(%arg38 : memref<!tpu.dma_semaphore, #tpu.memory_space<semaphore_mem>>) src(%arg13 : memref<1024xf32, #tpu.memory_space<hbm>>) dst(%arg26 : memref<1024xf32, #tpu.memory_space<vmem>>)
    %dma_wait3A_655 = tpu.memref_slice %arg2[%mul3A_2] : memref<16384xf32, #tpu.memory_space<hbm>> -> memref<512xf32, #tpu.memory_space<hbm>>
    %dma_wait3A_656 = tpu.memref_slice %arg2[%mul3A_2] : memref<16384xf32, #tpu.memory_space<hbm>> -> memref<512xf32, #tpu.memory_space<hbm>>
    tpu.wait_dma2 semaphore(%arg38 : memref<!tpu.dma_semaphore, #tpu.memory_space<semaphore_mem>>) src(%dma_wait3A_656 : memref<512xf32, #tpu.memory_space<hbm>>) dst(%arg27 : memref<512xf32, #tpu.memory_space<vmem>>)
    %dma_wait3A_657 = tpu.memref_slice %arg3[%mul3A_2] : memref<16384xf32, #tpu.memory_space<hbm>> -> memref<512xf32, #tpu.memory_space<hbm>>
    %dma_wait3A_658 = tpu.memref_slice %arg3[%mul3A_2] : memref<16384xf32, #tpu.memory_space<hbm>> -> memref<512xf32, #tpu.memory_space<hbm>>
    tpu.wait_dma2 semaphore(%arg38 : memref<!tpu.dma_semaphore, #tpu.memory_space<semaphore_mem>>) src(%dma_wait3A_658 : memref<512xf32, #tpu.memory_space<hbm>>) dst(%arg28 : memref<512xf32, #tpu.memory_space<vmem>>)
    %dma_wait3A_659 = tpu.memref_slice %arg4[%mul3A_2] : memref<16384xf32, #tpu.memory_space<hbm>> -> memref<512xf32, #tpu.memory_space<hbm>>
    %dma_wait3A_660 = tpu.memref_slice %arg4[%mul3A_2] : memref<16384xf32, #tpu.memory_space<hbm>> -> memref<512xf32, #tpu.memory_space<hbm>>
    tpu.wait_dma2 semaphore(%arg38 : memref<!tpu.dma_semaphore, #tpu.memory_space<semaphore_mem>>) src(%dma_wait3A_660 : memref<512xf32, #tpu.memory_space<hbm>>) dst(%arg29 : memref<512xf32, #tpu.memory_space<vmem>>)
    %dma_wait3A_661 = tpu.memref_slice %arg5[%mul3A_2] : memref<16384xf32, #tpu.memory_space<hbm>> -> memref<512xf32, #tpu.memory_space<hbm>>
    %dma_wait3A_662 = tpu.memref_slice %arg5[%mul3A_2] : memref<16384xf32, #tpu.memory_space<hbm>> -> memref<512xf32, #tpu.memory_space<hbm>>
    tpu.wait_dma2 semaphore(%arg38 : memref<!tpu.dma_semaphore, #tpu.memory_space<semaphore_mem>>) src(%dma_wait3A_662 : memref<512xf32, #tpu.memory_space<hbm>>) dst(%arg30 : memref<512xf32, #tpu.memory_space<vmem>>)
    tpu.wait_dma2 semaphore(%arg38 : memref<!tpu.dma_semaphore, #tpu.memory_space<semaphore_mem>>) src(%arg10 : memref<64xf32, #tpu.memory_space<hbm>>) dst(%arg31 : memref<64xf32, #tpu.memory_space<vmem>>)
    %get3A_663 = arith.constant 0 : index
    %get3A_664 = tpu.vector_load %arg31[%get3A_663] {strides = array<i32>} : memref<64xf32, #tpu.memory_space<vmem>>, vector<16xf32>,
    %get3A_665 = arith.constant 16 : index
    %get3A_666 = tpu.vector_load %arg31[%get3A_665] {strides = array<i32>} : memref<64xf32, #tpu.memory_space<vmem>>, vector<16xf32>,
    %get3A_667 = arith.constant 32 : index
    %get3A_668 = tpu.vector_load %arg31[%get3A_667] {strides = array<i32>} : memref<64xf32, #tpu.memory_space<vmem>>, vector<16xf32>,
    %get3A_669 = arith.constant 48 : index
    %get3A_670 = tpu.vector_load %arg31[%get3A_669] {strides = array<i32>} : memref<64xf32, #tpu.memory_space<vmem>>, vector<16xf32>,
    %dma_wait3A_671 = arith.constant 0 : i32
    %dma_wait3A_672 = arith.constant 0 : i32
    %dma_wait3A_673 = tpu.memref_slice %arg22[%dma_wait3A_672] : memref<512xf32, #tpu.memory_space<vmem>> -> memref<128xf32, #tpu.memory_space<vmem>>
    %dma_wait3A_674 = arith.constant 0 : i32
    %dma_wait3A_675 = tpu.memref_slice %arg17[%dma_wait3A_671, %dma_wait3A_674] : memref<4x128xi32, #tpu.memory_space<vmem>> -> memref<1x128xi32, #tpu.memory_space<vmem>>
    %dma_wait3A_676 = tpu.memref_squeeze %dma_wait3A_675 : memref<1x128xi32, #tpu.memory_space<vmem>> -> memref<128xi32, #tpu.memory_space<vmem>>
    %dma_wait3A_677 = arith.constant 0 : i32
    %dma_wait3A_678 = tpu.memref_slice %arg11[%dma_wait3A_677] : memref<100000xf32, #tpu.memory_space<hbm>> -> memref<100000xf32, #tpu.memory_space<hbm>>
    tpu.wait_indirect_dma semaphore(%arg33 : memref<!tpu.dma_semaphore, #tpu.memory_space<semaphore_mem>>) src(%dma_wait3A_678 : memref<100000xf32, #tpu.memory_space<hbm>>) dst(%dma_wait3A_673 : memref<128xf32, #tpu.memory_space<vmem>>)
    %dma_wait3A_679 = arith.constant 0 : i32
    %dma_wait3A_680 = arith.constant 0 : i32
    %dma_wait3A_681 = tpu.memref_slice %arg23[%dma_wait3A_680] : memref<512xf32, #tpu.memory_space<vmem>> -> memref<128xf32, #tpu.memory_space<vmem>>
    %dma_wait3A_682 = arith.constant 0 : i32
    %dma_wait3A_683 = tpu.memref_slice %arg18[%dma_wait3A_679, %dma_wait3A_682] : memref<4x128xi32, #tpu.memory_space<vmem>> -> memref<1x128xi32, #tpu.memory_space<vmem>>
    %dma_wait3A_684 = tpu.memref_squeeze %dma_wait3A_683 : memref<1x128xi32, #tpu.memory_space<vmem>> -> memref<128xi32, #tpu.memory_space<vmem>>
    %dma_wait3A_685 = arith.constant 0 : i32
    %dma_wait3A_686 = tpu.memref_slice %arg14[%dma_wait3A_685] : memref<1000000xf32, #tpu.memory_space<hbm>> -> memref<1000000xf32, #tpu.memory_space<hbm>>
    tpu.wait_indirect_dma semaphore(%arg34 : memref<!tpu.dma_semaphore, #tpu.memory_space<semaphore_mem>>) src(%dma_wait3A_686 : memref<1000000xf32, #tpu.memory_space<hbm>>) dst(%dma_wait3A_681 : memref<128xf32, #tpu.memory_space<vmem>>)
    %dma_wait3A_687 = arith.constant 1 : i32
    %dma_wait3A_688 = arith.constant 128 : i32
    %dma_wait3A_689 = tpu.memref_slice %arg22[%dma_wait3A_688] : memref<512xf32, #tpu.memory_space<vmem>> -> memref<128xf32, #tpu.memory_space<vmem>>
    %dma_wait3A_690 = arith.constant 0 : i32
    %dma_wait3A_691 = tpu.memref_slice %arg17[%dma_wait3A_687, %dma_wait3A_690] : memref<4x128xi32, #tpu.memory_space<vmem>> -> memref<1x128xi32, #tpu.memory_space<vmem>>
    %dma_wait3A_692 = tpu.memref_squeeze %dma_wait3A_691 : memref<1x128xi32, #tpu.memory_space<vmem>> -> memref<128xi32, #tpu.memory_space<vmem>>
    %dma_wait3A_693 = arith.constant 0 : i32
    %dma_wait3A_694 = tpu.memref_slice %arg11[%dma_wait3A_693] : memref<100000xf32, #tpu.memory_space<hbm>> -> memref<100000xf32, #tpu.memory_space<hbm>>
    tpu.wait_indirect_dma semaphore(%arg33 : memref<!tpu.dma_semaphore, #tpu.memory_space<semaphore_mem>>) src(%dma_wait3A_694 : memref<100000xf32, #tpu.memory_space<hbm>>) dst(%dma_wait3A_689 : memref<128xf32, #tpu.memory_space<vmem>>)
    %dma_wait3A_695 = arith.constant 1 : i32
    %dma_wait3A_696 = arith.constant 128 : i32
    %dma_wait3A_697 = tpu.memref_slice %arg23[%dma_wait3A_696] : memref<512xf32, #tpu.memory_space<vmem>> -> memref<128xf32, #tpu.memory_space<vmem>>
    %dma_wait3A_698 = arith.constant 0 : i32
    %dma_wait3A_699 = tpu.memref_slice %arg18[%dma_wait3A_695, %dma_wait3A_698] : memref<4x128xi32, #tpu.memory_space<vmem>> -> memref<1x128xi32, #tpu.memory_space<vmem>>
    %dma_wait3A_700 = tpu.memref_squeeze %dma_wait3A_699 : memref<1x128xi32, #tpu.memory_space<vmem>> -> memref<128xi32, #tpu.memory_space<vmem>>
    %dma_wait3A_701 = arith.constant 0 : i32
    %dma_wait3A_702 = tpu.memref_slice %arg14[%dma_wait3A_701] : memref<1000000xf32, #tpu.memory_space<hbm>> -> memref<1000000xf32, #tpu.memory_space<hbm>>
    tpu.wait_indirect_dma semaphore(%arg34 : memref<!tpu.dma_semaphore, #tpu.memory_space<semaphore_mem>>) src(%dma_wait3A_702 : memref<1000000xf32, #tpu.memory_space<hbm>>) dst(%dma_wait3A_697 : memref<128xf32, #tpu.memory_space<vmem>>)
    %dma_wait3A_703 = arith.constant 2 : i32
    %dma_wait3A_704 = arith.constant 256 : i32
    %dma_wait3A_705 = tpu.memref_slice %arg22[%dma_wait3A_704] : memref<512xf32, #tpu.memory_space<vmem>> -> memref<128xf32, #tpu.memory_space<vmem>>
    %dma_wait3A_706 = arith.constant 0 : i32
    %dma_wait3A_707 = tpu.memref_slice %arg17[%dma_wait3A_703, %dma_wait3A_706] : memref<4x128xi32, #tpu.memory_space<vmem>> -> memref<1x128xi32, #tpu.memory_space<vmem>>
    %dma_wait3A_708 = tpu.memref_squeeze %dma_wait3A_707 : memref<1x128xi32, #tpu.memory_space<vmem>> -> memref<128xi32, #tpu.memory_space<vmem>>
    %dma_wait3A_709 = arith.constant 0 : i32
    %dma_wait3A_710 = tpu.memref_slice %arg11[%dma_wait3A_709] : memref<100000xf32, #tpu.memory_space<hbm>> -> memref<100000xf32, #tpu.memory_space<hbm>>
    tpu.wait_indirect_dma semaphore(%arg33 : memref<!tpu.dma_semaphore, #tpu.memory_space<semaphore_mem>>) src(%dma_wait3A_710 : memref<100000xf32, #tpu.memory_space<hbm>>) dst(%dma_wait3A_705 : memref<128xf32, #tpu.memory_space<vmem>>)
    %dma_wait3A_711 = arith.constant 2 : i32
    %dma_wait3A_712 = arith.constant 256 : i32
    %dma_wait3A_713 = tpu.memref_slice %arg23[%dma_wait3A_712] : memref<512xf32, #tpu.memory_space<vmem>> -> memref<128xf32, #tpu.memory_space<vmem>>
    %dma_wait3A_714 = arith.constant 0 : i32
    %dma_wait3A_715 = tpu.memref_slice %arg18[%dma_wait3A_711, %dma_wait3A_714] : memref<4x128xi32, #tpu.memory_space<vmem>> -> memref<1x128xi32, #tpu.memory_space<vmem>>
    %dma_wait3A_716 = tpu.memref_squeeze %dma_wait3A_715 : memref<1x128xi32, #tpu.memory_space<vmem>> -> memref<128xi32, #tpu.memory_space<vmem>>
    %dma_wait3A_717 = arith.constant 0 : i32
    %dma_wait3A_718 = tpu.memref_slice %arg14[%dma_wait3A_717] : memref<1000000xf32, #tpu.memory_space<hbm>> -> memref<1000000xf32, #tpu.memory_space<hbm>>
    tpu.wait_indirect_dma semaphore(%arg34 : memref<!tpu.dma_semaphore, #tpu.memory_space<semaphore_mem>>) src(%dma_wait3A_718 : memref<1000000xf32, #tpu.memory_space<hbm>>) dst(%dma_wait3A_713 : memref<128xf32, #tpu.memory_space<vmem>>)
    %dma_wait3A_719 = arith.constant 3 : i32
    %dma_wait3A_720 = arith.constant 384 : i32
    %dma_wait3A_721 = tpu.memref_slice %arg22[%dma_wait3A_720] : memref<512xf32, #tpu.memory_space<vmem>> -> memref<128xf32, #tpu.memory_space<vmem>>
    %dma_wait3A_722 = arith.constant 0 : i32
    %dma_wait3A_723 = tpu.memref_slice %arg17[%dma_wait3A_719, %dma_wait3A_722] : memref<4x128xi32, #tpu.memory_space<vmem>> -> memref<1x128xi32, #tpu.memory_space<vmem>>
    %dma_wait3A_724 = tpu.memref_squeeze %dma_wait3A_723 : memref<1x128xi32, #tpu.memory_space<vmem>> -> memref<128xi32, #tpu.memory_space<vmem>>
    %dma_wait3A_725 = arith.constant 0 : i32
    %dma_wait3A_726 = tpu.memref_slice %arg11[%dma_wait3A_725] : memref<100000xf32, #tpu.memory_space<hbm>> -> memref<100000xf32, #tpu.memory_space<hbm>>
    tpu.wait_indirect_dma semaphore(%arg33 : memref<!tpu.dma_semaphore, #tpu.memory_space<semaphore_mem>>) src(%dma_wait3A_726 : memref<100000xf32, #tpu.memory_space<hbm>>) dst(%dma_wait3A_721 : memref<128xf32, #tpu.memory_space<vmem>>)
    %dma_wait3A_727 = arith.constant 3 : i32
    %dma_wait3A_728 = arith.constant 384 : i32
    %dma_wait3A_729 = tpu.memref_slice %arg23[%dma_wait3A_728] : memref<512xf32, #tpu.memory_space<vmem>> -> memref<128xf32, #tpu.memory_space<vmem>>
    %dma_wait3A_730 = arith.constant 0 : i32
    %dma_wait3A_731 = tpu.memref_slice %arg18[%dma_wait3A_727, %dma_wait3A_730] : memref<4x128xi32, #tpu.memory_space<vmem>> -> memref<1x128xi32, #tpu.memory_space<vmem>>
    %dma_wait3A_732 = tpu.memref_squeeze %dma_wait3A_731 : memref<1x128xi32, #tpu.memory_space<vmem>> -> memref<128xi32, #tpu.memory_space<vmem>>
    %dma_wait3A_733 = arith.constant 0 : i32
    %dma_wait3A_734 = tpu.memref_slice %arg14[%dma_wait3A_733] : memref<1000000xf32, #tpu.memory_space<hbm>> -> memref<1000000xf32, #tpu.memory_space<hbm>>
    tpu.wait_indirect_dma semaphore(%arg34 : memref<!tpu.dma_semaphore, #tpu.memory_space<semaphore_mem>>) src(%dma_wait3A_734 : memref<1000000xf32, #tpu.memory_space<hbm>>) dst(%dma_wait3A_729 : memref<128xf32, #tpu.memory_space<vmem>>)
    %dma_wait3A_735 = arith.constant 0 : i32
    %dma_wait3A_736 = arith.constant 0 : i32
    %dma_wait3A_737 = tpu.memref_slice %arg24[%dma_wait3A_736] : memref<512xf32, #tpu.memory_space<vmem>> -> memref<128xf32, #tpu.memory_space<vmem>>
    %dma_wait3A_738 = arith.constant 0 : i32
    %dma_wait3A_739 = tpu.memref_slice %arg19[%dma_wait3A_735, %dma_wait3A_738] : memref<4x128xi32, #tpu.memory_space<vmem>> -> memref<1x128xi32, #tpu.memory_space<vmem>>
    %dma_wait3A_740 = tpu.memref_squeeze %dma_wait3A_739 : memref<1x128xi32, #tpu.memory_space<vmem>> -> memref<128xi32, #tpu.memory_space<vmem>>
    %dma_wait3A_741 = arith.constant 0 : i32
    %dma_wait3A_742 = tpu.memref_slice %arg15[%dma_wait3A_741] : memref<1000000xf32, #tpu.memory_space<hbm>> -> memref<1000000xf32, #tpu.memory_space<hbm>>
    tpu.wait_indirect_dma semaphore(%arg35 : memref<!tpu.dma_semaphore, #tpu.memory_space<semaphore_mem>>) src(%dma_wait3A_742 : memref<1000000xf32, #tpu.memory_space<hbm>>) dst(%dma_wait3A_737 : memref<128xf32, #tpu.memory_space<vmem>>)
    %dma_wait3A_743 = arith.constant 1 : i32
    %dma_wait3A_744 = arith.constant 128 : i32
    %dma_wait3A_745 = tpu.memref_slice %arg24[%dma_wait3A_744] : memref<512xf32, #tpu.memory_space<vmem>> -> memref<128xf32, #tpu.memory_space<vmem>>
    %dma_wait3A_746 = arith.constant 0 : i32
    %dma_wait3A_747 = tpu.memref_slice %arg19[%dma_wait3A_743, %dma_wait3A_746] : memref<4x128xi32, #tpu.memory_space<vmem>> -> memref<1x128xi32, #tpu.memory_space<vmem>>
    %dma_wait3A_748 = tpu.memref_squeeze %dma_wait3A_747 : memref<1x128xi32, #tpu.memory_space<vmem>> -> memref<128xi32, #tpu.memory_space<vmem>>
    %dma_wait3A_749 = arith.constant 0 : i32
    %dma_wait3A_750 = tpu.memref_slice %arg15[%dma_wait3A_749] : memref<1000000xf32, #tpu.memory_space<hbm>> -> memref<1000000xf32, #tpu.memory_space<hbm>>
    tpu.wait_indirect_dma semaphore(%arg35 : memref<!tpu.dma_semaphore, #tpu.memory_space<semaphore_mem>>) src(%dma_wait3A_750 : memref<1000000xf32, #tpu.memory_space<hbm>>) dst(%dma_wait3A_745 : memref<128xf32, #tpu.memory_space<vmem>>)
    %dma_wait3A_751 = arith.constant 2 : i32
    %dma_wait3A_752 = arith.constant 256 : i32
    %dma_wait3A_753 = tpu.memref_slice %arg24[%dma_wait3A_752] : memref<512xf32, #tpu.memory_space<vmem>> -> memref<128xf32, #tpu.memory_space<vmem>>
    %dma_wait3A_754 = arith.constant 0 : i32
    %dma_wait3A_755 = tpu.memref_slice %arg19[%dma_wait3A_751, %dma_wait3A_754] : memref<4x128xi32, #tpu.memory_space<vmem>> -> memref<1x128xi32, #tpu.memory_space<vmem>>
    %dma_wait3A_756 = tpu.memref_squeeze %dma_wait3A_755 : memref<1x128xi32, #tpu.memory_space<vmem>> -> memref<128xi32, #tpu.memory_space<vmem>>
    %dma_wait3A_757 = arith.constant 0 : i32
    %dma_wait3A_758 = tpu.memref_slice %arg15[%dma_wait3A_757] : memref<1000000xf32, #tpu.memory_space<hbm>> -> memref<1000000xf32, #tpu.memory_space<hbm>>
    tpu.wait_indirect_dma semaphore(%arg35 : memref<!tpu.dma_semaphore, #tpu.memory_space<semaphore_mem>>) src(%dma_wait3A_758 : memref<1000000xf32, #tpu.memory_space<hbm>>) dst(%dma_wait3A_753 : memref<128xf32, #tpu.memory_space<vmem>>)
    %dma_wait3A_759 = arith.constant 3 : i32
    %dma_wait3A_760 = arith.constant 384 : i32
    %dma_wait3A_761 = tpu.memref_slice %arg24[%dma_wait3A_760] : memref<512xf32, #tpu.memory_space<vmem>> -> memref<128xf32, #tpu.memory_space<vmem>>
    %dma_wait3A_762 = arith.constant 0 : i32
    %dma_wait3A_763 = tpu.memref_slice %arg19[%dma_wait3A_759, %dma_wait3A_762] : memref<4x128xi32, #tpu.memory_space<vmem>> -> memref<1x128xi32, #tpu.memory_space<vmem>>
    %dma_wait3A_764 = tpu.memref_squeeze %dma_wait3A_763 : memref<1x128xi32, #tpu.memory_space<vmem>> -> memref<128xi32, #tpu.memory_space<vmem>>
    %dma_wait3A_765 = arith.constant 0 : i32
    %dma_wait3A_766 = tpu.memref_slice %arg15[%dma_wait3A_765] : memref<1000000xf32, #tpu.memory_space<hbm>> -> memref<1000000xf32, #tpu.memory_space<hbm>>
    tpu.wait_indirect_dma semaphore(%arg35 : memref<!tpu.dma_semaphore, #tpu.memory_space<semaphore_mem>>) src(%dma_wait3A_766 : memref<1000000xf32, #tpu.memory_space<hbm>>) dst(%dma_wait3A_761 : memref<128xf32, #tpu.memory_space<vmem>>)
    %get3A_767 = arith.constant 0 : index
    %get3A_768 = tpu.vector_load %arg20[%get3A_767] {strides = array<i32>} : memref<512xi32, #tpu.memory_space<vmem>>, vector<16xi32>,
    %gather3A = tpu.vector_load_idx %arg25[%get3A_768] : memref<1024xf32, #tpu.memory_space<vmem>>[vector<16xi32>], vector<16xf32>,
    %get3A_769 = arith.constant 0 : index
    %get3A_770 = tpu.vector_load %arg21[%get3A_769] {strides = array<i32>} : memref<512xi32, #tpu.memory_space<vmem>>, vector<16xi32>,
    %gather3A_771 = tpu.vector_load_idx %arg26[%get3A_770] : memref<1024xf32, #tpu.memory_space<vmem>>[vector<16xi32>], vector<16xf32>,
    %get3A_772 = arith.constant 0 : index
    %get3A_773 = tpu.vector_load %arg27[%get3A_772] {strides = array<i32>} : memref<512xf32, #tpu.memory_space<vmem>>, vector<16xf32>,
    %mul3A_774 = arith.mulf %get3A_773, %get3A_664 : vector<16xf32>
    %get3A_775 = arith.constant 0 : index
    %get3A_776 = tpu.vector_load %arg28[%get3A_775] {strides = array<i32>} : memref<512xf32, #tpu.memory_space<vmem>>, vector<16xf32>,
    %mul3A_777 = arith.mulf %get3A_776, %get3A_666 : vector<16xf32>
    %add3A_778 = arith.addf %mul3A_774, %mul3A_777 : vector<16xf32>
    %get3A_779 = arith.constant 0 : index
    %get3A_780 = tpu.vector_load %arg29[%get3A_779] {strides = array<i32>} : memref<512xf32, #tpu.memory_space<vmem>>, vector<16xf32>,
    %mul3A_781 = arith.mulf %get3A_780, %get3A_668 : vector<16xf32>
    %add3A_782 = arith.addf %add3A_778, %mul3A_781 : vector<16xf32>
    %get3A_783 = arith.constant 0 : index
    %get3A_784 = tpu.vector_load %arg30[%get3A_783] {strides = array<i32>} : memref<512xf32, #tpu.memory_space<vmem>>, vector<16xf32>,
    %mul3A_785 = arith.mulf %get3A_784, %get3A_670 : vector<16xf32>
    %add3A_786 = arith.addf %add3A_782, %mul3A_785 : vector<16xf32>
    %get3A_787 = arith.constant 0 : index
    %get3A_788 = tpu.vector_load %arg22[%get3A_787] {strides = array<i32>} : memref<512xf32, #tpu.memory_space<vmem>>, vector<16xf32>,
    %add3A_789 = arith.addf %add3A_786, %get3A_788 : vector<16xf32>
    %get3A_790 = arith.constant 0 : index
    %get3A_791 = tpu.vector_load %arg23[%get3A_790] {strides = array<i32>} : memref<512xf32, #tpu.memory_space<vmem>>, vector<16xf32>,
    %add3A_792 = arith.addf %add3A_789, %get3A_791 : vector<16xf32>
    %get3A_793 = arith.constant 0 : index
    %get3A_794 = tpu.vector_load %arg24[%get3A_793] {strides = array<i32>} : memref<512xf32, #tpu.memory_space<vmem>>, vector<16xf32>,
    %add3A_795 = arith.addf %add3A_792, %get3A_794 : vector<16xf32>
    %add3A_796 = arith.addf %add3A_795, %gather3A : vector<16xf32>
    %add3A_797 = arith.addf %add3A_796, %gather3A_771 : vector<16xf32>
    %swap3A_798 = arith.constant 0 : index
    %swap3A_799 = tpu.vector_load %arg32[%swap3A_798] {strides = array<i32>} : memref<512xf32, #tpu.memory_space<vmem>>, vector<16xf32>,
    tpu.vector_store %arg32[%swap3A_798], %add3A_797 {strides = array<i32>} : memref<512xf32, #tpu.memory_space<vmem>>, vector<16xf32>,
    %get3A_800 = arith.constant 16 : index
    %get3A_801 = tpu.vector_load %arg20[%get3A_800] {strides = array<i32>} : memref<512xi32, #tpu.memory_space<vmem>>, vector<16xi32>,
    %gather3A_802 = tpu.vector_load_idx %arg25[%get3A_801] : memref<1024xf32, #tpu.memory_space<vmem>>[vector<16xi32>], vector<16xf32>,
    %get3A_803 = arith.constant 16 : index
    %get3A_804 = tpu.vector_load %arg21[%get3A_803] {strides = array<i32>} : memref<512xi32, #tpu.memory_space<vmem>>, vector<16xi32>,
    %gather3A_805 = tpu.vector_load_idx %arg26[%get3A_804] : memref<1024xf32, #tpu.memory_space<vmem>>[vector<16xi32>], vector<16xf32>,
    %get3A_806 = arith.constant 16 : index
    %get3A_807 = tpu.vector_load %arg27[%get3A_806] {strides = array<i32>} : memref<512xf32, #tpu.memory_space<vmem>>, vector<16xf32>,
    %mul3A_808 = arith.mulf %get3A_807, %get3A_664 : vector<16xf32>
    %get3A_809 = arith.constant 16 : index
    %get3A_810 = tpu.vector_load %arg28[%get3A_809] {strides = array<i32>} : memref<512xf32, #tpu.memory_space<vmem>>, vector<16xf32>,
    %mul3A_811 = arith.mulf %get3A_810, %get3A_666 : vector<16xf32>
    %add3A_812 = arith.addf %mul3A_808, %mul3A_811 : vector<16xf32>
    %get3A_813 = arith.constant 16 : index
    %get3A_814 = tpu.vector_load %arg29[%get3A_813] {strides = array<i32>} : memref<512xf32, #tpu.memory_space<vmem>>, vector<16xf32>,
    %mul3A_815 = arith.mulf %get3A_814, %get3A_668 : vector<16xf32>
    %add3A_816 = arith.addf %add3A_812, %mul3A_815 : vector<16xf32>
    %get3A_817 = arith.constant 16 : index
    %get3A_818 = tpu.vector_load %arg30[%get3A_817] {strides = array<i32>} : memref<512xf32, #tpu.memory_space<vmem>>, vector<16xf32>,
    %mul3A_819 = arith.mulf %get3A_818, %get3A_670 : vector<16xf32>
    %add3A_820 = arith.addf %add3A_816, %mul3A_819 : vector<16xf32>
    %get3A_821 = arith.constant 16 : index
    %get3A_822 = tpu.vector_load %arg22[%get3A_821] {strides = array<i32>} : memref<512xf32, #tpu.memory_space<vmem>>, vector<16xf32>,
    %add3A_823 = arith.addf %add3A_820, %get3A_822 : vector<16xf32>
    %get3A_824 = arith.constant 16 : index
    %get3A_825 = tpu.vector_load %arg23[%get3A_824] {strides = array<i32>} : memref<512xf32, #tpu.memory_space<vmem>>, vector<16xf32>,
    %add3A_826 = arith.addf %add3A_823, %get3A_825 : vector<16xf32>
    %get3A_827 = arith.constant 16 : index
    %get3A_828 = tpu.vector_load %arg24[%get3A_827] {strides = array<i32>} : memref<512xf32, #tpu.memory_space<vmem>>, vector<16xf32>,
    %add3A_829 = arith.addf %add3A_826, %get3A_828 : vector<16xf32>
    %add3A_830 = arith.addf %add3A_829, %gather3A_802 : vector<16xf32>
    %add3A_831 = arith.addf %add3A_830, %gather3A_805 : vector<16xf32>
    %swap3A_832 = arith.constant 16 : index
    %swap3A_833 = tpu.vector_load %arg32[%swap3A_832] {strides = array<i32>} : memref<512xf32, #tpu.memory_space<vmem>>, vector<16xf32>,
    tpu.vector_store %arg32[%swap3A_832], %add3A_831 {strides = array<i32>} : memref<512xf32, #tpu.memory_space<vmem>>, vector<16xf32>,
    %get3A_834 = arith.constant 32 : index
    %get3A_835 = tpu.vector_load %arg20[%get3A_834] {strides = array<i32>} : memref<512xi32, #tpu.memory_space<vmem>>, vector<16xi32>,
    %gather3A_836 = tpu.vector_load_idx %arg25[%get3A_835] : memref<1024xf32, #tpu.memory_space<vmem>>[vector<16xi32>], vector<16xf32>,
    %get3A_837 = arith.constant 32 : index
    %get3A_838 = tpu.vector_load %arg21[%get3A_837] {strides = array<i32>} : memref<512xi32, #tpu.memory_space<vmem>>, vector<16xi32>,
    %gather3A_839 = tpu.vector_load_idx %arg26[%get3A_838] : memref<1024xf32, #tpu.memory_space<vmem>>[vector<16xi32>], vector<16xf32>,
    %get3A_840 = arith.constant 32 : index
    %get3A_841 = tpu.vector_load %arg27[%get3A_840] {strides = array<i32>} : memref<512xf32, #tpu.memory_space<vmem>>, vector<16xf32>,
    %mul3A_842 = arith.mulf %get3A_841, %get3A_664 : vector<16xf32>
    %get3A_843 = arith.constant 32 : index
    %get3A_844 = tpu.vector_load %arg28[%get3A_843] {strides = array<i32>} : memref<512xf32, #tpu.memory_space<vmem>>, vector<16xf32>,
    %mul3A_845 = arith.mulf %get3A_844, %get3A_666 : vector<16xf32>
    %add3A_846 = arith.addf %mul3A_842, %mul3A_845 : vector<16xf32>
    %get3A_847 = arith.constant 32 : index
    %get3A_848 = tpu.vector_load %arg29[%get3A_847] {strides = array<i32>} : memref<512xf32, #tpu.memory_space<vmem>>, vector<16xf32>,
    %mul3A_849 = arith.mulf %get3A_848, %get3A_668 : vector<16xf32>
    %add3A_850 = arith.addf %add3A_846, %mul3A_849 : vector<16xf32>
    %get3A_851 = arith.constant 32 : index
    %get3A_852 = tpu.vector_load %arg30[%get3A_851] {strides = array<i32>} : memref<512xf32, #tpu.memory_space<vmem>>, vector<16xf32>,
    %mul3A_853 = arith.mulf %get3A_852, %get3A_670 : vector<16xf32>
    %add3A_854 = arith.addf %add3A_850, %mul3A_853 : vector<16xf32>
    %get3A_855 = arith.constant 32 : index
    %get3A_856 = tpu.vector_load %arg22[%get3A_855] {strides = array<i32>} : memref<512xf32, #tpu.memory_space<vmem>>, vector<16xf32>,
    %add3A_857 = arith.addf %add3A_854, %get3A_856 : vector<16xf32>
    %get3A_858 = arith.constant 32 : index
    %get3A_859 = tpu.vector_load %arg23[%get3A_858] {strides = array<i32>} : memref<512xf32, #tpu.memory_space<vmem>>, vector<16xf32>,
    %add3A_860 = arith.addf %add3A_857, %get3A_859 : vector<16xf32>
    %get3A_861 = arith.constant 32 : index
    %get3A_862 = tpu.vector_load %arg24[%get3A_861] {strides = array<i32>} : memref<512xf32, #tpu.memory_space<vmem>>, vector<16xf32>,
    %add3A_863 = arith.addf %add3A_860, %get3A_862 : vector<16xf32>
    %add3A_864 = arith.addf %add3A_863, %gather3A_836 : vector<16xf32>
    %add3A_865 = arith.addf %add3A_864, %gather3A_839 : vector<16xf32>
    %swap3A_866 = arith.constant 32 : index
    %swap3A_867 = tpu.vector_load %arg32[%swap3A_866] {strides = array<i32>} : memref<512xf32, #tpu.memory_space<vmem>>, vector<16xf32>,
    tpu.vector_store %arg32[%swap3A_866], %add3A_865 {strides = array<i32>} : memref<512xf32, #tpu.memory_space<vmem>>, vector<16xf32>,
    %get3A_868 = arith.constant 48 : index
    %get3A_869 = tpu.vector_load %arg20[%get3A_868] {strides = array<i32>} : memref<512xi32, #tpu.memory_space<vmem>>, vector<16xi32>,
    %gather3A_870 = tpu.vector_load_idx %arg25[%get3A_869] : memref<1024xf32, #tpu.memory_space<vmem>>[vector<16xi32>], vector<16xf32>,
    %get3A_871 = arith.constant 48 : index
    %get3A_872 = tpu.vector_load %arg21[%get3A_871] {strides = array<i32>} : memref<512xi32, #tpu.memory_space<vmem>>, vector<16xi32>,
    %gather3A_873 = tpu.vector_load_idx %arg26[%get3A_872] : memref<1024xf32, #tpu.memory_space<vmem>>[vector<16xi32>], vector<16xf32>,
    %get3A_874 = arith.constant 48 : index
    %get3A_875 = tpu.vector_load %arg27[%get3A_874] {strides = array<i32>} : memref<512xf32, #tpu.memory_space<vmem>>, vector<16xf32>,
    %mul3A_876 = arith.mulf %get3A_875, %get3A_664 : vector<16xf32>
    %get3A_877 = arith.constant 48 : index
    %get3A_878 = tpu.vector_load %arg28[%get3A_877] {strides = array<i32>} : memref<512xf32, #tpu.memory_space<vmem>>, vector<16xf32>,
    %mul3A_879 = arith.mulf %get3A_878, %get3A_666 : vector<16xf32>
    %add3A_880 = arith.addf %mul3A_876, %mul3A_879 : vector<16xf32>
    %get3A_881 = arith.constant 48 : index
    %get3A_882 = tpu.vector_load %arg29[%get3A_881] {strides = array<i32>} : memref<512xf32, #tpu.memory_space<vmem>>, vector<16xf32>,
    %mul3A_883 = arith.mulf %get3A_882, %get3A_668 : vector<16xf32>
    %add3A_884 = arith.addf %add3A_880, %mul3A_883 : vector<16xf32>
    %get3A_885 = arith.constant 48 : index
    %get3A_886 = tpu.vector_load %arg30[%get3A_885] {strides = array<i32>} : memref<512xf32, #tpu.memory_space<vmem>>, vector<16xf32>,
    %mul3A_887 = arith.mulf %get3A_886, %get3A_670 : vector<16xf32>
    %add3A_888 = arith.addf %add3A_884, %mul3A_887 : vector<16xf32>
    %get3A_889 = arith.constant 48 : index
    %get3A_890 = tpu.vector_load %arg22[%get3A_889] {strides = array<i32>} : memref<512xf32, #tpu.memory_space<vmem>>, vector<16xf32>,
    %add3A_891 = arith.addf %add3A_888, %get3A_890 : vector<16xf32>
    %get3A_892 = arith.constant 48 : index
    %get3A_893 = tpu.vector_load %arg23[%get3A_892] {strides = array<i32>} : memref<512xf32, #tpu.memory_space<vmem>>, vector<16xf32>,
    %add3A_894 = arith.addf %add3A_891, %get3A_893 : vector<16xf32>
    %get3A_895 = arith.constant 48 : index
    %get3A_896 = tpu.vector_load %arg24[%get3A_895] {strides = array<i32>} : memref<512xf32, #tpu.memory_space<vmem>>, vector<16xf32>,
    %add3A_897 = arith.addf %add3A_894, %get3A_896 : vector<16xf32>
    %add3A_898 = arith.addf %add3A_897, %gather3A_870 : vector<16xf32>
    %add3A_899 = arith.addf %add3A_898, %gather3A_873 : vector<16xf32>
    %swap3A_900 = arith.constant 48 : index
    %swap3A_901 = tpu.vector_load %arg32[%swap3A_900] {strides = array<i32>} : memref<512xf32, #tpu.memory_space<vmem>>, vector<16xf32>,
    tpu.vector_store %arg32[%swap3A_900], %add3A_899 {strides = array<i32>} : memref<512xf32, #tpu.memory_space<vmem>>, vector<16xf32>,
    %get3A_902 = arith.constant 64 : index
    %get3A_903 = tpu.vector_load %arg20[%get3A_902] {strides = array<i32>} : memref<512xi32, #tpu.memory_space<vmem>>, vector<16xi32>,
    %gather3A_904 = tpu.vector_load_idx %arg25[%get3A_903] : memref<1024xf32, #tpu.memory_space<vmem>>[vector<16xi32>], vector<16xf32>,
    %get3A_905 = arith.constant 64 : index
    %get3A_906 = tpu.vector_load %arg21[%get3A_905] {strides = array<i32>} : memref<512xi32, #tpu.memory_space<vmem>>, vector<16xi32>,
    %gather3A_907 = tpu.vector_load_idx %arg26[%get3A_906] : memref<1024xf32, #tpu.memory_space<vmem>>[vector<16xi32>], vector<16xf32>,
    %get3A_908 = arith.constant 64 : index
    %get3A_909 = tpu.vector_load %arg27[%get3A_908] {strides = array<i32>} : memref<512xf32, #tpu.memory_space<vmem>>, vector<16xf32>,
    %mul3A_910 = arith.mulf %get3A_909, %get3A_664 : vector<16xf32>
    %get3A_911 = arith.constant 64 : index
    %get3A_912 = tpu.vector_load %arg28[%get3A_911] {strides = array<i32>} : memref<512xf32, #tpu.memory_space<vmem>>, vector<16xf32>,
    %mul3A_913 = arith.mulf %get3A_912, %get3A_666 : vector<16xf32>
    %add3A_914 = arith.addf %mul3A_910, %mul3A_913 : vector<16xf32>
    %get3A_915 = arith.constant 64 : index
    %get3A_916 = tpu.vector_load %arg29[%get3A_915] {strides = array<i32>} : memref<512xf32, #tpu.memory_space<vmem>>, vector<16xf32>,
    %mul3A_917 = arith.mulf %get3A_916, %get3A_668 : vector<16xf32>
    %add3A_918 = arith.addf %add3A_914, %mul3A_917 : vector<16xf32>
    %get3A_919 = arith.constant 64 : index
    %get3A_920 = tpu.vector_load %arg30[%get3A_919] {strides = array<i32>} : memref<512xf32, #tpu.memory_space<vmem>>, vector<16xf32>,
    %mul3A_921 = arith.mulf %get3A_920, %get3A_670 : vector<16xf32>
    %add3A_922 = arith.addf %add3A_918, %mul3A_921 : vector<16xf32>
    %get3A_923 = arith.constant 64 : index
    %get3A_924 = tpu.vector_load %arg22[%get3A_923] {strides = array<i32>} : memref<512xf32, #tpu.memory_space<vmem>>, vector<16xf32>,
    %add3A_925 = arith.addf %add3A_922, %get3A_924 : vector<16xf32>
    %get3A_926 = arith.constant 64 : index
    %get3A_927 = tpu.vector_load %arg23[%get3A_926] {strides = array<i32>} : memref<512xf32, #tpu.memory_space<vmem>>, vector<16xf32>,
    %add3A_928 = arith.addf %add3A_925, %get3A_927 : vector<16xf32>
    %get3A_929 = arith.constant 64 : index
    %get3A_930 = tpu.vector_load %arg24[%get3A_929] {strides = array<i32>} : memref<512xf32, #tpu.memory_space<vmem>>, vector<16xf32>,
    %add3A_931 = arith.addf %add3A_928, %get3A_930 : vector<16xf32>
    %add3A_932 = arith.addf %add3A_931, %gather3A_904 : vector<16xf32>
    %add3A_933 = arith.addf %add3A_932, %gather3A_907 : vector<16xf32>
    %swap3A_934 = arith.constant 64 : index
    %swap3A_935 = tpu.vector_load %arg32[%swap3A_934] {strides = array<i32>} : memref<512xf32, #tpu.memory_space<vmem>>, vector<16xf32>,
    tpu.vector_store %arg32[%swap3A_934], %add3A_933 {strides = array<i32>} : memref<512xf32, #tpu.memory_space<vmem>>, vector<16xf32>,
    %get3A_936 = arith.constant 80 : index
    %get3A_937 = tpu.vector_load %arg20[%get3A_936] {strides = array<i32>} : memref<512xi32, #tpu.memory_space<vmem>>, vector<16xi32>,
    %gather3A_938 = tpu.vector_load_idx %arg25[%get3A_937] : memref<1024xf32, #tpu.memory_space<vmem>>[vector<16xi32>], vector<16xf32>,
    %get3A_939 = arith.constant 80 : index
    %get3A_940 = tpu.vector_load %arg21[%get3A_939] {strides = array<i32>} : memref<512xi32, #tpu.memory_space<vmem>>, vector<16xi32>,
    %gather3A_941 = tpu.vector_load_idx %arg26[%get3A_940] : memref<1024xf32, #tpu.memory_space<vmem>>[vector<16xi32>], vector<16xf32>,
    %get3A_942 = arith.constant 80 : index
    %get3A_943 = tpu.vector_load %arg27[%get3A_942] {strides = array<i32>} : memref<512xf32, #tpu.memory_space<vmem>>, vector<16xf32>,
    %mul3A_944 = arith.mulf %get3A_943, %get3A_664 : vector<16xf32>
    %get3A_945 = arith.constant 80 : index
    %get3A_946 = tpu.vector_load %arg28[%get3A_945] {strides = array<i32>} : memref<512xf32, #tpu.memory_space<vmem>>, vector<16xf32>,
    %mul3A_947 = arith.mulf %get3A_946, %get3A_666 : vector<16xf32>
    %add3A_948 = arith.addf %mul3A_944, %mul3A_947 : vector<16xf32>
    %get3A_949 = arith.constant 80 : index
    %get3A_950 = tpu.vector_load %arg29[%get3A_949] {strides = array<i32>} : memref<512xf32, #tpu.memory_space<vmem>>, vector<16xf32>,
    %mul3A_951 = arith.mulf %get3A_950, %get3A_668 : vector<16xf32>
    %add3A_952 = arith.addf %add3A_948, %mul3A_951 : vector<16xf32>
    %get3A_953 = arith.constant 80 : index
    %get3A_954 = tpu.vector_load %arg30[%get3A_953] {strides = array<i32>} : memref<512xf32, #tpu.memory_space<vmem>>, vector<16xf32>,
    %mul3A_955 = arith.mulf %get3A_954, %get3A_670 : vector<16xf32>
    %add3A_956 = arith.addf %add3A_952, %mul3A_955 : vector<16xf32>
    %get3A_957 = arith.constant 80 : index
    %get3A_958 = tpu.vector_load %arg22[%get3A_957] {strides = array<i32>} : memref<512xf32, #tpu.memory_space<vmem>>, vector<16xf32>,
    %add3A_959 = arith.addf %add3A_956, %get3A_958 : vector<16xf32>
    %get3A_960 = arith.constant 80 : index
    %get3A_961 = tpu.vector_load %arg23[%get3A_960] {strides = array<i32>} : memref<512xf32, #tpu.memory_space<vmem>>, vector<16xf32>,
    %add3A_962 = arith.addf %add3A_959, %get3A_961 : vector<16xf32>
    %get3A_963 = arith.constant 80 : index
    %get3A_964 = tpu.vector_load %arg24[%get3A_963] {strides = array<i32>} : memref<512xf32, #tpu.memory_space<vmem>>, vector<16xf32>,
    %add3A_965 = arith.addf %add3A_962, %get3A_964 : vector<16xf32>
    %add3A_966 = arith.addf %add3A_965, %gather3A_938 : vector<16xf32>
    %add3A_967 = arith.addf %add3A_966, %gather3A_941 : vector<16xf32>
    %swap3A_968 = arith.constant 80 : index
    %swap3A_969 = tpu.vector_load %arg32[%swap3A_968] {strides = array<i32>} : memref<512xf32, #tpu.memory_space<vmem>>, vector<16xf32>,
    tpu.vector_store %arg32[%swap3A_968], %add3A_967 {strides = array<i32>} : memref<512xf32, #tpu.memory_space<vmem>>, vector<16xf32>,
    %get3A_970 = arith.constant 96 : index
    %get3A_971 = tpu.vector_load %arg20[%get3A_970] {strides = array<i32>} : memref<512xi32, #tpu.memory_space<vmem>>, vector<16xi32>,
    %gather3A_972 = tpu.vector_load_idx %arg25[%get3A_971] : memref<1024xf32, #tpu.memory_space<vmem>>[vector<16xi32>], vector<16xf32>,
    %get3A_973 = arith.constant 96 : index
    %get3A_974 = tpu.vector_load %arg21[%get3A_973] {strides = array<i32>} : memref<512xi32, #tpu.memory_space<vmem>>, vector<16xi32>,
    %gather3A_975 = tpu.vector_load_idx %arg26[%get3A_974] : memref<1024xf32, #tpu.memory_space<vmem>>[vector<16xi32>], vector<16xf32>,
    %get3A_976 = arith.constant 96 : index
    %get3A_977 = tpu.vector_load %arg27[%get3A_976] {strides = array<i32>} : memref<512xf32, #tpu.memory_space<vmem>>, vector<16xf32>,
    %mul3A_978 = arith.mulf %get3A_977, %get3A_664 : vector<16xf32>
    %get3A_979 = arith.constant 96 : index
    %get3A_980 = tpu.vector_load %arg28[%get3A_979] {strides = array<i32>} : memref<512xf32, #tpu.memory_space<vmem>>, vector<16xf32>,
    %mul3A_981 = arith.mulf %get3A_980, %get3A_666 : vector<16xf32>
    %add3A_982 = arith.addf %mul3A_978, %mul3A_981 : vector<16xf32>
    %get3A_983 = arith.constant 96 : index
    %get3A_984 = tpu.vector_load %arg29[%get3A_983] {strides = array<i32>} : memref<512xf32, #tpu.memory_space<vmem>>, vector<16xf32>,
    %mul3A_985 = arith.mulf %get3A_984, %get3A_668 : vector<16xf32>
    %add3A_986 = arith.addf %add3A_982, %mul3A_985 : vector<16xf32>
    %get3A_987 = arith.constant 96 : index
    %get3A_988 = tpu.vector_load %arg30[%get3A_987] {strides = array<i32>} : memref<512xf32, #tpu.memory_space<vmem>>, vector<16xf32>,
    %mul3A_989 = arith.mulf %get3A_988, %get3A_670 : vector<16xf32>
    %add3A_990 = arith.addf %add3A_986, %mul3A_989 : vector<16xf32>
    %get3A_991 = arith.constant 96 : index
    %get3A_992 = tpu.vector_load %arg22[%get3A_991] {strides = array<i32>} : memref<512xf32, #tpu.memory_space<vmem>>, vector<16xf32>,
    %add3A_993 = arith.addf %add3A_990, %get3A_992 : vector<16xf32>
    %get3A_994 = arith.constant 96 : index
    %get3A_995 = tpu.vector_load %arg23[%get3A_994] {strides = array<i32>} : memref<512xf32, #tpu.memory_space<vmem>>, vector<16xf32>,
    %add3A_996 = arith.addf %add3A_993, %get3A_995 : vector<16xf32>
    %get3A_997 = arith.constant 96 : index
    %get3A_998 = tpu.vector_load %arg24[%get3A_997] {strides = array<i32>} : memref<512xf32, #tpu.memory_space<vmem>>, vector<16xf32>,
    %add3A_999 = arith.addf %add3A_996, %get3A_998 : vector<16xf32>
    %add3A_1000 = arith.addf %add3A_999, %gather3A_972 : vector<16xf32>
    %add3A_1001 = arith.addf %add3A_1000, %gather3A_975 : vector<16xf32>
    %swap3A_1002 = arith.constant 96 : index
    %swap3A_1003 = tpu.vector_load %arg32[%swap3A_1002] {strides = array<i32>} : memref<512xf32, #tpu.memory_space<vmem>>, vector<16xf32>,
    tpu.vector_store %arg32[%swap3A_1002], %add3A_1001 {strides = array<i32>} : memref<512xf32, #tpu.memory_space<vmem>>, vector<16xf32>,
    %get3A_1004 = arith.constant 112 : index
    %get3A_1005 = tpu.vector_load %arg20[%get3A_1004] {strides = array<i32>} : memref<512xi32, #tpu.memory_space<vmem>>, vector<16xi32>,
    %gather3A_1006 = tpu.vector_load_idx %arg25[%get3A_1005] : memref<1024xf32, #tpu.memory_space<vmem>>[vector<16xi32>], vector<16xf32>,
    %get3A_1007 = arith.constant 112 : index
    %get3A_1008 = tpu.vector_load %arg21[%get3A_1007] {strides = array<i32>} : memref<512xi32, #tpu.memory_space<vmem>>, vector<16xi32>,
    %gather3A_1009 = tpu.vector_load_idx %arg26[%get3A_1008] : memref<1024xf32, #tpu.memory_space<vmem>>[vector<16xi32>], vector<16xf32>,
    %get3A_1010 = arith.constant 112 : index
    %get3A_1011 = tpu.vector_load %arg27[%get3A_1010] {strides = array<i32>} : memref<512xf32, #tpu.memory_space<vmem>>, vector<16xf32>,
    %mul3A_1012 = arith.mulf %get3A_1011, %get3A_664 : vector<16xf32>
    %get3A_1013 = arith.constant 112 : index
    %get3A_1014 = tpu.vector_load %arg28[%get3A_1013] {strides = array<i32>} : memref<512xf32, #tpu.memory_space<vmem>>, vector<16xf32>,
    %mul3A_1015 = arith.mulf %get3A_1014, %get3A_666 : vector<16xf32>
    %add3A_1016 = arith.addf %mul3A_1012, %mul3A_1015 : vector<16xf32>
    %get3A_1017 = arith.constant 112 : index
    %get3A_1018 = tpu.vector_load %arg29[%get3A_1017] {strides = array<i32>} : memref<512xf32, #tpu.memory_space<vmem>>, vector<16xf32>,
    %mul3A_1019 = arith.mulf %get3A_1018, %get3A_668 : vector<16xf32>
    %add3A_1020 = arith.addf %add3A_1016, %mul3A_1019 : vector<16xf32>
    %get3A_1021 = arith.constant 112 : index
    %get3A_1022 = tpu.vector_load %arg30[%get3A_1021] {strides = array<i32>} : memref<512xf32, #tpu.memory_space<vmem>>, vector<16xf32>,
    %mul3A_1023 = arith.mulf %get3A_1022, %get3A_670 : vector<16xf32>
    %add3A_1024 = arith.addf %add3A_1020, %mul3A_1023 : vector<16xf32>
    %get3A_1025 = arith.constant 112 : index
    %get3A_1026 = tpu.vector_load %arg22[%get3A_1025] {strides = array<i32>} : memref<512xf32, #tpu.memory_space<vmem>>, vector<16xf32>,
    %add3A_1027 = arith.addf %add3A_1024, %get3A_1026 : vector<16xf32>
    %get3A_1028 = arith.constant 112 : index
    %get3A_1029 = tpu.vector_load %arg23[%get3A_1028] {strides = array<i32>} : memref<512xf32, #tpu.memory_space<vmem>>, vector<16xf32>,
    %add3A_1030 = arith.addf %add3A_1027, %get3A_1029 : vector<16xf32>
    %get3A_1031 = arith.constant 112 : index
    %get3A_1032 = tpu.vector_load %arg24[%get3A_1031] {strides = array<i32>} : memref<512xf32, #tpu.memory_space<vmem>>, vector<16xf32>,
    %add3A_1033 = arith.addf %add3A_1030, %get3A_1032 : vector<16xf32>
    %add3A_1034 = arith.addf %add3A_1033, %gather3A_1006 : vector<16xf32>
    %add3A_1035 = arith.addf %add3A_1034, %gather3A_1009 : vector<16xf32>
    %swap3A_1036 = arith.constant 112 : index
    %swap3A_1037 = tpu.vector_load %arg32[%swap3A_1036] {strides = array<i32>} : memref<512xf32, #tpu.memory_space<vmem>>, vector<16xf32>,
    tpu.vector_store %arg32[%swap3A_1036], %add3A_1035 {strides = array<i32>} : memref<512xf32, #tpu.memory_space<vmem>>, vector<16xf32>,
    %get3A_1038 = arith.constant 128 : index
    %get3A_1039 = tpu.vector_load %arg20[%get3A_1038] {strides = array<i32>} : memref<512xi32, #tpu.memory_space<vmem>>, vector<16xi32>,
    %gather3A_1040 = tpu.vector_load_idx %arg25[%get3A_1039] : memref<1024xf32, #tpu.memory_space<vmem>>[vector<16xi32>], vector<16xf32>,
    %get3A_1041 = arith.constant 128 : index
    %get3A_1042 = tpu.vector_load %arg21[%get3A_1041] {strides = array<i32>} : memref<512xi32, #tpu.memory_space<vmem>>, vector<16xi32>,
    %gather3A_1043 = tpu.vector_load_idx %arg26[%get3A_1042] : memref<1024xf32, #tpu.memory_space<vmem>>[vector<16xi32>], vector<16xf32>,
    %get3A_1044 = arith.constant 128 : index
    %get3A_1045 = tpu.vector_load %arg27[%get3A_1044] {strides = array<i32>} : memref<512xf32, #tpu.memory_space<vmem>>, vector<16xf32>,
    %mul3A_1046 = arith.mulf %get3A_1045, %get3A_664 : vector<16xf32>
    %get3A_1047 = arith.constant 128 : index
    %get3A_1048 = tpu.vector_load %arg28[%get3A_1047] {strides = array<i32>} : memref<512xf32, #tpu.memory_space<vmem>>, vector<16xf32>,
    %mul3A_1049 = arith.mulf %get3A_1048, %get3A_666 : vector<16xf32>
    %add3A_1050 = arith.addf %mul3A_1046, %mul3A_1049 : vector<16xf32>
    %get3A_1051 = arith.constant 128 : index
    %get3A_1052 = tpu.vector_load %arg29[%get3A_1051] {strides = array<i32>} : memref<512xf32, #tpu.memory_space<vmem>>, vector<16xf32>,
    %mul3A_1053 = arith.mulf %get3A_1052, %get3A_668 : vector<16xf32>
    %add3A_1054 = arith.addf %add3A_1050, %mul3A_1053 : vector<16xf32>
    %get3A_1055 = arith.constant 128 : index
    %get3A_1056 = tpu.vector_load %arg30[%get3A_1055] {strides = array<i32>} : memref<512xf32, #tpu.memory_space<vmem>>, vector<16xf32>,
    %mul3A_1057 = arith.mulf %get3A_1056, %get3A_670 : vector<16xf32>
    %add3A_1058 = arith.addf %add3A_1054, %mul3A_1057 : vector<16xf32>
    %get3A_1059 = arith.constant 128 : index
    %get3A_1060 = tpu.vector_load %arg22[%get3A_1059] {strides = array<i32>} : memref<512xf32, #tpu.memory_space<vmem>>, vector<16xf32>,
    %add3A_1061 = arith.addf %add3A_1058, %get3A_1060 : vector<16xf32>
    %get3A_1062 = arith.constant 128 : index
    %get3A_1063 = tpu.vector_load %arg23[%get3A_1062] {strides = array<i32>} : memref<512xf32, #tpu.memory_space<vmem>>, vector<16xf32>,
    %add3A_1064 = arith.addf %add3A_1061, %get3A_1063 : vector<16xf32>
    %get3A_1065 = arith.constant 128 : index
    %get3A_1066 = tpu.vector_load %arg24[%get3A_1065] {strides = array<i32>} : memref<512xf32, #tpu.memory_space<vmem>>, vector<16xf32>,
    %add3A_1067 = arith.addf %add3A_1064, %get3A_1066 : vector<16xf32>
    %add3A_1068 = arith.addf %add3A_1067, %gather3A_1040 : vector<16xf32>
    %add3A_1069 = arith.addf %add3A_1068, %gather3A_1043 : vector<16xf32>
    %swap3A_1070 = arith.constant 128 : index
    %swap3A_1071 = tpu.vector_load %arg32[%swap3A_1070] {strides = array<i32>} : memref<512xf32, #tpu.memory_space<vmem>>, vector<16xf32>,
    tpu.vector_store %arg32[%swap3A_1070], %add3A_1069 {strides = array<i32>} : memref<512xf32, #tpu.memory_space<vmem>>, vector<16xf32>,
    %get3A_1072 = arith.constant 144 : index
    %get3A_1073 = tpu.vector_load %arg20[%get3A_1072] {strides = array<i32>} : memref<512xi32, #tpu.memory_space<vmem>>, vector<16xi32>,
    %gather3A_1074 = tpu.vector_load_idx %arg25[%get3A_1073] : memref<1024xf32, #tpu.memory_space<vmem>>[vector<16xi32>], vector<16xf32>,
    %get3A_1075 = arith.constant 144 : index
    %get3A_1076 = tpu.vector_load %arg21[%get3A_1075] {strides = array<i32>} : memref<512xi32, #tpu.memory_space<vmem>>, vector<16xi32>,
    %gather3A_1077 = tpu.vector_load_idx %arg26[%get3A_1076] : memref<1024xf32, #tpu.memory_space<vmem>>[vector<16xi32>], vector<16xf32>,
    %get3A_1078 = arith.constant 144 : index
    %get3A_1079 = tpu.vector_load %arg27[%get3A_1078] {strides = array<i32>} : memref<512xf32, #tpu.memory_space<vmem>>, vector<16xf32>,
    %mul3A_1080 = arith.mulf %get3A_1079, %get3A_664 : vector<16xf32>
    %get3A_1081 = arith.constant 144 : index
    %get3A_1082 = tpu.vector_load %arg28[%get3A_1081] {strides = array<i32>} : memref<512xf32, #tpu.memory_space<vmem>>, vector<16xf32>,
    %mul3A_1083 = arith.mulf %get3A_1082, %get3A_666 : vector<16xf32>
    %add3A_1084 = arith.addf %mul3A_1080, %mul3A_1083 : vector<16xf32>
    %get3A_1085 = arith.constant 144 : index
    %get3A_1086 = tpu.vector_load %arg29[%get3A_1085] {strides = array<i32>} : memref<512xf32, #tpu.memory_space<vmem>>, vector<16xf32>,
    %mul3A_1087 = arith.mulf %get3A_1086, %get3A_668 : vector<16xf32>
    %add3A_1088 = arith.addf %add3A_1084, %mul3A_1087 : vector<16xf32>
    %get3A_1089 = arith.constant 144 : index
    %get3A_1090 = tpu.vector_load %arg30[%get3A_1089] {strides = array<i32>} : memref<512xf32, #tpu.memory_space<vmem>>, vector<16xf32>,
    %mul3A_1091 = arith.mulf %get3A_1090, %get3A_670 : vector<16xf32>
    %add3A_1092 = arith.addf %add3A_1088, %mul3A_1091 : vector<16xf32>
    %get3A_1093 = arith.constant 144 : index
    %get3A_1094 = tpu.vector_load %arg22[%get3A_1093] {strides = array<i32>} : memref<512xf32, #tpu.memory_space<vmem>>, vector<16xf32>,
    %add3A_1095 = arith.addf %add3A_1092, %get3A_1094 : vector<16xf32>
    %get3A_1096 = arith.constant 144 : index
    %get3A_1097 = tpu.vector_load %arg23[%get3A_1096] {strides = array<i32>} : memref<512xf32, #tpu.memory_space<vmem>>, vector<16xf32>,
    %add3A_1098 = arith.addf %add3A_1095, %get3A_1097 : vector<16xf32>
    %get3A_1099 = arith.constant 144 : index
    %get3A_1100 = tpu.vector_load %arg24[%get3A_1099] {strides = array<i32>} : memref<512xf32, #tpu.memory_space<vmem>>, vector<16xf32>,
    %add3A_1101 = arith.addf %add3A_1098, %get3A_1100 : vector<16xf32>
    %add3A_1102 = arith.addf %add3A_1101, %gather3A_1074 : vector<16xf32>
    %add3A_1103 = arith.addf %add3A_1102, %gather3A_1077 : vector<16xf32>
    %swap3A_1104 = arith.constant 144 : index
    %swap3A_1105 = tpu.vector_load %arg32[%swap3A_1104] {strides = array<i32>} : memref<512xf32, #tpu.memory_space<vmem>>, vector<16xf32>,
    tpu.vector_store %arg32[%swap3A_1104], %add3A_1103 {strides = array<i32>} : memref<512xf32, #tpu.memory_space<vmem>>, vector<16xf32>,
    %get3A_1106 = arith.constant 160 : index
    %get3A_1107 = tpu.vector_load %arg20[%get3A_1106] {strides = array<i32>} : memref<512xi32, #tpu.memory_space<vmem>>, vector<16xi32>,
    %gather3A_1108 = tpu.vector_load_idx %arg25[%get3A_1107] : memref<1024xf32, #tpu.memory_space<vmem>>[vector<16xi32>], vector<16xf32>,
    %get3A_1109 = arith.constant 160 : index
    %get3A_1110 = tpu.vector_load %arg21[%get3A_1109] {strides = array<i32>} : memref<512xi32, #tpu.memory_space<vmem>>, vector<16xi32>,
    %gather3A_1111 = tpu.vector_load_idx %arg26[%get3A_1110] : memref<1024xf32, #tpu.memory_space<vmem>>[vector<16xi32>], vector<16xf32>,
    %get3A_1112 = arith.constant 160 : index
    %get3A_1113 = tpu.vector_load %arg27[%get3A_1112] {strides = array<i32>} : memref<512xf32, #tpu.memory_space<vmem>>, vector<16xf32>,
    %mul3A_1114 = arith.mulf %get3A_1113, %get3A_664 : vector<16xf32>
    %get3A_1115 = arith.constant 160 : index
    %get3A_1116 = tpu.vector_load %arg28[%get3A_1115] {strides = array<i32>} : memref<512xf32, #tpu.memory_space<vmem>>, vector<16xf32>,
    %mul3A_1117 = arith.mulf %get3A_1116, %get3A_666 : vector<16xf32>
    %add3A_1118 = arith.addf %mul3A_1114, %mul3A_1117 : vector<16xf32>
    %get3A_1119 = arith.constant 160 : index
    %get3A_1120 = tpu.vector_load %arg29[%get3A_1119] {strides = array<i32>} : memref<512xf32, #tpu.memory_space<vmem>>, vector<16xf32>,
    %mul3A_1121 = arith.mulf %get3A_1120, %get3A_668 : vector<16xf32>
    %add3A_1122 = arith.addf %add3A_1118, %mul3A_1121 : vector<16xf32>
    %get3A_1123 = arith.constant 160 : index
    %get3A_1124 = tpu.vector_load %arg30[%get3A_1123] {strides = array<i32>} : memref<512xf32, #tpu.memory_space<vmem>>, vector<16xf32>,
    %mul3A_1125 = arith.mulf %get3A_1124, %get3A_670 : vector<16xf32>
    %add3A_1126 = arith.addf %add3A_1122, %mul3A_1125 : vector<16xf32>
    %get3A_1127 = arith.constant 160 : index
    %get3A_1128 = tpu.vector_load %arg22[%get3A_1127] {strides = array<i32>} : memref<512xf32, #tpu.memory_space<vmem>>, vector<16xf32>,
    %add3A_1129 = arith.addf %add3A_1126, %get3A_1128 : vector<16xf32>
    %get3A_1130 = arith.constant 160 : index
    %get3A_1131 = tpu.vector_load %arg23[%get3A_1130] {strides = array<i32>} : memref<512xf32, #tpu.memory_space<vmem>>, vector<16xf32>,
    %add3A_1132 = arith.addf %add3A_1129, %get3A_1131 : vector<16xf32>
    %get3A_1133 = arith.constant 160 : index
    %get3A_1134 = tpu.vector_load %arg24[%get3A_1133] {strides = array<i32>} : memref<512xf32, #tpu.memory_space<vmem>>, vector<16xf32>,
    %add3A_1135 = arith.addf %add3A_1132, %get3A_1134 : vector<16xf32>
    %add3A_1136 = arith.addf %add3A_1135, %gather3A_1108 : vector<16xf32>
    %add3A_1137 = arith.addf %add3A_1136, %gather3A_1111 : vector<16xf32>
    %swap3A_1138 = arith.constant 160 : index
    %swap3A_1139 = tpu.vector_load %arg32[%swap3A_1138] {strides = array<i32>} : memref<512xf32, #tpu.memory_space<vmem>>, vector<16xf32>,
    tpu.vector_store %arg32[%swap3A_1138], %add3A_1137 {strides = array<i32>} : memref<512xf32, #tpu.memory_space<vmem>>, vector<16xf32>,
    %get3A_1140 = arith.constant 176 : index
    %get3A_1141 = tpu.vector_load %arg20[%get3A_1140] {strides = array<i32>} : memref<512xi32, #tpu.memory_space<vmem>>, vector<16xi32>,
    %gather3A_1142 = tpu.vector_load_idx %arg25[%get3A_1141] : memref<1024xf32, #tpu.memory_space<vmem>>[vector<16xi32>], vector<16xf32>,
    %get3A_1143 = arith.constant 176 : index
    %get3A_1144 = tpu.vector_load %arg21[%get3A_1143] {strides = array<i32>} : memref<512xi32, #tpu.memory_space<vmem>>, vector<16xi32>,
    %gather3A_1145 = tpu.vector_load_idx %arg26[%get3A_1144] : memref<1024xf32, #tpu.memory_space<vmem>>[vector<16xi32>], vector<16xf32>,
    %get3A_1146 = arith.constant 176 : index
    %get3A_1147 = tpu.vector_load %arg27[%get3A_1146] {strides = array<i32>} : memref<512xf32, #tpu.memory_space<vmem>>, vector<16xf32>,
    %mul3A_1148 = arith.mulf %get3A_1147, %get3A_664 : vector<16xf32>
    %get3A_1149 = arith.constant 176 : index
    %get3A_1150 = tpu.vector_load %arg28[%get3A_1149] {strides = array<i32>} : memref<512xf32, #tpu.memory_space<vmem>>, vector<16xf32>,
    %mul3A_1151 = arith.mulf %get3A_1150, %get3A_666 : vector<16xf32>
    %add3A_1152 = arith.addf %mul3A_1148, %mul3A_1151 : vector<16xf32>
    %get3A_1153 = arith.constant 176 : index
    %get3A_1154 = tpu.vector_load %arg29[%get3A_1153] {strides = array<i32>} : memref<512xf32, #tpu.memory_space<vmem>>, vector<16xf32>,
    %mul3A_1155 = arith.mulf %get3A_1154, %get3A_668 : vector<16xf32>
    %add3A_1156 = arith.addf %add3A_1152, %mul3A_1155 : vector<16xf32>
    %get3A_1157 = arith.constant 176 : index
    %get3A_1158 = tpu.vector_load %arg30[%get3A_1157] {strides = array<i32>} : memref<512xf32, #tpu.memory_space<vmem>>, vector<16xf32>,
    %mul3A_1159 = arith.mulf %get3A_1158, %get3A_670 : vector<16xf32>
    %add3A_1160 = arith.addf %add3A_1156, %mul3A_1159 : vector<16xf32>
    %get3A_1161 = arith.constant 176 : index
    %get3A_1162 = tpu.vector_load %arg22[%get3A_1161] {strides = array<i32>} : memref<512xf32, #tpu.memory_space<vmem>>, vector<16xf32>,
    %add3A_1163 = arith.addf %add3A_1160, %get3A_1162 : vector<16xf32>
    %get3A_1164 = arith.constant 176 : index
    %get3A_1165 = tpu.vector_load %arg23[%get3A_1164] {strides = array<i32>} : memref<512xf32, #tpu.memory_space<vmem>>, vector<16xf32>,
    %add3A_1166 = arith.addf %add3A_1163, %get3A_1165 : vector<16xf32>
    %get3A_1167 = arith.constant 176 : index
    %get3A_1168 = tpu.vector_load %arg24[%get3A_1167] {strides = array<i32>} : memref<512xf32, #tpu.memory_space<vmem>>, vector<16xf32>,
    %add3A_1169 = arith.addf %add3A_1166, %get3A_1168 : vector<16xf32>
    %add3A_1170 = arith.addf %add3A_1169, %gather3A_1142 : vector<16xf32>
    %add3A_1171 = arith.addf %add3A_1170, %gather3A_1145 : vector<16xf32>
    %swap3A_1172 = arith.constant 176 : index
    %swap3A_1173 = tpu.vector_load %arg32[%swap3A_1172] {strides = array<i32>} : memref<512xf32, #tpu.memory_space<vmem>>, vector<16xf32>,
    tpu.vector_store %arg32[%swap3A_1172], %add3A_1171 {strides = array<i32>} : memref<512xf32, #tpu.memory_space<vmem>>, vector<16xf32>,
    %get3A_1174 = arith.constant 192 : index
    %get3A_1175 = tpu.vector_load %arg20[%get3A_1174] {strides = array<i32>} : memref<512xi32, #tpu.memory_space<vmem>>, vector<16xi32>,
    %gather3A_1176 = tpu.vector_load_idx %arg25[%get3A_1175] : memref<1024xf32, #tpu.memory_space<vmem>>[vector<16xi32>], vector<16xf32>,
    %get3A_1177 = arith.constant 192 : index
    %get3A_1178 = tpu.vector_load %arg21[%get3A_1177] {strides = array<i32>} : memref<512xi32, #tpu.memory_space<vmem>>, vector<16xi32>,
    %gather3A_1179 = tpu.vector_load_idx %arg26[%get3A_1178] : memref<1024xf32, #tpu.memory_space<vmem>>[vector<16xi32>], vector<16xf32>,
    %get3A_1180 = arith.constant 192 : index
    %get3A_1181 = tpu.vector_load %arg27[%get3A_1180] {strides = array<i32>} : memref<512xf32, #tpu.memory_space<vmem>>, vector<16xf32>,
    %mul3A_1182 = arith.mulf %get3A_1181, %get3A_664 : vector<16xf32>
    %get3A_1183 = arith.constant 192 : index
    %get3A_1184 = tpu.vector_load %arg28[%get3A_1183] {strides = array<i32>} : memref<512xf32, #tpu.memory_space<vmem>>, vector<16xf32>,
    %mul3A_1185 = arith.mulf %get3A_1184, %get3A_666 : vector<16xf32>
    %add3A_1186 = arith.addf %mul3A_1182, %mul3A_1185 : vector<16xf32>
    %get3A_1187 = arith.constant 192 : index
    %get3A_1188 = tpu.vector_load %arg29[%get3A_1187] {strides = array<i32>} : memref<512xf32, #tpu.memory_space<vmem>>, vector<16xf32>,
    %mul3A_1189 = arith.mulf %get3A_1188, %get3A_668 : vector<16xf32>
    %add3A_1190 = arith.addf %add3A_1186, %mul3A_1189 : vector<16xf32>
    %get3A_1191 = arith.constant 192 : index
    %get3A_1192 = tpu.vector_load %arg30[%get3A_1191] {strides = array<i32>} : memref<512xf32, #tpu.memory_space<vmem>>, vector<16xf32>,
    %mul3A_1193 = arith.mulf %get3A_1192, %get3A_670 : vector<16xf32>
    %add3A_1194 = arith.addf %add3A_1190, %mul3A_1193 : vector<16xf32>
    %get3A_1195 = arith.constant 192 : index
    %get3A_1196 = tpu.vector_load %arg22[%get3A_1195] {strides = array<i32>} : memref<512xf32, #tpu.memory_space<vmem>>, vector<16xf32>,
    %add3A_1197 = arith.addf %add3A_1194, %get3A_1196 : vector<16xf32>
    %get3A_1198 = arith.constant 192 : index
    %get3A_1199 = tpu.vector_load %arg23[%get3A_1198] {strides = array<i32>} : memref<512xf32, #tpu.memory_space<vmem>>, vector<16xf32>,
    %add3A_1200 = arith.addf %add3A_1197, %get3A_1199 : vector<16xf32>
    %get3A_1201 = arith.constant 192 : index
    %get3A_1202 = tpu.vector_load %arg24[%get3A_1201] {strides = array<i32>} : memref<512xf32, #tpu.memory_space<vmem>>, vector<16xf32>,
    %add3A_1203 = arith.addf %add3A_1200, %get3A_1202 : vector<16xf32>
    %add3A_1204 = arith.addf %add3A_1203, %gather3A_1176 : vector<16xf32>
    %add3A_1205 = arith.addf %add3A_1204, %gather3A_1179 : vector<16xf32>
    %swap3A_1206 = arith.constant 192 : index
    %swap3A_1207 = tpu.vector_load %arg32[%swap3A_1206] {strides = array<i32>} : memref<512xf32, #tpu.memory_space<vmem>>, vector<16xf32>,
    tpu.vector_store %arg32[%swap3A_1206], %add3A_1205 {strides = array<i32>} : memref<512xf32, #tpu.memory_space<vmem>>, vector<16xf32>,
    %get3A_1208 = arith.constant 208 : index
    %get3A_1209 = tpu.vector_load %arg20[%get3A_1208] {strides = array<i32>} : memref<512xi32, #tpu.memory_space<vmem>>, vector<16xi32>,
    %gather3A_1210 = tpu.vector_load_idx %arg25[%get3A_1209] : memref<1024xf32, #tpu.memory_space<vmem>>[vector<16xi32>], vector<16xf32>,
    %get3A_1211 = arith.constant 208 : index
    %get3A_1212 = tpu.vector_load %arg21[%get3A_1211] {strides = array<i32>} : memref<512xi32, #tpu.memory_space<vmem>>, vector<16xi32>,
    %gather3A_1213 = tpu.vector_load_idx %arg26[%get3A_1212] : memref<1024xf32, #tpu.memory_space<vmem>>[vector<16xi32>], vector<16xf32>,
    %get3A_1214 = arith.constant 208 : index
    %get3A_1215 = tpu.vector_load %arg27[%get3A_1214] {strides = array<i32>} : memref<512xf32, #tpu.memory_space<vmem>>, vector<16xf32>,
    %mul3A_1216 = arith.mulf %get3A_1215, %get3A_664 : vector<16xf32>
    %get3A_1217 = arith.constant 208 : index
    %get3A_1218 = tpu.vector_load %arg28[%get3A_1217] {strides = array<i32>} : memref<512xf32, #tpu.memory_space<vmem>>, vector<16xf32>,
    %mul3A_1219 = arith.mulf %get3A_1218, %get3A_666 : vector<16xf32>
    %add3A_1220 = arith.addf %mul3A_1216, %mul3A_1219 : vector<16xf32>
    %get3A_1221 = arith.constant 208 : index
    %get3A_1222 = tpu.vector_load %arg29[%get3A_1221] {strides = array<i32>} : memref<512xf32, #tpu.memory_space<vmem>>, vector<16xf32>,
    %mul3A_1223 = arith.mulf %get3A_1222, %get3A_668 : vector<16xf32>
    %add3A_1224 = arith.addf %add3A_1220, %mul3A_1223 : vector<16xf32>
    %get3A_1225 = arith.constant 208 : index
    %get3A_1226 = tpu.vector_load %arg30[%get3A_1225] {strides = array<i32>} : memref<512xf32, #tpu.memory_space<vmem>>, vector<16xf32>,
    %mul3A_1227 = arith.mulf %get3A_1226, %get3A_670 : vector<16xf32>
    %add3A_1228 = arith.addf %add3A_1224, %mul3A_1227 : vector<16xf32>
    %get3A_1229 = arith.constant 208 : index
    %get3A_1230 = tpu.vector_load %arg22[%get3A_1229] {strides = array<i32>} : memref<512xf32, #tpu.memory_space<vmem>>, vector<16xf32>,
    %add3A_1231 = arith.addf %add3A_1228, %get3A_1230 : vector<16xf32>
    %get3A_1232 = arith.constant 208 : index
    %get3A_1233 = tpu.vector_load %arg23[%get3A_1232] {strides = array<i32>} : memref<512xf32, #tpu.memory_space<vmem>>, vector<16xf32>,
    %add3A_1234 = arith.addf %add3A_1231, %get3A_1233 : vector<16xf32>
    %get3A_1235 = arith.constant 208 : index
    %get3A_1236 = tpu.vector_load %arg24[%get3A_1235] {strides = array<i32>} : memref<512xf32, #tpu.memory_space<vmem>>, vector<16xf32>,
    %add3A_1237 = arith.addf %add3A_1234, %get3A_1236 : vector<16xf32>
    %add3A_1238 = arith.addf %add3A_1237, %gather3A_1210 : vector<16xf32>
    %add3A_1239 = arith.addf %add3A_1238, %gather3A_1213 : vector<16xf32>
    %swap3A_1240 = arith.constant 208 : index
    %swap3A_1241 = tpu.vector_load %arg32[%swap3A_1240] {strides = array<i32>} : memref<512xf32, #tpu.memory_space<vmem>>, vector<16xf32>,
    tpu.vector_store %arg32[%swap3A_1240], %add3A_1239 {strides = array<i32>} : memref<512xf32, #tpu.memory_space<vmem>>, vector<16xf32>,
    %get3A_1242 = arith.constant 224 : index
    %get3A_1243 = tpu.vector_load %arg20[%get3A_1242] {strides = array<i32>} : memref<512xi32, #tpu.memory_space<vmem>>, vector<16xi32>,
    %gather3A_1244 = tpu.vector_load_idx %arg25[%get3A_1243] : memref<1024xf32, #tpu.memory_space<vmem>>[vector<16xi32>], vector<16xf32>,
    %get3A_1245 = arith.constant 224 : index
    %get3A_1246 = tpu.vector_load %arg21[%get3A_1245] {strides = array<i32>} : memref<512xi32, #tpu.memory_space<vmem>>, vector<16xi32>,
    %gather3A_1247 = tpu.vector_load_idx %arg26[%get3A_1246] : memref<1024xf32, #tpu.memory_space<vmem>>[vector<16xi32>], vector<16xf32>,
    %get3A_1248 = arith.constant 224 : index
    %get3A_1249 = tpu.vector_load %arg27[%get3A_1248] {strides = array<i32>} : memref<512xf32, #tpu.memory_space<vmem>>, vector<16xf32>,
    %mul3A_1250 = arith.mulf %get3A_1249, %get3A_664 : vector<16xf32>
    %get3A_1251 = arith.constant 224 : index
    %get3A_1252 = tpu.vector_load %arg28[%get3A_1251] {strides = array<i32>} : memref<512xf32, #tpu.memory_space<vmem>>, vector<16xf32>,
    %mul3A_1253 = arith.mulf %get3A_1252, %get3A_666 : vector<16xf32>
    %add3A_1254 = arith.addf %mul3A_1250, %mul3A_1253 : vector<16xf32>
    %get3A_1255 = arith.constant 224 : index
    %get3A_1256 = tpu.vector_load %arg29[%get3A_1255] {strides = array<i32>} : memref<512xf32, #tpu.memory_space<vmem>>, vector<16xf32>,
    %mul3A_1257 = arith.mulf %get3A_1256, %get3A_668 : vector<16xf32>
    %add3A_1258 = arith.addf %add3A_1254, %mul3A_1257 : vector<16xf32>
    %get3A_1259 = arith.constant 224 : index
    %get3A_1260 = tpu.vector_load %arg30[%get3A_1259] {strides = array<i32>} : memref<512xf32, #tpu.memory_space<vmem>>, vector<16xf32>,
    %mul3A_1261 = arith.mulf %get3A_1260, %get3A_670 : vector<16xf32>
    %add3A_1262 = arith.addf %add3A_1258, %mul3A_1261 : vector<16xf32>
    %get3A_1263 = arith.constant 224 : index
    %get3A_1264 = tpu.vector_load %arg22[%get3A_1263] {strides = array<i32>} : memref<512xf32, #tpu.memory_space<vmem>>, vector<16xf32>,
    %add3A_1265 = arith.addf %add3A_1262, %get3A_1264 : vector<16xf32>
    %get3A_1266 = arith.constant 224 : index
    %get3A_1267 = tpu.vector_load %arg23[%get3A_1266] {strides = array<i32>} : memref<512xf32, #tpu.memory_space<vmem>>, vector<16xf32>,
    %add3A_1268 = arith.addf %add3A_1265, %get3A_1267 : vector<16xf32>
    %get3A_1269 = arith.constant 224 : index
    %get3A_1270 = tpu.vector_load %arg24[%get3A_1269] {strides = array<i32>} : memref<512xf32, #tpu.memory_space<vmem>>, vector<16xf32>,
    %add3A_1271 = arith.addf %add3A_1268, %get3A_1270 : vector<16xf32>
    %add3A_1272 = arith.addf %add3A_1271, %gather3A_1244 : vector<16xf32>
    %add3A_1273 = arith.addf %add3A_1272, %gather3A_1247 : vector<16xf32>
    %swap3A_1274 = arith.constant 224 : index
    %swap3A_1275 = tpu.vector_load %arg32[%swap3A_1274] {strides = array<i32>} : memref<512xf32, #tpu.memory_space<vmem>>, vector<16xf32>,
    tpu.vector_store %arg32[%swap3A_1274], %add3A_1273 {strides = array<i32>} : memref<512xf32, #tpu.memory_space<vmem>>, vector<16xf32>,
    %get3A_1276 = arith.constant 240 : index
    %get3A_1277 = tpu.vector_load %arg20[%get3A_1276] {strides = array<i32>} : memref<512xi32, #tpu.memory_space<vmem>>, vector<16xi32>,
    %gather3A_1278 = tpu.vector_load_idx %arg25[%get3A_1277] : memref<1024xf32, #tpu.memory_space<vmem>>[vector<16xi32>], vector<16xf32>,
    %get3A_1279 = arith.constant 240 : index
    %get3A_1280 = tpu.vector_load %arg21[%get3A_1279] {strides = array<i32>} : memref<512xi32, #tpu.memory_space<vmem>>, vector<16xi32>,
    %gather3A_1281 = tpu.vector_load_idx %arg26[%get3A_1280] : memref<1024xf32, #tpu.memory_space<vmem>>[vector<16xi32>], vector<16xf32>,
    %get3A_1282 = arith.constant 240 : index
    %get3A_1283 = tpu.vector_load %arg27[%get3A_1282] {strides = array<i32>} : memref<512xf32, #tpu.memory_space<vmem>>, vector<16xf32>,
    %mul3A_1284 = arith.mulf %get3A_1283, %get3A_664 : vector<16xf32>
    %get3A_1285 = arith.constant 240 : index
    %get3A_1286 = tpu.vector_load %arg28[%get3A_1285] {strides = array<i32>} : memref<512xf32, #tpu.memory_space<vmem>>, vector<16xf32>,
    %mul3A_1287 = arith.mulf %get3A_1286, %get3A_666 : vector<16xf32>
    %add3A_1288 = arith.addf %mul3A_1284, %mul3A_1287 : vector<16xf32>
    %get3A_1289 = arith.constant 240 : index
    %get3A_1290 = tpu.vector_load %arg29[%get3A_1289] {strides = array<i32>} : memref<512xf32, #tpu.memory_space<vmem>>, vector<16xf32>,
    %mul3A_1291 = arith.mulf %get3A_1290, %get3A_668 : vector<16xf32>
    %add3A_1292 = arith.addf %add3A_1288, %mul3A_1291 : vector<16xf32>
    %get3A_1293 = arith.constant 240 : index
    %get3A_1294 = tpu.vector_load %arg30[%get3A_1293] {strides = array<i32>} : memref<512xf32, #tpu.memory_space<vmem>>, vector<16xf32>,
    %mul3A_1295 = arith.mulf %get3A_1294, %get3A_670 : vector<16xf32>
    %add3A_1296 = arith.addf %add3A_1292, %mul3A_1295 : vector<16xf32>
    %get3A_1297 = arith.constant 240 : index
    %get3A_1298 = tpu.vector_load %arg22[%get3A_1297] {strides = array<i32>} : memref<512xf32, #tpu.memory_space<vmem>>, vector<16xf32>,
    %add3A_1299 = arith.addf %add3A_1296, %get3A_1298 : vector<16xf32>
    %get3A_1300 = arith.constant 240 : index
    %get3A_1301 = tpu.vector_load %arg23[%get3A_1300] {strides = array<i32>} : memref<512xf32, #tpu.memory_space<vmem>>, vector<16xf32>,
    %add3A_1302 = arith.addf %add3A_1299, %get3A_1301 : vector<16xf32>
    %get3A_1303 = arith.constant 240 : index
    %get3A_1304 = tpu.vector_load %arg24[%get3A_1303] {strides = array<i32>} : memref<512xf32, #tpu.memory_space<vmem>>, vector<16xf32>,
    %add3A_1305 = arith.addf %add3A_1302, %get3A_1304 : vector<16xf32>
    %add3A_1306 = arith.addf %add3A_1305, %gather3A_1278 : vector<16xf32>
    %add3A_1307 = arith.addf %add3A_1306, %gather3A_1281 : vector<16xf32>
    %swap3A_1308 = arith.constant 240 : index
    %swap3A_1309 = tpu.vector_load %arg32[%swap3A_1308] {strides = array<i32>} : memref<512xf32, #tpu.memory_space<vmem>>, vector<16xf32>,
    tpu.vector_store %arg32[%swap3A_1308], %add3A_1307 {strides = array<i32>} : memref<512xf32, #tpu.memory_space<vmem>>, vector<16xf32>,
    %get3A_1310 = arith.constant 256 : index
    %get3A_1311 = tpu.vector_load %arg20[%get3A_1310] {strides = array<i32>} : memref<512xi32, #tpu.memory_space<vmem>>, vector<16xi32>,
    %gather3A_1312 = tpu.vector_load_idx %arg25[%get3A_1311] : memref<1024xf32, #tpu.memory_space<vmem>>[vector<16xi32>], vector<16xf32>,
    %get3A_1313 = arith.constant 256 : index
    %get3A_1314 = tpu.vector_load %arg21[%get3A_1313] {strides = array<i32>} : memref<512xi32, #tpu.memory_space<vmem>>, vector<16xi32>,
    %gather3A_1315 = tpu.vector_load_idx %arg26[%get3A_1314] : memref<1024xf32, #tpu.memory_space<vmem>>[vector<16xi32>], vector<16xf32>,
    %get3A_1316 = arith.constant 256 : index
    %get3A_1317 = tpu.vector_load %arg27[%get3A_1316] {strides = array<i32>} : memref<512xf32, #tpu.memory_space<vmem>>, vector<16xf32>,
    %mul3A_1318 = arith.mulf %get3A_1317, %get3A_664 : vector<16xf32>
    %get3A_1319 = arith.constant 256 : index
    %get3A_1320 = tpu.vector_load %arg28[%get3A_1319] {strides = array<i32>} : memref<512xf32, #tpu.memory_space<vmem>>, vector<16xf32>,
    %mul3A_1321 = arith.mulf %get3A_1320, %get3A_666 : vector<16xf32>
    %add3A_1322 = arith.addf %mul3A_1318, %mul3A_1321 : vector<16xf32>
    %get3A_1323 = arith.constant 256 : index
    %get3A_1324 = tpu.vector_load %arg29[%get3A_1323] {strides = array<i32>} : memref<512xf32, #tpu.memory_space<vmem>>, vector<16xf32>,
    %mul3A_1325 = arith.mulf %get3A_1324, %get3A_668 : vector<16xf32>
    %add3A_1326 = arith.addf %add3A_1322, %mul3A_1325 : vector<16xf32>
    %get3A_1327 = arith.constant 256 : index
    %get3A_1328 = tpu.vector_load %arg30[%get3A_1327] {strides = array<i32>} : memref<512xf32, #tpu.memory_space<vmem>>, vector<16xf32>,
    %mul3A_1329 = arith.mulf %get3A_1328, %get3A_670 : vector<16xf32>
    %add3A_1330 = arith.addf %add3A_1326, %mul3A_1329 : vector<16xf32>
    %get3A_1331 = arith.constant 256 : index
    %get3A_1332 = tpu.vector_load %arg22[%get3A_1331] {strides = array<i32>} : memref<512xf32, #tpu.memory_space<vmem>>, vector<16xf32>,
    %add3A_1333 = arith.addf %add3A_1330, %get3A_1332 : vector<16xf32>
    %get3A_1334 = arith.constant 256 : index
    %get3A_1335 = tpu.vector_load %arg23[%get3A_1334] {strides = array<i32>} : memref<512xf32, #tpu.memory_space<vmem>>, vector<16xf32>,
    %add3A_1336 = arith.addf %add3A_1333, %get3A_1335 : vector<16xf32>
    %get3A_1337 = arith.constant 256 : index
    %get3A_1338 = tpu.vector_load %arg24[%get3A_1337] {strides = array<i32>} : memref<512xf32, #tpu.memory_space<vmem>>, vector<16xf32>,
    %add3A_1339 = arith.addf %add3A_1336, %get3A_1338 : vector<16xf32>
    %add3A_1340 = arith.addf %add3A_1339, %gather3A_1312 : vector<16xf32>
    %add3A_1341 = arith.addf %add3A_1340, %gather3A_1315 : vector<16xf32>
    %swap3A_1342 = arith.constant 256 : index
    %swap3A_1343 = tpu.vector_load %arg32[%swap3A_1342] {strides = array<i32>} : memref<512xf32, #tpu.memory_space<vmem>>, vector<16xf32>,
    tpu.vector_store %arg32[%swap3A_1342], %add3A_1341 {strides = array<i32>} : memref<512xf32, #tpu.memory_space<vmem>>, vector<16xf32>,
    %get3A_1344 = arith.constant 272 : index
    %get3A_1345 = tpu.vector_load %arg20[%get3A_1344] {strides = array<i32>} : memref<512xi32, #tpu.memory_space<vmem>>, vector<16xi32>,
    %gather3A_1346 = tpu.vector_load_idx %arg25[%get3A_1345] : memref<1024xf32, #tpu.memory_space<vmem>>[vector<16xi32>], vector<16xf32>,
    %get3A_1347 = arith.constant 272 : index
    %get3A_1348 = tpu.vector_load %arg21[%get3A_1347] {strides = array<i32>} : memref<512xi32, #tpu.memory_space<vmem>>, vector<16xi32>,
    %gather3A_1349 = tpu.vector_load_idx %arg26[%get3A_1348] : memref<1024xf32, #tpu.memory_space<vmem>>[vector<16xi32>], vector<16xf32>,
    %get3A_1350 = arith.constant 272 : index
    %get3A_1351 = tpu.vector_load %arg27[%get3A_1350] {strides = array<i32>} : memref<512xf32, #tpu.memory_space<vmem>>, vector<16xf32>,
    %mul3A_1352 = arith.mulf %get3A_1351, %get3A_664 : vector<16xf32>
    %get3A_1353 = arith.constant 272 : index
    %get3A_1354 = tpu.vector_load %arg28[%get3A_1353] {strides = array<i32>} : memref<512xf32, #tpu.memory_space<vmem>>, vector<16xf32>,
    %mul3A_1355 = arith.mulf %get3A_1354, %get3A_666 : vector<16xf32>
    %add3A_1356 = arith.addf %mul3A_1352, %mul3A_1355 : vector<16xf32>
    %get3A_1357 = arith.constant 272 : index
    %get3A_1358 = tpu.vector_load %arg29[%get3A_1357] {strides = array<i32>} : memref<512xf32, #tpu.memory_space<vmem>>, vector<16xf32>,
    %mul3A_1359 = arith.mulf %get3A_1358, %get3A_668 : vector<16xf32>
    %add3A_1360 = arith.addf %add3A_1356, %mul3A_1359 : vector<16xf32>
    %get3A_1361 = arith.constant 272 : index
    %get3A_1362 = tpu.vector_load %arg30[%get3A_1361] {strides = array<i32>} : memref<512xf32, #tpu.memory_space<vmem>>, vector<16xf32>,
    %mul3A_1363 = arith.mulf %get3A_1362, %get3A_670 : vector<16xf32>
    %add3A_1364 = arith.addf %add3A_1360, %mul3A_1363 : vector<16xf32>
    %get3A_1365 = arith.constant 272 : index
    %get3A_1366 = tpu.vector_load %arg22[%get3A_1365] {strides = array<i32>} : memref<512xf32, #tpu.memory_space<vmem>>, vector<16xf32>,
    %add3A_1367 = arith.addf %add3A_1364, %get3A_1366 : vector<16xf32>
    %get3A_1368 = arith.constant 272 : index
    %get3A_1369 = tpu.vector_load %arg23[%get3A_1368] {strides = array<i32>} : memref<512xf32, #tpu.memory_space<vmem>>, vector<16xf32>,
    %add3A_1370 = arith.addf %add3A_1367, %get3A_1369 : vector<16xf32>
    %get3A_1371 = arith.constant 272 : index
    %get3A_1372 = tpu.vector_load %arg24[%get3A_1371] {strides = array<i32>} : memref<512xf32, #tpu.memory_space<vmem>>, vector<16xf32>,
    %add3A_1373 = arith.addf %add3A_1370, %get3A_1372 : vector<16xf32>
    %add3A_1374 = arith.addf %add3A_1373, %gather3A_1346 : vector<16xf32>
    %add3A_1375 = arith.addf %add3A_1374, %gather3A_1349 : vector<16xf32>
    %swap3A_1376 = arith.constant 272 : index
    %swap3A_1377 = tpu.vector_load %arg32[%swap3A_1376] {strides = array<i32>} : memref<512xf32, #tpu.memory_space<vmem>>, vector<16xf32>,
    tpu.vector_store %arg32[%swap3A_1376], %add3A_1375 {strides = array<i32>} : memref<512xf32, #tpu.memory_space<vmem>>, vector<16xf32>,
    %get3A_1378 = arith.constant 288 : index
    %get3A_1379 = tpu.vector_load %arg20[%get3A_1378] {strides = array<i32>} : memref<512xi32, #tpu.memory_space<vmem>>, vector<16xi32>,
    %gather3A_1380 = tpu.vector_load_idx %arg25[%get3A_1379] : memref<1024xf32, #tpu.memory_space<vmem>>[vector<16xi32>], vector<16xf32>,
    %get3A_1381 = arith.constant 288 : index
    %get3A_1382 = tpu.vector_load %arg21[%get3A_1381] {strides = array<i32>} : memref<512xi32, #tpu.memory_space<vmem>>, vector<16xi32>,
    %gather3A_1383 = tpu.vector_load_idx %arg26[%get3A_1382] : memref<1024xf32, #tpu.memory_space<vmem>>[vector<16xi32>], vector<16xf32>,
    %get3A_1384 = arith.constant 288 : index
    %get3A_1385 = tpu.vector_load %arg27[%get3A_1384] {strides = array<i32>} : memref<512xf32, #tpu.memory_space<vmem>>, vector<16xf32>,
    %mul3A_1386 = arith.mulf %get3A_1385, %get3A_664 : vector<16xf32>
    %get3A_1387 = arith.constant 288 : index
    %get3A_1388 = tpu.vector_load %arg28[%get3A_1387] {strides = array<i32>} : memref<512xf32, #tpu.memory_space<vmem>>, vector<16xf32>,
    %mul3A_1389 = arith.mulf %get3A_1388, %get3A_666 : vector<16xf32>
    %add3A_1390 = arith.addf %mul3A_1386, %mul3A_1389 : vector<16xf32>
    %get3A_1391 = arith.constant 288 : index
    %get3A_1392 = tpu.vector_load %arg29[%get3A_1391] {strides = array<i32>} : memref<512xf32, #tpu.memory_space<vmem>>, vector<16xf32>,
    %mul3A_1393 = arith.mulf %get3A_1392, %get3A_668 : vector<16xf32>
    %add3A_1394 = arith.addf %add3A_1390, %mul3A_1393 : vector<16xf32>
    %get3A_1395 = arith.constant 288 : index
    %get3A_1396 = tpu.vector_load %arg30[%get3A_1395] {strides = array<i32>} : memref<512xf32, #tpu.memory_space<vmem>>, vector<16xf32>,
    %mul3A_1397 = arith.mulf %get3A_1396, %get3A_670 : vector<16xf32>
    %add3A_1398 = arith.addf %add3A_1394, %mul3A_1397 : vector<16xf32>
    %get3A_1399 = arith.constant 288 : index
    %get3A_1400 = tpu.vector_load %arg22[%get3A_1399] {strides = array<i32>} : memref<512xf32, #tpu.memory_space<vmem>>, vector<16xf32>,
    %add3A_1401 = arith.addf %add3A_1398, %get3A_1400 : vector<16xf32>
    %get3A_1402 = arith.constant 288 : index
    %get3A_1403 = tpu.vector_load %arg23[%get3A_1402] {strides = array<i32>} : memref<512xf32, #tpu.memory_space<vmem>>, vector<16xf32>,
    %add3A_1404 = arith.addf %add3A_1401, %get3A_1403 : vector<16xf32>
    %get3A_1405 = arith.constant 288 : index
    %get3A_1406 = tpu.vector_load %arg24[%get3A_1405] {strides = array<i32>} : memref<512xf32, #tpu.memory_space<vmem>>, vector<16xf32>,
    %add3A_1407 = arith.addf %add3A_1404, %get3A_1406 : vector<16xf32>
    %add3A_1408 = arith.addf %add3A_1407, %gather3A_1380 : vector<16xf32>
    %add3A_1409 = arith.addf %add3A_1408, %gather3A_1383 : vector<16xf32>
    %swap3A_1410 = arith.constant 288 : index
    %swap3A_1411 = tpu.vector_load %arg32[%swap3A_1410] {strides = array<i32>} : memref<512xf32, #tpu.memory_space<vmem>>, vector<16xf32>,
    tpu.vector_store %arg32[%swap3A_1410], %add3A_1409 {strides = array<i32>} : memref<512xf32, #tpu.memory_space<vmem>>, vector<16xf32>,
    %get3A_1412 = arith.constant 304 : index
    %get3A_1413 = tpu.vector_load %arg20[%get3A_1412] {strides = array<i32>} : memref<512xi32, #tpu.memory_space<vmem>>, vector<16xi32>,
    %gather3A_1414 = tpu.vector_load_idx %arg25[%get3A_1413] : memref<1024xf32, #tpu.memory_space<vmem>>[vector<16xi32>], vector<16xf32>,
    %get3A_1415 = arith.constant 304 : index
    %get3A_1416 = tpu.vector_load %arg21[%get3A_1415] {strides = array<i32>} : memref<512xi32, #tpu.memory_space<vmem>>, vector<16xi32>,
    %gather3A_1417 = tpu.vector_load_idx %arg26[%get3A_1416] : memref<1024xf32, #tpu.memory_space<vmem>>[vector<16xi32>], vector<16xf32>,
    %get3A_1418 = arith.constant 304 : index
    %get3A_1419 = tpu.vector_load %arg27[%get3A_1418] {strides = array<i32>} : memref<512xf32, #tpu.memory_space<vmem>>, vector<16xf32>,
    %mul3A_1420 = arith.mulf %get3A_1419, %get3A_664 : vector<16xf32>
    %get3A_1421 = arith.constant 304 : index
    %get3A_1422 = tpu.vector_load %arg28[%get3A_1421] {strides = array<i32>} : memref<512xf32, #tpu.memory_space<vmem>>, vector<16xf32>,
    %mul3A_1423 = arith.mulf %get3A_1422, %get3A_666 : vector<16xf32>
    %add3A_1424 = arith.addf %mul3A_1420, %mul3A_1423 : vector<16xf32>
    %get3A_1425 = arith.constant 304 : index
    %get3A_1426 = tpu.vector_load %arg29[%get3A_1425] {strides = array<i32>} : memref<512xf32, #tpu.memory_space<vmem>>, vector<16xf32>,
    %mul3A_1427 = arith.mulf %get3A_1426, %get3A_668 : vector<16xf32>
    %add3A_1428 = arith.addf %add3A_1424, %mul3A_1427 : vector<16xf32>
    %get3A_1429 = arith.constant 304 : index
    %get3A_1430 = tpu.vector_load %arg30[%get3A_1429] {strides = array<i32>} : memref<512xf32, #tpu.memory_space<vmem>>, vector<16xf32>,
    %mul3A_1431 = arith.mulf %get3A_1430, %get3A_670 : vector<16xf32>
    %add3A_1432 = arith.addf %add3A_1428, %mul3A_1431 : vector<16xf32>
    %get3A_1433 = arith.constant 304 : index
    %get3A_1434 = tpu.vector_load %arg22[%get3A_1433] {strides = array<i32>} : memref<512xf32, #tpu.memory_space<vmem>>, vector<16xf32>,
    %add3A_1435 = arith.addf %add3A_1432, %get3A_1434 : vector<16xf32>
    %get3A_1436 = arith.constant 304 : index
    %get3A_1437 = tpu.vector_load %arg23[%get3A_1436] {strides = array<i32>} : memref<512xf32, #tpu.memory_space<vmem>>, vector<16xf32>,
    %add3A_1438 = arith.addf %add3A_1435, %get3A_1437 : vector<16xf32>
    %get3A_1439 = arith.constant 304 : index
    %get3A_1440 = tpu.vector_load %arg24[%get3A_1439] {strides = array<i32>} : memref<512xf32, #tpu.memory_space<vmem>>, vector<16xf32>,
    %add3A_1441 = arith.addf %add3A_1438, %get3A_1440 : vector<16xf32>
    %add3A_1442 = arith.addf %add3A_1441, %gather3A_1414 : vector<16xf32>
    %add3A_1443 = arith.addf %add3A_1442, %gather3A_1417 : vector<16xf32>
    %swap3A_1444 = arith.constant 304 : index
    %swap3A_1445 = tpu.vector_load %arg32[%swap3A_1444] {strides = array<i32>} : memref<512xf32, #tpu.memory_space<vmem>>, vector<16xf32>,
    tpu.vector_store %arg32[%swap3A_1444], %add3A_1443 {strides = array<i32>} : memref<512xf32, #tpu.memory_space<vmem>>, vector<16xf32>,
    %get3A_1446 = arith.constant 320 : index
    %get3A_1447 = tpu.vector_load %arg20[%get3A_1446] {strides = array<i32>} : memref<512xi32, #tpu.memory_space<vmem>>, vector<16xi32>,
    %gather3A_1448 = tpu.vector_load_idx %arg25[%get3A_1447] : memref<1024xf32, #tpu.memory_space<vmem>>[vector<16xi32>], vector<16xf32>,
    %get3A_1449 = arith.constant 320 : index
    %get3A_1450 = tpu.vector_load %arg21[%get3A_1449] {strides = array<i32>} : memref<512xi32, #tpu.memory_space<vmem>>, vector<16xi32>,
    %gather3A_1451 = tpu.vector_load_idx %arg26[%get3A_1450] : memref<1024xf32, #tpu.memory_space<vmem>>[vector<16xi32>], vector<16xf32>,
    %get3A_1452 = arith.constant 320 : index
    %get3A_1453 = tpu.vector_load %arg27[%get3A_1452] {strides = array<i32>} : memref<512xf32, #tpu.memory_space<vmem>>, vector<16xf32>,
    %mul3A_1454 = arith.mulf %get3A_1453, %get3A_664 : vector<16xf32>
    %get3A_1455 = arith.constant 320 : index
    %get3A_1456 = tpu.vector_load %arg28[%get3A_1455] {strides = array<i32>} : memref<512xf32, #tpu.memory_space<vmem>>, vector<16xf32>,
    %mul3A_1457 = arith.mulf %get3A_1456, %get3A_666 : vector<16xf32>
    %add3A_1458 = arith.addf %mul3A_1454, %mul3A_1457 : vector<16xf32>
    %get3A_1459 = arith.constant 320 : index
    %get3A_1460 = tpu.vector_load %arg29[%get3A_1459] {strides = array<i32>} : memref<512xf32, #tpu.memory_space<vmem>>, vector<16xf32>,
    %mul3A_1461 = arith.mulf %get3A_1460, %get3A_668 : vector<16xf32>
    %add3A_1462 = arith.addf %add3A_1458, %mul3A_1461 : vector<16xf32>
    %get3A_1463 = arith.constant 320 : index
    %get3A_1464 = tpu.vector_load %arg30[%get3A_1463] {strides = array<i32>} : memref<512xf32, #tpu.memory_space<vmem>>, vector<16xf32>,
    %mul3A_1465 = arith.mulf %get3A_1464, %get3A_670 : vector<16xf32>
    %add3A_1466 = arith.addf %add3A_1462, %mul3A_1465 : vector<16xf32>
    %get3A_1467 = arith.constant 320 : index
    %get3A_1468 = tpu.vector_load %arg22[%get3A_1467] {strides = array<i32>} : memref<512xf32, #tpu.memory_space<vmem>>, vector<16xf32>,
    %add3A_1469 = arith.addf %add3A_1466, %get3A_1468 : vector<16xf32>
    %get3A_1470 = arith.constant 320 : index
    %get3A_1471 = tpu.vector_load %arg23[%get3A_1470] {strides = array<i32>} : memref<512xf32, #tpu.memory_space<vmem>>, vector<16xf32>,
    %add3A_1472 = arith.addf %add3A_1469, %get3A_1471 : vector<16xf32>
    %get3A_1473 = arith.constant 320 : index
    %get3A_1474 = tpu.vector_load %arg24[%get3A_1473] {strides = array<i32>} : memref<512xf32, #tpu.memory_space<vmem>>, vector<16xf32>,
    %add3A_1475 = arith.addf %add3A_1472, %get3A_1474 : vector<16xf32>
    %add3A_1476 = arith.addf %add3A_1475, %gather3A_1448 : vector<16xf32>
    %add3A_1477 = arith.addf %add3A_1476, %gather3A_1451 : vector<16xf32>
    %swap3A_1478 = arith.constant 320 : index
    %swap3A_1479 = tpu.vector_load %arg32[%swap3A_1478] {strides = array<i32>} : memref<512xf32, #tpu.memory_space<vmem>>, vector<16xf32>,
    tpu.vector_store %arg32[%swap3A_1478], %add3A_1477 {strides = array<i32>} : memref<512xf32, #tpu.memory_space<vmem>>, vector<16xf32>,
    %get3A_1480 = arith.constant 336 : index
    %get3A_1481 = tpu.vector_load %arg20[%get3A_1480] {strides = array<i32>} : memref<512xi32, #tpu.memory_space<vmem>>, vector<16xi32>,
    %gather3A_1482 = tpu.vector_load_idx %arg25[%get3A_1481] : memref<1024xf32, #tpu.memory_space<vmem>>[vector<16xi32>], vector<16xf32>,
    %get3A_1483 = arith.constant 336 : index
    %get3A_1484 = tpu.vector_load %arg21[%get3A_1483] {strides = array<i32>} : memref<512xi32, #tpu.memory_space<vmem>>, vector<16xi32>,
    %gather3A_1485 = tpu.vector_load_idx %arg26[%get3A_1484] : memref<1024xf32, #tpu.memory_space<vmem>>[vector<16xi32>], vector<16xf32>,
    %get3A_1486 = arith.constant 336 : index
    %get3A_1487 = tpu.vector_load %arg27[%get3A_1486] {strides = array<i32>} : memref<512xf32, #tpu.memory_space<vmem>>, vector<16xf32>,
    %mul3A_1488 = arith.mulf %get3A_1487, %get3A_664 : vector<16xf32>
    %get3A_1489 = arith.constant 336 : index
    %get3A_1490 = tpu.vector_load %arg28[%get3A_1489] {strides = array<i32>} : memref<512xf32, #tpu.memory_space<vmem>>, vector<16xf32>,
    %mul3A_1491 = arith.mulf %get3A_1490, %get3A_666 : vector<16xf32>
    %add3A_1492 = arith.addf %mul3A_1488, %mul3A_1491 : vector<16xf32>
    %get3A_1493 = arith.constant 336 : index
    %get3A_1494 = tpu.vector_load %arg29[%get3A_1493] {strides = array<i32>} : memref<512xf32, #tpu.memory_space<vmem>>, vector<16xf32>,
    %mul3A_1495 = arith.mulf %get3A_1494, %get3A_668 : vector<16xf32>
    %add3A_1496 = arith.addf %add3A_1492, %mul3A_1495 : vector<16xf32>
    %get3A_1497 = arith.constant 336 : index
    %get3A_1498 = tpu.vector_load %arg30[%get3A_1497] {strides = array<i32>} : memref<512xf32, #tpu.memory_space<vmem>>, vector<16xf32>,
    %mul3A_1499 = arith.mulf %get3A_1498, %get3A_670 : vector<16xf32>
    %add3A_1500 = arith.addf %add3A_1496, %mul3A_1499 : vector<16xf32>
    %get3A_1501 = arith.constant 336 : index
    %get3A_1502 = tpu.vector_load %arg22[%get3A_1501] {strides = array<i32>} : memref<512xf32, #tpu.memory_space<vmem>>, vector<16xf32>,
    %add3A_1503 = arith.addf %add3A_1500, %get3A_1502 : vector<16xf32>
    %get3A_1504 = arith.constant 336 : index
    %get3A_1505 = tpu.vector_load %arg23[%get3A_1504] {strides = array<i32>} : memref<512xf32, #tpu.memory_space<vmem>>, vector<16xf32>,
    %add3A_1506 = arith.addf %add3A_1503, %get3A_1505 : vector<16xf32>
    %get3A_1507 = arith.constant 336 : index
    %get3A_1508 = tpu.vector_load %arg24[%get3A_1507] {strides = array<i32>} : memref<512xf32, #tpu.memory_space<vmem>>, vector<16xf32>,
    %add3A_1509 = arith.addf %add3A_1506, %get3A_1508 : vector<16xf32>
    %add3A_1510 = arith.addf %add3A_1509, %gather3A_1482 : vector<16xf32>
    %add3A_1511 = arith.addf %add3A_1510, %gather3A_1485 : vector<16xf32>
    %swap3A_1512 = arith.constant 336 : index
    %swap3A_1513 = tpu.vector_load %arg32[%swap3A_1512] {strides = array<i32>} : memref<512xf32, #tpu.memory_space<vmem>>, vector<16xf32>,
    tpu.vector_store %arg32[%swap3A_1512], %add3A_1511 {strides = array<i32>} : memref<512xf32, #tpu.memory_space<vmem>>, vector<16xf32>,
    %get3A_1514 = arith.constant 352 : index
    %get3A_1515 = tpu.vector_load %arg20[%get3A_1514] {strides = array<i32>} : memref<512xi32, #tpu.memory_space<vmem>>, vector<16xi32>,
    %gather3A_1516 = tpu.vector_load_idx %arg25[%get3A_1515] : memref<1024xf32, #tpu.memory_space<vmem>>[vector<16xi32>], vector<16xf32>,
    %get3A_1517 = arith.constant 352 : index
    %get3A_1518 = tpu.vector_load %arg21[%get3A_1517] {strides = array<i32>} : memref<512xi32, #tpu.memory_space<vmem>>, vector<16xi32>,
    %gather3A_1519 = tpu.vector_load_idx %arg26[%get3A_1518] : memref<1024xf32, #tpu.memory_space<vmem>>[vector<16xi32>], vector<16xf32>,
    %get3A_1520 = arith.constant 352 : index
    %get3A_1521 = tpu.vector_load %arg27[%get3A_1520] {strides = array<i32>} : memref<512xf32, #tpu.memory_space<vmem>>, vector<16xf32>,
    %mul3A_1522 = arith.mulf %get3A_1521, %get3A_664 : vector<16xf32>
    %get3A_1523 = arith.constant 352 : index
    %get3A_1524 = tpu.vector_load %arg28[%get3A_1523] {strides = array<i32>} : memref<512xf32, #tpu.memory_space<vmem>>, vector<16xf32>,
    %mul3A_1525 = arith.mulf %get3A_1524, %get3A_666 : vector<16xf32>
    %add3A_1526 = arith.addf %mul3A_1522, %mul3A_1525 : vector<16xf32>
    %get3A_1527 = arith.constant 352 : index
    %get3A_1528 = tpu.vector_load %arg29[%get3A_1527] {strides = array<i32>} : memref<512xf32, #tpu.memory_space<vmem>>, vector<16xf32>,
    %mul3A_1529 = arith.mulf %get3A_1528, %get3A_668 : vector<16xf32>
    %add3A_1530 = arith.addf %add3A_1526, %mul3A_1529 : vector<16xf32>
    %get3A_1531 = arith.constant 352 : index
    %get3A_1532 = tpu.vector_load %arg30[%get3A_1531] {strides = array<i32>} : memref<512xf32, #tpu.memory_space<vmem>>, vector<16xf32>,
    %mul3A_1533 = arith.mulf %get3A_1532, %get3A_670 : vector<16xf32>
    %add3A_1534 = arith.addf %add3A_1530, %mul3A_1533 : vector<16xf32>
    %get3A_1535 = arith.constant 352 : index
    %get3A_1536 = tpu.vector_load %arg22[%get3A_1535] {strides = array<i32>} : memref<512xf32, #tpu.memory_space<vmem>>, vector<16xf32>,
    %add3A_1537 = arith.addf %add3A_1534, %get3A_1536 : vector<16xf32>
    %get3A_1538 = arith.constant 352 : index
    %get3A_1539 = tpu.vector_load %arg23[%get3A_1538] {strides = array<i32>} : memref<512xf32, #tpu.memory_space<vmem>>, vector<16xf32>,
    %add3A_1540 = arith.addf %add3A_1537, %get3A_1539 : vector<16xf32>
    %get3A_1541 = arith.constant 352 : index
    %get3A_1542 = tpu.vector_load %arg24[%get3A_1541] {strides = array<i32>} : memref<512xf32, #tpu.memory_space<vmem>>, vector<16xf32>,
    %add3A_1543 = arith.addf %add3A_1540, %get3A_1542 : vector<16xf32>
    %add3A_1544 = arith.addf %add3A_1543, %gather3A_1516 : vector<16xf32>
    %add3A_1545 = arith.addf %add3A_1544, %gather3A_1519 : vector<16xf32>
    %swap3A_1546 = arith.constant 352 : index
    %swap3A_1547 = tpu.vector_load %arg32[%swap3A_1546] {strides = array<i32>} : memref<512xf32, #tpu.memory_space<vmem>>, vector<16xf32>,
    tpu.vector_store %arg32[%swap3A_1546], %add3A_1545 {strides = array<i32>} : memref<512xf32, #tpu.memory_space<vmem>>, vector<16xf32>,
    %get3A_1548 = arith.constant 368 : index
    %get3A_1549 = tpu.vector_load %arg20[%get3A_1548] {strides = array<i32>} : memref<512xi32, #tpu.memory_space<vmem>>, vector<16xi32>,
    %gather3A_1550 = tpu.vector_load_idx %arg25[%get3A_1549] : memref<1024xf32, #tpu.memory_space<vmem>>[vector<16xi32>], vector<16xf32>,
    %get3A_1551 = arith.constant 368 : index
    %get3A_1552 = tpu.vector_load %arg21[%get3A_1551] {strides = array<i32>} : memref<512xi32, #tpu.memory_space<vmem>>, vector<16xi32>,
    %gather3A_1553 = tpu.vector_load_idx %arg26[%get3A_1552] : memref<1024xf32, #tpu.memory_space<vmem>>[vector<16xi32>], vector<16xf32>,
    %get3A_1554 = arith.constant 368 : index
    %get3A_1555 = tpu.vector_load %arg27[%get3A_1554] {strides = array<i32>} : memref<512xf32, #tpu.memory_space<vmem>>, vector<16xf32>,
    %mul3A_1556 = arith.mulf %get3A_1555, %get3A_664 : vector<16xf32>
    %get3A_1557 = arith.constant 368 : index
    %get3A_1558 = tpu.vector_load %arg28[%get3A_1557] {strides = array<i32>} : memref<512xf32, #tpu.memory_space<vmem>>, vector<16xf32>,
    %mul3A_1559 = arith.mulf %get3A_1558, %get3A_666 : vector<16xf32>
    %add3A_1560 = arith.addf %mul3A_1556, %mul3A_1559 : vector<16xf32>
    %get3A_1561 = arith.constant 368 : index
    %get3A_1562 = tpu.vector_load %arg29[%get3A_1561] {strides = array<i32>} : memref<512xf32, #tpu.memory_space<vmem>>, vector<16xf32>,
    %mul3A_1563 = arith.mulf %get3A_1562, %get3A_668 : vector<16xf32>
    %add3A_1564 = arith.addf %add3A_1560, %mul3A_1563 : vector<16xf32>
    %get3A_1565 = arith.constant 368 : index
    %get3A_1566 = tpu.vector_load %arg30[%get3A_1565] {strides = array<i32>} : memref<512xf32, #tpu.memory_space<vmem>>, vector<16xf32>,
    %mul3A_1567 = arith.mulf %get3A_1566, %get3A_670 : vector<16xf32>
    %add3A_1568 = arith.addf %add3A_1564, %mul3A_1567 : vector<16xf32>
    %get3A_1569 = arith.constant 368 : index
    %get3A_1570 = tpu.vector_load %arg22[%get3A_1569] {strides = array<i32>} : memref<512xf32, #tpu.memory_space<vmem>>, vector<16xf32>,
    %add3A_1571 = arith.addf %add3A_1568, %get3A_1570 : vector<16xf32>
    %get3A_1572 = arith.constant 368 : index
    %get3A_1573 = tpu.vector_load %arg23[%get3A_1572] {strides = array<i32>} : memref<512xf32, #tpu.memory_space<vmem>>, vector<16xf32>,
    %add3A_1574 = arith.addf %add3A_1571, %get3A_1573 : vector<16xf32>
    %get3A_1575 = arith.constant 368 : index
    %get3A_1576 = tpu.vector_load %arg24[%get3A_1575] {strides = array<i32>} : memref<512xf32, #tpu.memory_space<vmem>>, vector<16xf32>,
    %add3A_1577 = arith.addf %add3A_1574, %get3A_1576 : vector<16xf32>
    %add3A_1578 = arith.addf %add3A_1577, %gather3A_1550 : vector<16xf32>
    %add3A_1579 = arith.addf %add3A_1578, %gather3A_1553 : vector<16xf32>
    %swap3A_1580 = arith.constant 368 : index
    %swap3A_1581 = tpu.vector_load %arg32[%swap3A_1580] {strides = array<i32>} : memref<512xf32, #tpu.memory_space<vmem>>, vector<16xf32>,
    tpu.vector_store %arg32[%swap3A_1580], %add3A_1579 {strides = array<i32>} : memref<512xf32, #tpu.memory_space<vmem>>, vector<16xf32>,
    %get3A_1582 = arith.constant 384 : index
    %get3A_1583 = tpu.vector_load %arg20[%get3A_1582] {strides = array<i32>} : memref<512xi32, #tpu.memory_space<vmem>>, vector<16xi32>,
    %gather3A_1584 = tpu.vector_load_idx %arg25[%get3A_1583] : memref<1024xf32, #tpu.memory_space<vmem>>[vector<16xi32>], vector<16xf32>,
    %get3A_1585 = arith.constant 384 : index
    %get3A_1586 = tpu.vector_load %arg21[%get3A_1585] {strides = array<i32>} : memref<512xi32, #tpu.memory_space<vmem>>, vector<16xi32>,
    %gather3A_1587 = tpu.vector_load_idx %arg26[%get3A_1586] : memref<1024xf32, #tpu.memory_space<vmem>>[vector<16xi32>], vector<16xf32>,
    %get3A_1588 = arith.constant 384 : index
    %get3A_1589 = tpu.vector_load %arg27[%get3A_1588] {strides = array<i32>} : memref<512xf32, #tpu.memory_space<vmem>>, vector<16xf32>,
    %mul3A_1590 = arith.mulf %get3A_1589, %get3A_664 : vector<16xf32>
    %get3A_1591 = arith.constant 384 : index
    %get3A_1592 = tpu.vector_load %arg28[%get3A_1591] {strides = array<i32>} : memref<512xf32, #tpu.memory_space<vmem>>, vector<16xf32>,
    %mul3A_1593 = arith.mulf %get3A_1592, %get3A_666 : vector<16xf32>
    %add3A_1594 = arith.addf %mul3A_1590, %mul3A_1593 : vector<16xf32>
    %get3A_1595 = arith.constant 384 : index
    %get3A_1596 = tpu.vector_load %arg29[%get3A_1595] {strides = array<i32>} : memref<512xf32, #tpu.memory_space<vmem>>, vector<16xf32>,
    %mul3A_1597 = arith.mulf %get3A_1596, %get3A_668 : vector<16xf32>
    %add3A_1598 = arith.addf %add3A_1594, %mul3A_1597 : vector<16xf32>
    %get3A_1599 = arith.constant 384 : index
    %get3A_1600 = tpu.vector_load %arg30[%get3A_1599] {strides = array<i32>} : memref<512xf32, #tpu.memory_space<vmem>>, vector<16xf32>,
    %mul3A_1601 = arith.mulf %get3A_1600, %get3A_670 : vector<16xf32>
    %add3A_1602 = arith.addf %add3A_1598, %mul3A_1601 : vector<16xf32>
    %get3A_1603 = arith.constant 384 : index
    %get3A_1604 = tpu.vector_load %arg22[%get3A_1603] {strides = array<i32>} : memref<512xf32, #tpu.memory_space<vmem>>, vector<16xf32>,
    %add3A_1605 = arith.addf %add3A_1602, %get3A_1604 : vector<16xf32>
    %get3A_1606 = arith.constant 384 : index
    %get3A_1607 = tpu.vector_load %arg23[%get3A_1606] {strides = array<i32>} : memref<512xf32, #tpu.memory_space<vmem>>, vector<16xf32>,
    %add3A_1608 = arith.addf %add3A_1605, %get3A_1607 : vector<16xf32>
    %get3A_1609 = arith.constant 384 : index
    %get3A_1610 = tpu.vector_load %arg24[%get3A_1609] {strides = array<i32>} : memref<512xf32, #tpu.memory_space<vmem>>, vector<16xf32>,
    %add3A_1611 = arith.addf %add3A_1608, %get3A_1610 : vector<16xf32>
    %add3A_1612 = arith.addf %add3A_1611, %gather3A_1584 : vector<16xf32>
    %add3A_1613 = arith.addf %add3A_1612, %gather3A_1587 : vector<16xf32>
    %swap3A_1614 = arith.constant 384 : index
    %swap3A_1615 = tpu.vector_load %arg32[%swap3A_1614] {strides = array<i32>} : memref<512xf32, #tpu.memory_space<vmem>>, vector<16xf32>,
    tpu.vector_store %arg32[%swap3A_1614], %add3A_1613 {strides = array<i32>} : memref<512xf32, #tpu.memory_space<vmem>>, vector<16xf32>,
    %get3A_1616 = arith.constant 400 : index
    %get3A_1617 = tpu.vector_load %arg20[%get3A_1616] {strides = array<i32>} : memref<512xi32, #tpu.memory_space<vmem>>, vector<16xi32>,
    %gather3A_1618 = tpu.vector_load_idx %arg25[%get3A_1617] : memref<1024xf32, #tpu.memory_space<vmem>>[vector<16xi32>], vector<16xf32>,
    %get3A_1619 = arith.constant 400 : index
    %get3A_1620 = tpu.vector_load %arg21[%get3A_1619] {strides = array<i32>} : memref<512xi32, #tpu.memory_space<vmem>>, vector<16xi32>,
    %gather3A_1621 = tpu.vector_load_idx %arg26[%get3A_1620] : memref<1024xf32, #tpu.memory_space<vmem>>[vector<16xi32>], vector<16xf32>,
    %get3A_1622 = arith.constant 400 : index
    %get3A_1623 = tpu.vector_load %arg27[%get3A_1622] {strides = array<i32>} : memref<512xf32, #tpu.memory_space<vmem>>, vector<16xf32>,
    %mul3A_1624 = arith.mulf %get3A_1623, %get3A_664 : vector<16xf32>
    %get3A_1625 = arith.constant 400 : index
    %get3A_1626 = tpu.vector_load %arg28[%get3A_1625] {strides = array<i32>} : memref<512xf32, #tpu.memory_space<vmem>>, vector<16xf32>,
    %mul3A_1627 = arith.mulf %get3A_1626, %get3A_666 : vector<16xf32>
    %add3A_1628 = arith.addf %mul3A_1624, %mul3A_1627 : vector<16xf32>
    %get3A_1629 = arith.constant 400 : index
    %get3A_1630 = tpu.vector_load %arg29[%get3A_1629] {strides = array<i32>} : memref<512xf32, #tpu.memory_space<vmem>>, vector<16xf32>,
    %mul3A_1631 = arith.mulf %get3A_1630, %get3A_668 : vector<16xf32>
    %add3A_1632 = arith.addf %add3A_1628, %mul3A_1631 : vector<16xf32>
    %get3A_1633 = arith.constant 400 : index
    %get3A_1634 = tpu.vector_load %arg30[%get3A_1633] {strides = array<i32>} : memref<512xf32, #tpu.memory_space<vmem>>, vector<16xf32>,
    %mul3A_1635 = arith.mulf %get3A_1634, %get3A_670 : vector<16xf32>
    %add3A_1636 = arith.addf %add3A_1632, %mul3A_1635 : vector<16xf32>
    %get3A_1637 = arith.constant 400 : index
    %get3A_1638 = tpu.vector_load %arg22[%get3A_1637] {strides = array<i32>} : memref<512xf32, #tpu.memory_space<vmem>>, vector<16xf32>,
    %add3A_1639 = arith.addf %add3A_1636, %get3A_1638 : vector<16xf32>
    %get3A_1640 = arith.constant 400 : index
    %get3A_1641 = tpu.vector_load %arg23[%get3A_1640] {strides = array<i32>} : memref<512xf32, #tpu.memory_space<vmem>>, vector<16xf32>,
    %add3A_1642 = arith.addf %add3A_1639, %get3A_1641 : vector<16xf32>
    %get3A_1643 = arith.constant 400 : index
    %get3A_1644 = tpu.vector_load %arg24[%get3A_1643] {strides = array<i32>} : memref<512xf32, #tpu.memory_space<vmem>>, vector<16xf32>,
    %add3A_1645 = arith.addf %add3A_1642, %get3A_1644 : vector<16xf32>
    %add3A_1646 = arith.addf %add3A_1645, %gather3A_1618 : vector<16xf32>
    %add3A_1647 = arith.addf %add3A_1646, %gather3A_1621 : vector<16xf32>
    %swap3A_1648 = arith.constant 400 : index
    %swap3A_1649 = tpu.vector_load %arg32[%swap3A_1648] {strides = array<i32>} : memref<512xf32, #tpu.memory_space<vmem>>, vector<16xf32>,
    tpu.vector_store %arg32[%swap3A_1648], %add3A_1647 {strides = array<i32>} : memref<512xf32, #tpu.memory_space<vmem>>, vector<16xf32>,
    %get3A_1650 = arith.constant 416 : index
    %get3A_1651 = tpu.vector_load %arg20[%get3A_1650] {strides = array<i32>} : memref<512xi32, #tpu.memory_space<vmem>>, vector<16xi32>,
    %gather3A_1652 = tpu.vector_load_idx %arg25[%get3A_1651] : memref<1024xf32, #tpu.memory_space<vmem>>[vector<16xi32>], vector<16xf32>,
    %get3A_1653 = arith.constant 416 : index
    %get3A_1654 = tpu.vector_load %arg21[%get3A_1653] {strides = array<i32>} : memref<512xi32, #tpu.memory_space<vmem>>, vector<16xi32>,
    %gather3A_1655 = tpu.vector_load_idx %arg26[%get3A_1654] : memref<1024xf32, #tpu.memory_space<vmem>>[vector<16xi32>], vector<16xf32>,
    %get3A_1656 = arith.constant 416 : index
    %get3A_1657 = tpu.vector_load %arg27[%get3A_1656] {strides = array<i32>} : memref<512xf32, #tpu.memory_space<vmem>>, vector<16xf32>,
    %mul3A_1658 = arith.mulf %get3A_1657, %get3A_664 : vector<16xf32>
    %get3A_1659 = arith.constant 416 : index
    %get3A_1660 = tpu.vector_load %arg28[%get3A_1659] {strides = array<i32>} : memref<512xf32, #tpu.memory_space<vmem>>, vector<16xf32>,
    %mul3A_1661 = arith.mulf %get3A_1660, %get3A_666 : vector<16xf32>
    %add3A_1662 = arith.addf %mul3A_1658, %mul3A_1661 : vector<16xf32>
    %get3A_1663 = arith.constant 416 : index
    %get3A_1664 = tpu.vector_load %arg29[%get3A_1663] {strides = array<i32>} : memref<512xf32, #tpu.memory_space<vmem>>, vector<16xf32>,
    %mul3A_1665 = arith.mulf %get3A_1664, %get3A_668 : vector<16xf32>
    %add3A_1666 = arith.addf %add3A_1662, %mul3A_1665 : vector<16xf32>
    %get3A_1667 = arith.constant 416 : index
    %get3A_1668 = tpu.vector_load %arg30[%get3A_1667] {strides = array<i32>} : memref<512xf32, #tpu.memory_space<vmem>>, vector<16xf32>,
    %mul3A_1669 = arith.mulf %get3A_1668, %get3A_670 : vector<16xf32>
    %add3A_1670 = arith.addf %add3A_1666, %mul3A_1669 : vector<16xf32>
    %get3A_1671 = arith.constant 416 : index
    %get3A_1672 = tpu.vector_load %arg22[%get3A_1671] {strides = array<i32>} : memref<512xf32, #tpu.memory_space<vmem>>, vector<16xf32>,
    %add3A_1673 = arith.addf %add3A_1670, %get3A_1672 : vector<16xf32>
    %get3A_1674 = arith.constant 416 : index
    %get3A_1675 = tpu.vector_load %arg23[%get3A_1674] {strides = array<i32>} : memref<512xf32, #tpu.memory_space<vmem>>, vector<16xf32>,
    %add3A_1676 = arith.addf %add3A_1673, %get3A_1675 : vector<16xf32>
    %get3A_1677 = arith.constant 416 : index
    %get3A_1678 = tpu.vector_load %arg24[%get3A_1677] {strides = array<i32>} : memref<512xf32, #tpu.memory_space<vmem>>, vector<16xf32>,
    %add3A_1679 = arith.addf %add3A_1676, %get3A_1678 : vector<16xf32>
    %add3A_1680 = arith.addf %add3A_1679, %gather3A_1652 : vector<16xf32>
    %add3A_1681 = arith.addf %add3A_1680, %gather3A_1655 : vector<16xf32>
    %swap3A_1682 = arith.constant 416 : index
    %swap3A_1683 = tpu.vector_load %arg32[%swap3A_1682] {strides = array<i32>} : memref<512xf32, #tpu.memory_space<vmem>>, vector<16xf32>,
    tpu.vector_store %arg32[%swap3A_1682], %add3A_1681 {strides = array<i32>} : memref<512xf32, #tpu.memory_space<vmem>>, vector<16xf32>,
    %get3A_1684 = arith.constant 432 : index
    %get3A_1685 = tpu.vector_load %arg20[%get3A_1684] {strides = array<i32>} : memref<512xi32, #tpu.memory_space<vmem>>, vector<16xi32>,
    %gather3A_1686 = tpu.vector_load_idx %arg25[%get3A_1685] : memref<1024xf32, #tpu.memory_space<vmem>>[vector<16xi32>], vector<16xf32>,
    %get3A_1687 = arith.constant 432 : index
    %get3A_1688 = tpu.vector_load %arg21[%get3A_1687] {strides = array<i32>} : memref<512xi32, #tpu.memory_space<vmem>>, vector<16xi32>,
    %gather3A_1689 = tpu.vector_load_idx %arg26[%get3A_1688] : memref<1024xf32, #tpu.memory_space<vmem>>[vector<16xi32>], vector<16xf32>,
    %get3A_1690 = arith.constant 432 : index
    %get3A_1691 = tpu.vector_load %arg27[%get3A_1690] {strides = array<i32>} : memref<512xf32, #tpu.memory_space<vmem>>, vector<16xf32>,
    %mul3A_1692 = arith.mulf %get3A_1691, %get3A_664 : vector<16xf32>
    %get3A_1693 = arith.constant 432 : index
    %get3A_1694 = tpu.vector_load %arg28[%get3A_1693] {strides = array<i32>} : memref<512xf32, #tpu.memory_space<vmem>>, vector<16xf32>,
    %mul3A_1695 = arith.mulf %get3A_1694, %get3A_666 : vector<16xf32>
    %add3A_1696 = arith.addf %mul3A_1692, %mul3A_1695 : vector<16xf32>
    %get3A_1697 = arith.constant 432 : index
    %get3A_1698 = tpu.vector_load %arg29[%get3A_1697] {strides = array<i32>} : memref<512xf32, #tpu.memory_space<vmem>>, vector<16xf32>,
    %mul3A_1699 = arith.mulf %get3A_1698, %get3A_668 : vector<16xf32>
    %add3A_1700 = arith.addf %add3A_1696, %mul3A_1699 : vector<16xf32>
    %get3A_1701 = arith.constant 432 : index
    %get3A_1702 = tpu.vector_load %arg30[%get3A_1701] {strides = array<i32>} : memref<512xf32, #tpu.memory_space<vmem>>, vector<16xf32>,
    %mul3A_1703 = arith.mulf %get3A_1702, %get3A_670 : vector<16xf32>
    %add3A_1704 = arith.addf %add3A_1700, %mul3A_1703 : vector<16xf32>
    %get3A_1705 = arith.constant 432 : index
    %get3A_1706 = tpu.vector_load %arg22[%get3A_1705] {strides = array<i32>} : memref<512xf32, #tpu.memory_space<vmem>>, vector<16xf32>,
    %add3A_1707 = arith.addf %add3A_1704, %get3A_1706 : vector<16xf32>
    %get3A_1708 = arith.constant 432 : index
    %get3A_1709 = tpu.vector_load %arg23[%get3A_1708] {strides = array<i32>} : memref<512xf32, #tpu.memory_space<vmem>>, vector<16xf32>,
    %add3A_1710 = arith.addf %add3A_1707, %get3A_1709 : vector<16xf32>
    %get3A_1711 = arith.constant 432 : index
    %get3A_1712 = tpu.vector_load %arg24[%get3A_1711] {strides = array<i32>} : memref<512xf32, #tpu.memory_space<vmem>>, vector<16xf32>,
    %add3A_1713 = arith.addf %add3A_1710, %get3A_1712 : vector<16xf32>
    %add3A_1714 = arith.addf %add3A_1713, %gather3A_1686 : vector<16xf32>
    %add3A_1715 = arith.addf %add3A_1714, %gather3A_1689 : vector<16xf32>
    %swap3A_1716 = arith.constant 432 : index
    %swap3A_1717 = tpu.vector_load %arg32[%swap3A_1716] {strides = array<i32>} : memref<512xf32, #tpu.memory_space<vmem>>, vector<16xf32>,
    tpu.vector_store %arg32[%swap3A_1716], %add3A_1715 {strides = array<i32>} : memref<512xf32, #tpu.memory_space<vmem>>, vector<16xf32>,
    %get3A_1718 = arith.constant 448 : index
    %get3A_1719 = tpu.vector_load %arg20[%get3A_1718] {strides = array<i32>} : memref<512xi32, #tpu.memory_space<vmem>>, vector<16xi32>,
    %gather3A_1720 = tpu.vector_load_idx %arg25[%get3A_1719] : memref<1024xf32, #tpu.memory_space<vmem>>[vector<16xi32>], vector<16xf32>,
    %get3A_1721 = arith.constant 448 : index
    %get3A_1722 = tpu.vector_load %arg21[%get3A_1721] {strides = array<i32>} : memref<512xi32, #tpu.memory_space<vmem>>, vector<16xi32>,
    %gather3A_1723 = tpu.vector_load_idx %arg26[%get3A_1722] : memref<1024xf32, #tpu.memory_space<vmem>>[vector<16xi32>], vector<16xf32>,
    %get3A_1724 = arith.constant 448 : index
    %get3A_1725 = tpu.vector_load %arg27[%get3A_1724] {strides = array<i32>} : memref<512xf32, #tpu.memory_space<vmem>>, vector<16xf32>,
    %mul3A_1726 = arith.mulf %get3A_1725, %get3A_664 : vector<16xf32>
    %get3A_1727 = arith.constant 448 : index
    %get3A_1728 = tpu.vector_load %arg28[%get3A_1727] {strides = array<i32>} : memref<512xf32, #tpu.memory_space<vmem>>, vector<16xf32>,
    %mul3A_1729 = arith.mulf %get3A_1728, %get3A_666 : vector<16xf32>
    %add3A_1730 = arith.addf %mul3A_1726, %mul3A_1729 : vector<16xf32>
    %get3A_1731 = arith.constant 448 : index
    %get3A_1732 = tpu.vector_load %arg29[%get3A_1731] {strides = array<i32>} : memref<512xf32, #tpu.memory_space<vmem>>, vector<16xf32>,
    %mul3A_1733 = arith.mulf %get3A_1732, %get3A_668 : vector<16xf32>
    %add3A_1734 = arith.addf %add3A_1730, %mul3A_1733 : vector<16xf32>
    %get3A_1735 = arith.constant 448 : index
    %get3A_1736 = tpu.vector_load %arg30[%get3A_1735] {strides = array<i32>} : memref<512xf32, #tpu.memory_space<vmem>>, vector<16xf32>,
    %mul3A_1737 = arith.mulf %get3A_1736, %get3A_670 : vector<16xf32>
    %add3A_1738 = arith.addf %add3A_1734, %mul3A_1737 : vector<16xf32>
    %get3A_1739 = arith.constant 448 : index
    %get3A_1740 = tpu.vector_load %arg22[%get3A_1739] {strides = array<i32>} : memref<512xf32, #tpu.memory_space<vmem>>, vector<16xf32>,
    %add3A_1741 = arith.addf %add3A_1738, %get3A_1740 : vector<16xf32>
    %get3A_1742 = arith.constant 448 : index
    %get3A_1743 = tpu.vector_load %arg23[%get3A_1742] {strides = array<i32>} : memref<512xf32, #tpu.memory_space<vmem>>, vector<16xf32>,
    %add3A_1744 = arith.addf %add3A_1741, %get3A_1743 : vector<16xf32>
    %get3A_1745 = arith.constant 448 : index
    %get3A_1746 = tpu.vector_load %arg24[%get3A_1745] {strides = array<i32>} : memref<512xf32, #tpu.memory_space<vmem>>, vector<16xf32>,
    %add3A_1747 = arith.addf %add3A_1744, %get3A_1746 : vector<16xf32>
    %add3A_1748 = arith.addf %add3A_1747, %gather3A_1720 : vector<16xf32>
    %add3A_1749 = arith.addf %add3A_1748, %gather3A_1723 : vector<16xf32>
    %swap3A_1750 = arith.constant 448 : index
    %swap3A_1751 = tpu.vector_load %arg32[%swap3A_1750] {strides = array<i32>} : memref<512xf32, #tpu.memory_space<vmem>>, vector<16xf32>,
    tpu.vector_store %arg32[%swap3A_1750], %add3A_1749 {strides = array<i32>} : memref<512xf32, #tpu.memory_space<vmem>>, vector<16xf32>,
    %get3A_1752 = arith.constant 464 : index
    %get3A_1753 = tpu.vector_load %arg20[%get3A_1752] {strides = array<i32>} : memref<512xi32, #tpu.memory_space<vmem>>, vector<16xi32>,
    %gather3A_1754 = tpu.vector_load_idx %arg25[%get3A_1753] : memref<1024xf32, #tpu.memory_space<vmem>>[vector<16xi32>], vector<16xf32>,
    %get3A_1755 = arith.constant 464 : index
    %get3A_1756 = tpu.vector_load %arg21[%get3A_1755] {strides = array<i32>} : memref<512xi32, #tpu.memory_space<vmem>>, vector<16xi32>,
    %gather3A_1757 = tpu.vector_load_idx %arg26[%get3A_1756] : memref<1024xf32, #tpu.memory_space<vmem>>[vector<16xi32>], vector<16xf32>,
    %get3A_1758 = arith.constant 464 : index
    %get3A_1759 = tpu.vector_load %arg27[%get3A_1758] {strides = array<i32>} : memref<512xf32, #tpu.memory_space<vmem>>, vector<16xf32>,
    %mul3A_1760 = arith.mulf %get3A_1759, %get3A_664 : vector<16xf32>
    %get3A_1761 = arith.constant 464 : index
    %get3A_1762 = tpu.vector_load %arg28[%get3A_1761] {strides = array<i32>} : memref<512xf32, #tpu.memory_space<vmem>>, vector<16xf32>,
    %mul3A_1763 = arith.mulf %get3A_1762, %get3A_666 : vector<16xf32>
    %add3A_1764 = arith.addf %mul3A_1760, %mul3A_1763 : vector<16xf32>
    %get3A_1765 = arith.constant 464 : index
    %get3A_1766 = tpu.vector_load %arg29[%get3A_1765] {strides = array<i32>} : memref<512xf32, #tpu.memory_space<vmem>>, vector<16xf32>,
    %mul3A_1767 = arith.mulf %get3A_1766, %get3A_668 : vector<16xf32>
    %add3A_1768 = arith.addf %add3A_1764, %mul3A_1767 : vector<16xf32>
    %get3A_1769 = arith.constant 464 : index
    %get3A_1770 = tpu.vector_load %arg30[%get3A_1769] {strides = array<i32>} : memref<512xf32, #tpu.memory_space<vmem>>, vector<16xf32>,
    %mul3A_1771 = arith.mulf %get3A_1770, %get3A_670 : vector<16xf32>
    %add3A_1772 = arith.addf %add3A_1768, %mul3A_1771 : vector<16xf32>
    %get3A_1773 = arith.constant 464 : index
    %get3A_1774 = tpu.vector_load %arg22[%get3A_1773] {strides = array<i32>} : memref<512xf32, #tpu.memory_space<vmem>>, vector<16xf32>,
    %add3A_1775 = arith.addf %add3A_1772, %get3A_1774 : vector<16xf32>
    %get3A_1776 = arith.constant 464 : index
    %get3A_1777 = tpu.vector_load %arg23[%get3A_1776] {strides = array<i32>} : memref<512xf32, #tpu.memory_space<vmem>>, vector<16xf32>,
    %add3A_1778 = arith.addf %add3A_1775, %get3A_1777 : vector<16xf32>
    %get3A_1779 = arith.constant 464 : index
    %get3A_1780 = tpu.vector_load %arg24[%get3A_1779] {strides = array<i32>} : memref<512xf32, #tpu.memory_space<vmem>>, vector<16xf32>,
    %add3A_1781 = arith.addf %add3A_1778, %get3A_1780 : vector<16xf32>
    %add3A_1782 = arith.addf %add3A_1781, %gather3A_1754 : vector<16xf32>
    %add3A_1783 = arith.addf %add3A_1782, %gather3A_1757 : vector<16xf32>
    %swap3A_1784 = arith.constant 464 : index
    %swap3A_1785 = tpu.vector_load %arg32[%swap3A_1784] {strides = array<i32>} : memref<512xf32, #tpu.memory_space<vmem>>, vector<16xf32>,
    tpu.vector_store %arg32[%swap3A_1784], %add3A_1783 {strides = array<i32>} : memref<512xf32, #tpu.memory_space<vmem>>, vector<16xf32>,
    %get3A_1786 = arith.constant 480 : index
    %get3A_1787 = tpu.vector_load %arg20[%get3A_1786] {strides = array<i32>} : memref<512xi32, #tpu.memory_space<vmem>>, vector<16xi32>,
    %gather3A_1788 = tpu.vector_load_idx %arg25[%get3A_1787] : memref<1024xf32, #tpu.memory_space<vmem>>[vector<16xi32>], vector<16xf32>,
    %get3A_1789 = arith.constant 480 : index
    %get3A_1790 = tpu.vector_load %arg21[%get3A_1789] {strides = array<i32>} : memref<512xi32, #tpu.memory_space<vmem>>, vector<16xi32>,
    %gather3A_1791 = tpu.vector_load_idx %arg26[%get3A_1790] : memref<1024xf32, #tpu.memory_space<vmem>>[vector<16xi32>], vector<16xf32>,
    %get3A_1792 = arith.constant 480 : index
    %get3A_1793 = tpu.vector_load %arg27[%get3A_1792] {strides = array<i32>} : memref<512xf32, #tpu.memory_space<vmem>>, vector<16xf32>,
    %mul3A_1794 = arith.mulf %get3A_1793, %get3A_664 : vector<16xf32>
    %get3A_1795 = arith.constant 480 : index
    %get3A_1796 = tpu.vector_load %arg28[%get3A_1795] {strides = array<i32>} : memref<512xf32, #tpu.memory_space<vmem>>, vector<16xf32>,
    %mul3A_1797 = arith.mulf %get3A_1796, %get3A_666 : vector<16xf32>
    %add3A_1798 = arith.addf %mul3A_1794, %mul3A_1797 : vector<16xf32>
    %get3A_1799 = arith.constant 480 : index
    %get3A_1800 = tpu.vector_load %arg29[%get3A_1799] {strides = array<i32>} : memref<512xf32, #tpu.memory_space<vmem>>, vector<16xf32>,
    %mul3A_1801 = arith.mulf %get3A_1800, %get3A_668 : vector<16xf32>
    %add3A_1802 = arith.addf %add3A_1798, %mul3A_1801 : vector<16xf32>
    %get3A_1803 = arith.constant 480 : index
    %get3A_1804 = tpu.vector_load %arg30[%get3A_1803] {strides = array<i32>} : memref<512xf32, #tpu.memory_space<vmem>>, vector<16xf32>,
    %mul3A_1805 = arith.mulf %get3A_1804, %get3A_670 : vector<16xf32>
    %add3A_1806 = arith.addf %add3A_1802, %mul3A_1805 : vector<16xf32>
    %get3A_1807 = arith.constant 480 : index
    %get3A_1808 = tpu.vector_load %arg22[%get3A_1807] {strides = array<i32>} : memref<512xf32, #tpu.memory_space<vmem>>, vector<16xf32>,
    %add3A_1809 = arith.addf %add3A_1806, %get3A_1808 : vector<16xf32>
    %get3A_1810 = arith.constant 480 : index
    %get3A_1811 = tpu.vector_load %arg23[%get3A_1810] {strides = array<i32>} : memref<512xf32, #tpu.memory_space<vmem>>, vector<16xf32>,
    %add3A_1812 = arith.addf %add3A_1809, %get3A_1811 : vector<16xf32>
    %get3A_1813 = arith.constant 480 : index
    %get3A_1814 = tpu.vector_load %arg24[%get3A_1813] {strides = array<i32>} : memref<512xf32, #tpu.memory_space<vmem>>, vector<16xf32>,
    %add3A_1815 = arith.addf %add3A_1812, %get3A_1814 : vector<16xf32>
    %add3A_1816 = arith.addf %add3A_1815, %gather3A_1788 : vector<16xf32>
    %add3A_1817 = arith.addf %add3A_1816, %gather3A_1791 : vector<16xf32>
    %swap3A_1818 = arith.constant 480 : index
    %swap3A_1819 = tpu.vector_load %arg32[%swap3A_1818] {strides = array<i32>} : memref<512xf32, #tpu.memory_space<vmem>>, vector<16xf32>,
    tpu.vector_store %arg32[%swap3A_1818], %add3A_1817 {strides = array<i32>} : memref<512xf32, #tpu.memory_space<vmem>>, vector<16xf32>,
    %get3A_1820 = arith.constant 496 : index
    %get3A_1821 = tpu.vector_load %arg20[%get3A_1820] {strides = array<i32>} : memref<512xi32, #tpu.memory_space<vmem>>, vector<16xi32>,
    %gather3A_1822 = tpu.vector_load_idx %arg25[%get3A_1821] : memref<1024xf32, #tpu.memory_space<vmem>>[vector<16xi32>], vector<16xf32>,
    %get3A_1823 = arith.constant 496 : index
    %get3A_1824 = tpu.vector_load %arg21[%get3A_1823] {strides = array<i32>} : memref<512xi32, #tpu.memory_space<vmem>>, vector<16xi32>,
    %gather3A_1825 = tpu.vector_load_idx %arg26[%get3A_1824] : memref<1024xf32, #tpu.memory_space<vmem>>[vector<16xi32>], vector<16xf32>,
    %get3A_1826 = arith.constant 496 : index
    %get3A_1827 = tpu.vector_load %arg27[%get3A_1826] {strides = array<i32>} : memref<512xf32, #tpu.memory_space<vmem>>, vector<16xf32>,
    %mul3A_1828 = arith.mulf %get3A_1827, %get3A_664 : vector<16xf32>
    %get3A_1829 = arith.constant 496 : index
    %get3A_1830 = tpu.vector_load %arg28[%get3A_1829] {strides = array<i32>} : memref<512xf32, #tpu.memory_space<vmem>>, vector<16xf32>,
    %mul3A_1831 = arith.mulf %get3A_1830, %get3A_666 : vector<16xf32>
    %add3A_1832 = arith.addf %mul3A_1828, %mul3A_1831 : vector<16xf32>
    %get3A_1833 = arith.constant 496 : index
    %get3A_1834 = tpu.vector_load %arg29[%get3A_1833] {strides = array<i32>} : memref<512xf32, #tpu.memory_space<vmem>>, vector<16xf32>,
    %mul3A_1835 = arith.mulf %get3A_1834, %get3A_668 : vector<16xf32>
    %add3A_1836 = arith.addf %add3A_1832, %mul3A_1835 : vector<16xf32>
    %get3A_1837 = arith.constant 496 : index
    %get3A_1838 = tpu.vector_load %arg30[%get3A_1837] {strides = array<i32>} : memref<512xf32, #tpu.memory_space<vmem>>, vector<16xf32>,
    %mul3A_1839 = arith.mulf %get3A_1838, %get3A_670 : vector<16xf32>
    %add3A_1840 = arith.addf %add3A_1836, %mul3A_1839 : vector<16xf32>
    %get3A_1841 = arith.constant 496 : index
    %get3A_1842 = tpu.vector_load %arg22[%get3A_1841] {strides = array<i32>} : memref<512xf32, #tpu.memory_space<vmem>>, vector<16xf32>,
    %add3A_1843 = arith.addf %add3A_1840, %get3A_1842 : vector<16xf32>
    %get3A_1844 = arith.constant 496 : index
    %get3A_1845 = tpu.vector_load %arg23[%get3A_1844] {strides = array<i32>} : memref<512xf32, #tpu.memory_space<vmem>>, vector<16xf32>,
    %add3A_1846 = arith.addf %add3A_1843, %get3A_1845 : vector<16xf32>
    %get3A_1847 = arith.constant 496 : index
    %get3A_1848 = tpu.vector_load %arg24[%get3A_1847] {strides = array<i32>} : memref<512xf32, #tpu.memory_space<vmem>>, vector<16xf32>,
    %add3A_1849 = arith.addf %add3A_1846, %get3A_1848 : vector<16xf32>
    %add3A_1850 = arith.addf %add3A_1849, %gather3A_1822 : vector<16xf32>
    %add3A_1851 = arith.addf %add3A_1850, %gather3A_1825 : vector<16xf32>
    %swap3A_1852 = arith.constant 496 : index
    %swap3A_1853 = tpu.vector_load %arg32[%swap3A_1852] {strides = array<i32>} : memref<512xf32, #tpu.memory_space<vmem>>, vector<16xf32>,
    tpu.vector_store %arg32[%swap3A_1852], %add3A_1851 {strides = array<i32>} : memref<512xf32, #tpu.memory_space<vmem>>, vector<16xf32>,
    "tpu.region"() ({
      %run_scoped3A = tpu.sem_alloc : memref<!tpu.dma_semaphore, #tpu.memory_space<semaphore_mem>>
      %dma_start3A_1854 = tpu.memref_slice %arg16[%mul3A_2] : memref<16384xf32, #tpu.memory_space<hbm>> -> memref<512xf32, #tpu.memory_space<hbm>>
      %dma_start3A_1855 = tpu.memref_slice %arg16[%mul3A_2] : memref<16384xf32, #tpu.memory_space<hbm>> -> memref<512xf32, #tpu.memory_space<hbm>>
      tpu.enqueue_dma source(%arg32 : memref<512xf32, #tpu.memory_space<vmem>>) target(%dma_start3A_1855 : memref<512xf32, #tpu.memory_space<hbm>>) target_semaphore(%run_scoped3A : memref<!tpu.dma_semaphore, #tpu.memory_space<semaphore_mem>>)
      %dma_wait3A_1856 = tpu.memref_slice %arg16[%mul3A_2] : memref<16384xf32, #tpu.memory_space<hbm>> -> memref<512xf32, #tpu.memory_space<hbm>>
      %dma_wait3A_1857 = tpu.memref_slice %arg16[%mul3A_2] : memref<16384xf32, #tpu.memory_space<hbm>> -> memref<512xf32, #tpu.memory_space<hbm>>
      tpu.wait_dma2 semaphore(%run_scoped3A : memref<!tpu.dma_semaphore, #tpu.memory_space<semaphore_mem>>) src(%arg32 : memref<512xf32, #tpu.memory_space<vmem>>) dst(%dma_wait3A_1857 : memref<512xf32, #tpu.memory_space<hbm>>)
      tpu.yield
    }) : () -> ()
    return
  }
}

</mosaic_0001>

<sc_bundles>
// kernel: kernel.3.cloned.1.call-start
scs
__scs_entry_jumppad:
0x0: {  	(pc) =	sbr.rel $0x88, $3  }
0x1: {  	(tag) =	ssettag $0x0;
	lr =	simm.s32 $0x1  }
0x2: {  	[smem:$0x3F93] =	sst lr;
	_ =	strace $0xD0000000  }
0x3: {  	_ = 	snop  }
0x4: {  	_ = 	snop  }
0x5: {  	_ = 	snop  }
0x6: {  	_ = 	snop  }
0x7: {  	_ = 	snop  }
__scs_overlays_trampoline_lowered:
0x8: {  	[smem:$0x3FA2] =	sst s0  }
0x9: {  	[smem:$0x3FA3] =	sst s1  }
0xa: {  	[smem:$0x3FA4] =	sst s2  }
0xb: {  	[smem:$0x3FA5] =	sst s3  }
0xc: {  	[smem:$0x3FA6] =	sst s4  }
0xd: {  	[smem:$0x3FA7] =	sst s5  }
0xe: {  	[smem:$0x3FA8] =	sst s6  }
0xf: {  	[smem:$0x3FA9] =	sst s7  }
0x10: {  	[smem:$0x3FAA] =	sst s8  }
0x11: {  	[smem:$0x3FAB] =	sst s9;
	s0 =	simm.s32 @!p0 $0x0  }
0x12: {  	s1 =	sld [smem:$0x3F91];
	s0 =	simm.s32 @p0 $0x1  }
0x13: {  	[smem:$0x3FAC] =	sst s0;
	s0 =	simm.s32 @!p1 $0x0  }
0x14: {  	s2 =	sld [smem:$0x3F90];
	s0 =	simm.s32 @p1 $0x1  }
0x15: {  	[smem:$0x3FAD] =	sst s0;
	s0 =	simm.s32 @!p2 $0x0  }
0x16: {  	s3 =	sld [smem:$0x3FDB];
	s0 =	simm.s32 @p2 $0x1  }
0x17: {  	s4 =	simm.s32 $0x1BF5;
	[smem:$0x3FAF] =	sst s0  }
0x18: {  	s0 =	sld [smem:$0x3F92];
	_ =	swait.ge [sflag:s4], $0x0  }
0x19: {  	s7 =	sld [smem:$0x3F93]  }
0x1a: {  	s8 =	sadd.s32 $0xFFFFE003, lr  }
0x1b: {  	s9 =	sadd.s32 $0xFFFFFEF7, lr;
	s5 =	simm.s32 $0xFFFFFFFF;
	p2 =	slt.u32 s8, $0xFFFFF086  }
0x1c: {  	p1 =	slt.u32 s9, $0xF7A;
	s5 =	simm.s32 @!p2 $0x0  }
0x1d: {  	s5 =	simm.s32 @p1 $0x1;
	p0 =	seq.s32 s7, s2  }
0x1e: {  	s7 =	smul.u32 @!p0 $0xF7A, s2;
	p2 =	seq.s32 @!p0 s5, $0x0  }
0x1f: {  	s9 =	smul.u32 $0xF7A, s1;
	s8 =	simm.s32 @!p0 $0x1BF5;
	p2 =	por !p2, p0  }
0x20: {  	[sflag:s8] =	ssyncset.s32 @!p0 $0xFFFFF086;
	s6 =	sadd.s32 @!p0 s3, s7;
	s7 =	simm.s32 @!p0 $0x108  }
0x21: {  	s3 =	sadd.s32 s3, s9;
	s6 =	sadd.s32 @!p0 $0x88, s6;
	s7 =	simm.s32 @p2 $0x1082  }
0x22: {  	[simem:s7], [sflag:s8] =	dma.local @!p0 [hbm:s6], $0xF7A  }
0x23: {  	s9 =	sor.u32 $0xD0000000, s2;
	s6 =	simm.s32 $0x108;
	_ =	swait.ge @!p0 [sflag:s8], $0x0  }
0x24: {  	s3 =	sadd.s32 $0x88, s3;
	s6 =	simm.s32 @!p1 $0x1082;
	[sflag:s4] =	ssyncset.s32 $0xFFFFF086  }
0x25: {  	[simem:s6], [sflag:s4] =	dma.local [hbm:s3], $0xF7A  }
0x26: {  	[smem:$0x3F93] =	sst s1;
	(tag) =	ssettag s2;
	_ =	strace s9  }
0x27: {  	s1 =	sld [smem:$0x3FA3]  }
0x28: {  	s2 =	sld [smem:$0x3FA4]  }
0x29: {  	s4 =	sld [smem:$0x3FA6]  }
0x2a: {  	p0 =	seq.s32 s5, $0x0;
	s5 =	sld [smem:$0x3FA7]  }
0x2b: {  	s6 =	sld [smem:$0x3FA8]  }
0x2c: {  	s7 =	sld [smem:$0x3FA9]  }
0x2d: {  	s3 =	simm.s32 $0x108;
	s8 =	sld [smem:$0x3FAA]  }
0x2e: {  	s3 =	simm.s32 @!p0 $0x1082;
	s9 =	sld [smem:$0x3FAB]  }
0x2f: {  	lr =	sadd.s32 s0, s3;
	s0 =	sld [smem:$0x3FA2]  }
0x30: {  	s3 =	sld [smem:$0x3FA5]  }
0x31: {  	[smem:$0x3FAE] =	sst s10  }
0x32: {  	s10 =	sld [smem:$0x3FAC];
	_ =	sdelay $0x3  }
0x33: {  	p0 =	seq.s32 s10, $0x1;
	s10 =	sld [smem:$0x3FAE];
	_ =	sdelay $0x3  }
0x34: {  	[smem:$0x3FAE] =	sst s10  }
0x35: {  	s10 =	sld [smem:$0x3FAD];
	_ =	sdelay $0x3  }
0x36: {  	p1 =	seq.s32 s10, $0x1;
	s10 =	sld [smem:$0x3FAE];
	_ =	sdelay $0x3  }
0x37: {  	[smem:$0x3FAE] =	sst s10  }
0x38: {  	s10 =	sld [smem:$0x3FAF]  }
0x39: {  	_ = 	snop;
	(pc) =	sbr.ind lr, $3  }
0x3a: {  	_ = 	snop  }
0x3b: {  	_ = 	snop  }
0x3c: {  	p2 =	seq.s32 s10, $0x1;
	s10 =	sld [smem:$0x3FAE]  }
0x3d: {  	_ =	shalt  }
0x3e: {  	_ =	shalt  }
0x3f: {  	_ =	shalt  }
0x40: {  	_ =	shalt  }
0x41: {  	_ =	shalt  }
0x42: {  	_ =	shalt  }
0x43: {  	_ =	shalt  }
0x44: {  	_ =	shalt  }
0x45: {  	_ =	shalt  }
0x46: {  	_ =	shalt  }
0x47: {  	_ =	shalt  }
0x48: {  	_ =	shalt  }
0x49: {  	_ =	shalt  }
0x4a: {  	_ =	shalt  }
0x4b: {  	_ =	shalt  }
0x4c: {  	_ =	shalt  }
0x4d: {  	_ =	shalt  }
0x4e: {  	_ =	shalt  }
0x4f: {  	_ =	shalt  }
0x50: {  	_ =	shalt  }
0x51: {  	_ =	shalt  }
0x52: {  	_ =	shalt  }
0x53: {  	_ =	shalt  }
0x54: {  	_ =	shalt  }
0x55: {  	_ =	shalt  }
0x56: {  	_ =	shalt  }
0x57: {  	_ =	shalt  }
0x58: {  	_ =	shalt  }
0x59: {  	_ =	shalt  }
0x5a: {  	_ =	shalt  }
0x5b: {  	_ =	shalt  }
0x5c: {  	_ =	shalt  }
0x5d: {  	_ =	shalt  }
0x5e: {  	_ =	shalt  }
0x5f: {  	_ =	shalt  }
0x60: {  	_ =	shalt  }
0x61: {  	_ =	shalt  }
0x62: {  	_ =	shalt  }
0x63: {  	_ =	shalt  }
0x64: {  	_ =	shalt  }
0x65: {  	_ =	shalt  }
0x66: {  	_ =	shalt  }
0x67: {  	_ =	shalt  }
0x68: {  	_ =	shalt  }
0x69: {  	_ =	shalt  }
0x6a: {  	_ =	shalt  }
0x6b: {  	_ =	shalt  }
0x6c: {  	_ =	shalt  }
0x6d: {  	_ =	shalt  }
0x6e: {  	_ =	shalt  }
0x6f: {  	_ =	shalt  }
0x70: {  	_ =	shalt  }
0x71: {  	_ =	shalt  }
0x72: {  	_ =	shalt  }
0x73: {  	_ =	shalt  }
0x74: {  	_ =	shalt  }
0x75: {  	_ =	shalt  }
0x76: {  	_ =	shalt  }
0x77: {  	_ =	shalt  }
0x78: {  	_ =	shalt  }
0x79: {  	_ =	shalt  }
0x7a: {  	_ =	shalt  }
0x7b: {  	_ =	shalt  }
0x7c: {  	_ =	shalt  }
0x7d: {  	_ =	shalt  }
0x7e: {  	_ =	shalt  }
0x7f: {  	_ =	shalt  }
0x80: {  	_ =	shalt  }
0x81: {  	_ =	shalt  }
0x82: {  	_ =	shalt  }
0x83: {  	_ =	shalt  }
0x84: {  	_ =	shalt  }
0x85: {  	_ =	shalt  }
0x86: {  	_ =	shalt  }
0x87: {  	_ =	shalt  }
.Lfunc_end0:
.L_simem_size_0:
called_computation_lowered:
.L_overlay_start_0:
0x88: {  	s2 =	sld [smem:$0x3FD9]  }
0x89: {  	s3 =	sld [smem:$0x3FFE];
	_ =	sdelay $0x1  }
0x8a: {  	s1 =	srdreg.scid  }
0x8b: {  	s0 =	sand.u32 $0x1, s1  }
0x8c: {  	s17 =	sshll.u32 s0, $0xA;
	s2 =	sadd.s32 s3, s2  }
0x8d: {  	s2 =	sadd.s32 s2, s17  }
0x8e: {  	[smem:$0x3FBA] =	sst s2  }
0x8f: {  	_ = 	snop  }
0x90: {  	s2 =	sld [smem:$0x3FC9]  }
0x91: {  	s18 =	sld [smem:$0x3FC8]  }
0x92: {  	s4 =	sld [smem:$0x3FC7]  }
0x93: {  	s5 =	sld [smem:$0x3FC6]  }
0x94: {  	s6 =	sld [smem:$0x3FC5]  }
0x95: {  	s7 =	sld [smem:$0x3FC4]  }
0x96: {  	s8 =	sld [smem:$0x3FC3]  }
0x97: {  	s9 =	sld [smem:$0x3FC2]  }
0x98: {  	s10 =	sld [smem:$0x3FD0];
	(tm) =	ssettm $0x1  }
0x99: {  	s11 =	sld [smem:$0x3FFB];
	_ =	sdelay $0x3  }
0x9a: {  	_ =	strace s11  }
0x9b: {  	s11 =	sld [smem:$0x3FFC];
	_ =	sdelay $0x3  }
0x9c: {  	_ =	strace s11  }
0x9d: {  	s11 =	sld [smem:$0x3FFD];
	_ =	sdelay $0x3  }
0x9e: {  	_ =	strace s11  }
0x9f: {  	_ =	strace $0x8FFFFFFF  }
0xa0: {  	s19 =	sld [smem:$0x3FDB];
	_ =	sdelay $0x1  }
0xa1: {  	s12 =	simm.s32 $_scs_section_size  }
0xa2: {  	s13 =	simm.s32 $_size__tile_overlayer_lowered;
	s14 =	simm.s32 $_tile_overlayer_lowered  }
0xa3: {  	s22 =	simm.s32 $0x1BFF;
	s21 =	sshll.u32 s14, $0x1;
	s11 =	sadd.s32 s12, s19  }
0xa4: {  	s15 =	simm.s32 $0x0;
	s20 =	sshll.u32 s13, $0x1;
	s13 =	sadd.s32 s21, s11  }
0xa5: {  	[timem:s15], [sflag:s22] =	dma.local [hbm:s13], s20  }
0xa6: {  	_ =	swait.ge [sflag:s22], s20  }
0xa7: {  	s12 =	ssub.s32 $0x0, s20;
	[sflag:s22] =	ssyncset.done $0x0  }
0xa8: {  	[sflag:s22] =	ssyncadd.s32 s12;
	_ =	sdelay $0x1  }
0xa9: {  	s23 =	simm.s32 $0x1B8B  }
0xaa: {  	_ =	swait.ge [sflag:s23], $0x1  }
0xab: {  	[sflag:s23] =	ssyncset.done $0x0  }
0xac: {  	s25 =	simm.s32 $0x1B8E;
	s24 =	sld [smem:$0x3FFE];
	[sflag:s23] =	ssyncadd.s32 $0xFFFFFFFF  }
0xad: {  	s26 =	simm.s32 $execute0_lowered;
	[smem:$0x3FD2] =	sst s25  }
0xae: {  	s13 =	sshll.u32 s26, $0x1;
	_ =	strace $0x80000046;
	[dreg:$0x1] =	wrdreg $0xFFFFFFFF  }
0xaf: {  	s28 =	simm.s32 $_size_execute0_lowered;
	s11 =	sadd.s32 s11, s13;
	[dreg:$0x0] =	wrdreg $0x0  }
0xb0: {  	s13 =	sshll.u32 s28, $0x1;
	[dreg:$0x2] =	wrdreg s11  }
0xb1: {  	[dreg:$0x3] =	wrdreg s13  }
0xb2: {  	[dreg:$0x4] =	wrdreg $0xC0  }
0xb3: {  	_ =	task [dreg:s15], $0x5FFFF  }
0xb4: {  	[dreg:$0x1] =	wrdreg $0xFFFFFFFF  }
0xb5: {  	[dreg:$0x0] =	wrdreg $0x60  }
0xb6: {  	[dreg:$0x2] =	wrdreg s2  }
0xb7: {  	[dreg:$0x3] =	wrdreg s18  }
0xb8: {  	[dreg:$0x4] =	wrdreg s4  }
0xb9: {  	[dreg:$0x5] =	wrdreg s5  }
0xba: {  	[dreg:$0x6] =	wrdreg s6  }
0xbb: {  	[dreg:$0x7] =	wrdreg s7  }
0xbc: {  	[dreg:$0x8] =	wrdreg s8  }
0xbd: {  	[dreg:$0x9] =	wrdreg s9  }
0xbe: {  	[dreg:$0xa] =	wrdreg s24  }
0xbf: {  	[dreg:$0xb] =	wrdreg s10  }
0xc0: {  	[dreg:$0xc] =	wrdreg $0x9  }
0xc1: {  	_ =	task.clear_ibuf [dreg:s15], $0xDFFFF;
	_ =	strace $0x90000046  }
0xc2: {  	s29 =	simm.s32 $0x9;
	_ =	strace $0x80000048  }
0xc3: {  	_ =	swait.ge [sflag:s29], $0x1  }
0xc4: {  	[sflag:s29] =	ssyncadd.s32 $0xFFFFFFFF  }
0xc5: {  	_ =	strace $0x90000048  }
0xc6: {  	_ =	sfence  }
0xc7: {  	s30 =	sld [smem:$0x0];
	_ =	sdelay $0x2  }
0xc8: {  	s31 =	sshll.u32 s1, $0xD;
	s1 =	sshrl.u32 s1, $0x2  }
0xc9: {  	s3 =	sand.u32 $0x4000, s31;
	s1 =	sadd.s32 s1, s30  }
0xca: {  	s0 =	sor.u32 s3, s0;
	s1 =	sshll.u32 s1, $0x11  }
0xcb: {  	s0 =	sor.u32 s1, s0  }
0xcc: {  	s0 =	sadd.s32 $0x8F2B, s0  }
0xcd: {  	[sflag:s0] =	ssyncadd.remote.s32 $0x1  }
0xce: {  	_ =	sfence.sel $0xFFFF  }
0xcf: {  	[dreg:$0x0] =	wrdreg $0xFFFFFFFF;
	(pc) =	sbr.abs _section_cstart, $3  }
0xd0: {  	[dreg:$0x1] =	wrdreg $0xFFFFFFFF  }
0xd1: {  	_ =	task.clear_ibuf [dreg:s15], $0x2FFFF;
	_ =	strace $0x9FFFFFFF  }
0xd2: {  	(tm) =	ssettm $0x7FFFFFFF  }
0xd3: {  	_ =	shalt  }
tec
execute0_lowered:
.L_overlay_start_1:
0x0: {  	(tag) =	ssettag $0x1  }
0x1: {  	s0 =	rddreg [dreg:$0x0]  }
0x2: {  	s4 =	rddreg [dreg:$0x1]  }
0x3: {  	s5 =	rddreg [dreg:$0x2]  }
0x4: {  	s6 =	rddreg [dreg:$0x3]  }
0x5: {  	s7 =	rddreg [dreg:$0x4]  }
0x6: {  	s8 =	rddreg [dreg:$0x5]  }
0x7: {  	s9 =	rddreg [dreg:$0x6]  }
0x8: {  	s10 =	rddreg [dreg:$0x7]  }
0x9: {  	s1 =	rddreg [dreg:$0x8]  }
0xa: {  	s11 =	rddreg [dreg:$0x9];
	s3 =	simm.s32 $0x0;
	s12 =	srdreg.scid  }
0xb: {  	s2 =	stileid.u32;
	[smem:$0x7FF] =	sst s3;
	s12 =	sand.u32 $0x1, s12  }
0xc: {  	s13 =	sadd.s32 $0x200, s1;
	s14 =	sshll.u32 s2, $0x7;
	s16 =	sadd.s32 $0x400, s1  }
0xd: {  	_ =	strace $0x80000047;
	s15 =	sshll.u32 s12, $0x6;
	[dreg:$0xb] =	wrdreg s13  }
0xe: {  	[dreg:$0xc] =	wrdreg s16;
	s16 =	simm.s32 $0x1E00;
	s14 =	sor.u32 s15, s14  }
0xf: {  	[smem:$0x7F3] =	sst s16;
	s17 =	sadd.s32 s7, s14  }
0x10: {  	s18 =	sadd.s32 s10, s14;
	[dreg:$0xd] =	wrdreg s17  }
0x11: {  	s26 =	sadd.s32 s8, s14;
	[dreg:$0xe] =	wrdreg s18  }
0x12: {  	s2 =	sadd.s32 s9, s14;
	[dreg:$0x15] =	wrdreg s26  }
0x13: {  	s28 =	simm.s32 $0x1;
	s0 =	sadd.s32 s0, s14;
	[dreg:$0x16] =	wrdreg s2  }
0x14: {  	s29 =	simm.s32 $0x2;
	s4 =	sadd.s32 s4, s14;
	[dreg:$0x17] =	wrdreg s0  }
0x15: {  	s30 =	simm.s32 $0x3;
	s5 =	sadd.s32 s5, s14;
	[dreg:$0x18] =	wrdreg s4  }
0x16: {  	s31 =	simm.s32 $0x2080;
	s8 =	sadd.s32 s11, s14;
	[dreg:$0x19] =	wrdreg s5  }
0x17: {  	s15 =	sor.u32 $0x10, s14;
	s9 =	simm.s32 $0x600;
	[dreg:$0x1b] =	wrdreg s8  }
0x18: {  	s11 =	ssub.s32 $0x2, s12;
	s12 =	simm.s32 $0x1800;
	[dreg:$0x1c] =	wrdreg s9  }
0x19: {  	s16 =	simm.s32 $0x1400;
	s19 =	sadd.s32 s7, s15;
	[dreg:$0x1e] =	wrdreg s12  }
0x1a: {  	s21 =	sor.u32 $0x20, s14;
	s20 =	sadd.s32 s10, s15;
	[dreg:$0xf] =	wrdreg s19  }
0x1b: {  	s24 =	sor.u32 $0x30, s14;
	s22 =	sadd.s32 s7, s21;
	[dreg:$0x10] =	wrdreg s20  }
0x1c: {  	s23 =	sadd.s32 s10, s21;
	s7 =	sadd.s32 s7, s24;
	[dreg:$0x11] =	wrdreg s22  }
0x1d: {  	s25 =	sadd.s32 s10, s24;
	s4 =	sadd.s32 $0x600, s1;
	[dreg:$0x12] =	wrdreg s23  }
0x1e: {  	s5 =	sadd.s32 $0x3800, s1;
	s10 =	simm.s32 $0x800;
	[dreg:$0x13] =	wrdreg s7  }
0x1f: {  	s13 =	sshrl.u32 s11, $0x1;
	s15 =	simm.s32 $0x1C00;
	[dreg:$0x14] =	wrdreg s25  }
0x20: {  	s8 =	simm.s32 $0x200;
	s17 =	simm.s32 $0x2000;
	[dreg:$0x1d] =	wrdreg s10  }
0x21: {  	s9 =	simm.s32 $0x80;
	s18 =	simm.s32 $0xA00;
	[smem:$0x7F2] =	sst s15  }
0x22: {  	s12 =	simm.s32 $0x300;
	s21 =	simm.s32 $0xC80;
	[smem:$0x7F4] =	sst s17  }
0x23: {  	s24 =	simm.s32 $0xB80;
	s26 =	simm.s32 $0x400;
	[smem:$0x7F5] =	sst s18  }
0x24: {  	s0 =	simm.s32 $0x7;
	s7 =	sadd.s32 s6, s14;
	[smem:$0x7F8] =	sst s21  }
0x25: {  	s6 =	sadd.s32 $0x22200, s1;
	s14 =	simm.s32 $0x1A00;
	[smem:$0x7FB] =	sst s24  }
0x26: {  	s10 =	simm.s32 $0x280;
	s19 =	simm.s32 $0xC00;
	[smem:$0x7FD] =	sst s26  }
0x27: {  	s20 =	simm.s32 $0xA80;
	s22 =	simm.s32 $0xB00;
	[dreg:$0x1a] =	wrdreg s7  }
0x28: {  	s23 =	simm.s32 $0xD00;
	s15 =	simm.s32 $0x1000;
	[dreg:$0x1f] =	wrdreg s14  }
0x29: {  	s25 =	simm.s32 $0xD80;
	s17 =	simm.s32 $0x4;
	[smem:$0x7F6] =	sst s19  }
0x2a: {  	s18 =	simm.s32 $0x5;
	s24 =	simm.s32 $0x580;
	[smem:$0x7F7] =	sst s20  }
0x2b: {  	s26 =	simm.s32 $0x6;
	s7 =	ssub.s32 s11, s13;
	[smem:$0x7F9] =	sst s22  }
0x2c: {  	s11 =	simm.s32 $0x100;
	s13 =	simm.s32 $0x180;
	[smem:$0x7FA] =	sst s23  }
0x2d: {  	s14 =	simm.s32 $0x380;
	[smem:$0x7FC] =	sst s25;
	s22 =	simm.s32 $0x500  }
0x2e: {  	s23 =	simm.s32 $0xF00;
	s25 =	simm.s32 $0xF80;
	s7 =	smax.u32 s7, $0x1  }
.LBB2_1:
0x2f: {  	s2 =	rddreg [dreg:$0xd]  }
0x30: {  	s19 =	rddreg [dreg:$0xe]  }
0x31: {  	s20 =	rddreg [dreg:$0xf]  }
0x32: {  	s21 =	rddreg [dreg:$0x10]  }
0x33: {  	[tilespmem:s3], [sflag:$0x4] =	stream.linear.gather [hbm4b:s2+s3], $0x80, $0x38;
	[tilespmem:$0x2280] =	vst v63  }
0x34: {  	s2 =	rddreg [dreg:$0x15]  }
0x35: {  	[tilespmem:s8], [sflag:$0x4] =	stream.linear.gather [hbm4b:s19+s3], $0x80, $0x38;
	[tilespmem:$0x2280] =	vst v63  }
0x36: {  	s19 =	rddreg [dreg:$0x1c]  }
0x37: {  	[tilespmem:s9], [sflag:$0x4] =	stream.linear.gather [hbm4b:s20+s3], $0x80, $0x38;
	[tilespmem:$0x2280] =	vst v63  }
0x38: {  	s20 =	rddreg [dreg:$0x11]  }
0x39: {  	[tilespmem:s10], [sflag:$0x4] =	stream.linear.gather [hbm4b:s21+s3], $0x80, $0x38;
	[tilespmem:$0x2280] =	vst v63  }
0x3a: {  	s21 =	rddreg [dreg:$0x12]  }
0x3b: {  	[tilespmem:s11], [sflag:$0x4] =	stream.linear.gather [hbm4b:s20+s3], $0x80, $0x38;
	[tilespmem:$0x2280] =	vst v63  }
0x3c: {  	s20 =	rddreg [dreg:$0x13]  }
0x3d: {  	[tilespmem:s12], [sflag:$0x4] =	stream.linear.gather [hbm4b:s21+s3], $0x80, $0x38;
	[tilespmem:$0x2280] =	vst v63  }
0x3e: {  	s21 =	rddreg [dreg:$0x14]  }
0x3f: {  	[tilespmem:s13], [sflag:$0x4] =	stream.linear.gather [hbm4b:s20+s3], $0x80, $0x38;
	[tilespmem:$0x2280] =	vst v63  }
0x40: {  	s20 =	rddreg [dreg:$0x16]  }
0x41: {  	[tilespmem:s14], [sflag:$0x4] =	stream.linear.gather [hbm4b:s21+s3], $0x80, $0x38;
	[tilespmem:$0x2280] =	vst v63  }
0x42: {  	s21 =	rddreg [dreg:$0x1d]  }
0x43: {  	[tilespmem:s19], [sflag:$0x5] =	stream.linear.gather [hbm4b:s2+s3], $0x200, $0x38;
	[tilespmem:$0x2280] =	vst v63  }
0x44: {  	s19 =	rddreg [dreg:$0xb]  }
0x45: {  	s2 =	rddreg [dreg:$0x17]  }
0x46: {  	[tilespmem:s21], [sflag:$0x5] =	stream.linear.gather [hbm4b:s20+s3], $0x200, $0x38;
	[tilespmem:$0x2280] =	vst v63  }
0x47: {  	s21 =	rddreg [dreg:$0xc]  }
0x48: {  	s20 =	rddreg [dreg:$0x18]  }
0x49: {  	[tilespmem:s15], [sflag:$0x6] =	stream.linear.gather [hbm4b:s19+s3], $0x400, $0x38;
	[tilespmem:$0x2280] =	vst v63  }
0x4a: {  	s19 =	rddreg [dreg:$0x1e]  }
0x4b: {  	[tilespmem:s16], [sflag:$0x6] =	stream.linear.gather [hbm4b:s21+s3], $0x400, $0x38;
	[tilespmem:$0x2280] =	vst v63  }
0x4c: {  	s21 =	rddreg [dreg:$0x1f]  }
0x4d: {  	[tilespmem:s19], [sflag:$0x6] =	stream.linear.gather [hbm4b:s2+s3], $0x200, $0x38;
	[tilespmem:$0x2280] =	vst v63  }
0x4e: {  	s2 =	rddreg [dreg:$0x19]  }
0x4f: {  	s19 =	sld [smem:$0x7F2]  }
0x50: {  	[tilespmem:s21], [sflag:$0x6] =	stream.linear.gather [hbm4b:s20+s3], $0x200, $0x38;
	[tilespmem:$0x2280] =	vst v63  }
0x51: {  	s20 =	rddreg [dreg:$0x1a]  }
0x52: {  	s21 =	sld [smem:$0x7F3]  }
0x53: {  	[tilespmem:s19], [sflag:$0x6] =	stream.linear.gather [hbm4b:s2+s3], $0x200, $0x38;
	[tilespmem:$0x2280] =	vst v63  }
0x54: {  	s19 =	sld [smem:$0x7F4]  }
0x55: {  	[tilespmem:s21], [sflag:$0x6] =	stream.linear.gather [hbm4b:s20+s3], $0x200, $0x38;
	[tilespmem:$0x2280] =	vst v63  }
0x56: {  	_ = 	snop  }
0x57: {  	[tilespmem:s19], [sflag:$0x6] =	stream.linear.gather [hbm4b:s1+s3], $0x80, $0x38;
	[tilespmem:$0x2280] =	vst v63  }
0x58: {  	_ =	swait.ge [sflag:s17], $0x80  }
0x59: {  	[sflag:s17] =	ssyncset.done $0x0  }
0x5a: {  	[sflag:s17] =	ssyncadd.s32 $0xFFFFFF80  }
0x5b: {  	_ =	swait.ge [sflag:s17], $0x80  }
0x5c: {  	[sflag:s17] =	ssyncset.done $0x0  }
0x5d: {  	[sflag:s17] =	ssyncadd.s32 $0xFFFFFF80  }
0x5e: {  	_ =	swait.ge [sflag:s17], $0x80  }
0x5f: {  	[sflag:s17] =	ssyncset.done $0x0  }
0x60: {  	[sflag:s17] =	ssyncadd.s32 $0xFFFFFF80  }
0x61: {  	_ =	swait.ge [sflag:s17], $0x80  }
0x62: {  	[sflag:s17] =	ssyncset.done $0x0  }
0x63: {  	[sflag:s17] =	ssyncadd.s32 $0xFFFFFF80  }
0x64: {  	_ =	swait.ge [sflag:s17], $0x80  }
0x65: {  	[sflag:s17] =	ssyncset.done $0x0  }
0x66: {  	[sflag:s17] =	ssyncadd.s32 $0xFFFFFF80  }
0x67: {  	_ =	swait.ge [sflag:s17], $0x80  }
0x68: {  	[sflag:s17] =	ssyncset.done $0x0  }
0x69: {  	[sflag:s17] =	ssyncadd.s32 $0xFFFFFF80  }
0x6a: {  	_ =	swait.ge [sflag:s17], $0x80  }
0x6b: {  	[sflag:s17] =	ssyncset.done $0x0  }
0x6c: {  	[sflag:s17] =	ssyncadd.s32 $0xFFFFFF80  }
0x6d: {  	_ =	swait.ge [sflag:s17], $0x80  }
0x6e: {  	s20 =	sld [smem:$0x7F5]  }
0x6f: {  	[sflag:s17] =	ssyncset.done $0x0  }
0x70: {  	s21 =	sld [smem:$0x7F6];
	[sflag:s17] =	ssyncadd.s32 $0xFFFFFF80  }
0x71: {  	[tilespmem:s20], [sflag:$0x1] =	stream.indirect.gather [hbm4b:s4+s9], $0x1, s3, s9, $0xb8;
	[tilespmem:$0x2280] =	vst v63  }
0x72: {  	s20 =	sld [smem:$0x7F7]  }
0x73: {  	[tilespmem:s21], [sflag:$0x2] =	stream.indirect.gather [hbm4b:s5+s9], $0x1, s8, s9, $0xb8;
	[tilespmem:$0x2280] =	vst v63  }
0x74: {  	s21 =	sld [smem:$0x7F8]  }
0x75: {  	[tilespmem:s20], [sflag:$0x1] =	stream.indirect.gather [hbm4b:s4+s9], $0x1, s9, s9, $0xb8;
	[tilespmem:$0x2280] =	vst v63  }
0x76: {  	s20 =	sld [smem:$0x7F9]  }
0x77: {  	[tilespmem:s21], [sflag:$0x2] =	stream.indirect.gather [hbm4b:s5+s9], $0x1, s10, s9, $0xb8;
	[tilespmem:$0x2280] =	vst v63  }
0x78: {  	s21 =	sld [smem:$0x7FA]  }
0x79: {  	[tilespmem:s20], [sflag:$0x1] =	stream.indirect.gather [hbm4b:s4+s9], $0x1, s11, s9, $0xb8;
	[tilespmem:$0x2280] =	vst v63  }
0x7a: {  	s20 =	sld [smem:$0x7FB]  }
0x7b: {  	[tilespmem:s21], [sflag:$0x2] =	stream.indirect.gather [hbm4b:s5+s9], $0x1, s12, s9, $0xb8;
	[tilespmem:$0x2280] =	vst v63  }
0x7c: {  	s21 =	sld [smem:$0x7FC]  }
0x7d: {  	[tilespmem:s20], [sflag:$0x1] =	stream.indirect.gather [hbm4b:s4+s9], $0x1, s13, s9, $0xb8;
	[tilespmem:$0x2280] =	vst v63  }
0x7e: {  	_ = 	snop  }
0x7f: {  	[tilespmem:s21], [sflag:$0x2] =	stream.indirect.gather [hbm4b:s5+s9], $0x1, s14, s9, $0xb8;
	[tilespmem:$0x2280] =	vst v63  }
0x80: {  	_ =	swait.ge [sflag:s18], $0x200  }
0x81: {  	[sflag:s18] =	ssyncset.done $0x0  }
0x82: {  	[sflag:s18] =	ssyncadd.s32 $0xFFFFFE00  }
0x83: {  	_ =	swait.ge [sflag:s18], $0x200  }
0x84: {  	[sflag:s18] =	ssyncset.done $0x0  }
0x85: {  	[sflag:s18] =	ssyncadd.s32 $0xFFFFFE00  }
0x86: {  	v0 =	vld [tilespmem:$0x600]  }
0x87: {  	v1 =	vld [tilespmem:$0x800]  }
0x88: {  	v2 =	vld [tilespmem:$0x610]  }
0x89: {  	v3 =	vld [tilespmem:$0x810]  }
0x8a: {  	v4 =	vld [tilespmem:$0x620]  }
0x8b: {  	v5 =	vld [tilespmem:$0x820]  }
0x8c: {  	v6 =	vld [tilespmem:$0x630]  }
0x8d: {  	v7 =	vld [tilespmem:$0x830]  }
0x8e: {  	v8 =	vld [tilespmem:$0x640]  }
0x8f: {  	v9 =	vld [tilespmem:$0x840]  }
0x90: {  	v10 =	vld [tilespmem:$0x650]  }
0x91: {  	v11 =	vld [tilespmem:$0x850]  }
0x92: {  	v12 =	vld [tilespmem:$0x660]  }
0x93: {  	v13 =	vld [tilespmem:$0x860];
	v0 =	vmul.u32 $0x3E8, v0  }
0x94: {  	v14 =	vld [tilespmem:$0x670];
	v2 =	vmul.u32 $0x3E8, v2  }
0x95: {  	v32 =	vld [tilespmem:$0x870];
	v31 =	vmul.u32 $0x3E8, v4;
	v0 =	vadd.s32 v1, v0  }
0x96: {  	v35 =	vld [tilespmem:$0x680];
	v34 =	vmul.u32 $0x3E8, v6;
	v33 =	vadd.s32 v3, v2;
	[tilespmem:$0x400] =	vst v0  }
0x97: {  	v38 =	vld [tilespmem:$0x690];
	v37 =	vmul.u32 $0x3E8, v8;
	v36 =	vadd.s32 v5, v31;
	[tilespmem:$0x410] =	vst v33  }
0x98: {  	v41 =	vld [tilespmem:$0x880];
	v40 =	vmul.u32 $0x3E8, v10;
	v39 =	vadd.s32 v7, v34;
	[tilespmem:$0x420] =	vst v36  }
0x99: {  	v44 =	vld [tilespmem:$0x890];
	v43 =	vmul.u32 $0x3E8, v12;
	v42 =	vadd.s32 v9, v37;
	[tilespmem:$0x430] =	vst v39  }
0x9a: {  	v46 =	vmul.u32 $0x3E8, v14;
	v45 =	vadd.s32 v11, v40;
	[tilespmem:$0x440] =	vst v42  }
0x9b: {  	v48 =	vmul.u32 $0x3E8, v35;
	v47 =	vadd.s32 v13, v43;
	[tilespmem:$0x450] =	vst v45  }
0x9c: {  	v50 =	vmul.u32 $0x3E8, v38;
	v49 =	vadd.s32 v32, v46;
	[tilespmem:$0x460] =	vst v47  }
0x9d: {  	v51 =	vadd.s32 v41, v48;
	[tilespmem:$0x470] =	vst v49  }
0x9e: {  	v52 =	vadd.s32 v44, v50;
	[tilespmem:$0x480] =	vst v51  }
0x9f: {  	v53 =	vld [tilespmem:$0x6A0];
	[tilespmem:$0x490] =	vst v52  }
0xa0: {  	v54 =	vld [tilespmem:$0x8A0]  }
0xa1: {  	v55 =	vld [tilespmem:$0x6B0]  }
0xa2: {  	v56 =	vld [tilespmem:$0x8B0]  }
0xa3: {  	v57 =	vld [tilespmem:$0x6C0]  }
0xa4: {  	v58 =	vld [tilespmem:$0x8C0]  }
0xa5: {  	v59 =	vld [tilespmem:$0x6D0]  }
0xa6: {  	v60 =	vld [tilespmem:$0x8D0]  }
0xa7: {  	v61 =	vld [tilespmem:$0x6E0]  }
0xa8: {  	v62 =	vld [tilespmem:$0x8E0]  }
0xa9: {  	v63 =	vld [tilespmem:$0x6F0]  }
0xaa: {  	v28 =	vld [tilespmem:$0x8F0]  }
0xab: {  	v29 =	vld [tilespmem:$0x700]  }
0xac: {  	v30 =	vld [tilespmem:$0x900]  }
0xad: {  	v31 =	vld [tilespmem:$0x710]  }
0xae: {  	v15 =	vld [tilespmem:$0x910]  }
0xaf: {  	v16 =	vld [tilespmem:$0x720]  }
0xb0: {  	v17 =	vld [tilespmem:$0x920]  }
0xb1: {  	v18 =	vld [tilespmem:$0x730]  }
0xb2: {  	v19 =	vld [tilespmem:$0x930]  }
0xb3: {  	v20 =	vld [tilespmem:$0x740]  }
0xb4: {  	v21 =	vld [tilespmem:$0x940]  }
0xb5: {  	v22 =	vld [tilespmem:$0x750]  }
0xb6: {  	v23 =	vld [tilespmem:$0x950]  }
0xb7: {  	v24 =	vld [tilespmem:$0x760]  }
0xb8: {  	v0 =	vmul.u32 $0x3E8, v53;
	v25 =	vld [tilespmem:$0x960]  }
0xb9: {  	v26 =	vld [tilespmem:$0x770];
	v2 =	vmul.u32 $0x3E8, v55  }
0xba: {  	v33 =	vld [tilespmem:$0x970];
	v0 =	vadd.s32 v54, v0;
	v32 =	vmul.u32 $0x3E8, v57  }
0xbb: {  	v36 =	vld [tilespmem:$0x780];
	v35 =	vmul.u32 $0x3E8, v59;
	[tilespmem:$0x4A0] =	vst v0;
	v34 =	vadd.s32 v56, v2  }
0xbc: {  	v39 =	vld [tilespmem:$0x980];
	v38 =	vmul.u32 $0x3E8, v61;
	v37 =	vadd.s32 v58, v32;
	[tilespmem:$0x4B0] =	vst v34  }
0xbd: {  	v42 =	vld [tilespmem:$0x790];
	v41 =	vmul.u32 $0x3E8, v63;
	v40 =	vadd.s32 v60, v35;
	[tilespmem:$0x4C0] =	vst v37  }
0xbe: {  	v45 =	vld [tilespmem:$0x990];
	v44 =	vmul.u32 $0x3E8, v29;
	v43 =	vadd.s32 v62, v38;
	[tilespmem:$0x4D0] =	vst v40  }
0xbf: {  	v48 =	vld [tilespmem:$0x7A0];
	v47 =	vmul.u32 $0x3E8, v31;
	v46 =	vadd.s32 v28, v41;
	[tilespmem:$0x4E0] =	vst v43  }
0xc0: {  	v51 =	vld [tilespmem:$0x9A0];
	v50 =	vmul.u32 $0x3E8, v16;
	v49 =	vadd.s32 v30, v44;
	[tilespmem:$0x4F0] =	vst v46  }
0xc1: {  	v27 =	vld [tilespmem:$0x7F0];
	v53 =	vmul.u32 $0x3E8, v18;
	v52 =	vadd.s32 v15, v47;
	[tilespmem:$0x500] =	vst v49  }
0xc2: {  	v54 =	vld [tilespmem:$0x7B0];
	v59 =	vmul.u32 $0x3E8, v22;
	v55 =	vadd.s32 v17, v50;
	[tilespmem:$0x510] =	vst v52  }
0xc3: {  	v57 =	vld [tilespmem:$0x9B0];
	v56 =	vmul.u32 $0x3E8, v20;
	v58 =	vadd.s32 v19, v53;
	[tilespmem:$0x520] =	vst v55  }
0xc4: {  	v63 =	vld [tilespmem:$0x9C0];
	v62 =	vmul.u32 $0x3E8, v24;
	v16 =	vadd.s32 v23, v59;
	[tilespmem:$0x530] =	vst v58  }
0xc5: {  	v60 =	vld [tilespmem:$0x7C0];
	v17 =	vmul.u32 $0x3E8, v26;
	[tilespmem:$0x550] =	vst v16;
	v61 =	vadd.s32 v21, v56  }
0xc6: {  	v18 =	vld [tilespmem:$0x7D0];
	v20 =	vmul.u32 $0x3E8, v36;
	v19 =	vadd.s32 v25, v62;
	[tilespmem:$0x540] =	vst v61  }
0xc7: {  	v23 =	vmul.u32 $0x3E8, v42;
	v24 =	vld [tilespmem:$0x7E0];
	v22 =	vadd.s32 v33, v17;
	[tilespmem:$0x560] =	vst v19  }
0xc8: {  	v26 =	vmul.u32 $0x3E8, v48;
	v21 =	vld [tilespmem:$0x9D0];
	v25 =	vadd.s32 v39, v20;
	[tilespmem:$0x570] =	vst v22  }
0xc9: {  	v30 =	vld [tilespmem:$0x9E0];
	v28 =	vadd.s32 v45, v23;
	[tilespmem:$0x580] =	vst v25;
	v29 =	vmul.u32 $0x3E8, v54  }
0xca: {  	v31 =	vadd.s32 v51, v26;
	v33 =	vld [tilespmem:$0x9F0];
	[tilespmem:$0x590] =	vst v28;
	v32 =	vmul.u32 $0x3E8, v60  }
0xcb: {  	[tilespmem:$0x5A0] =	vst v31;
	v35 =	vmul.u32 $0x3E8, v18;
	v34 =	vadd.s32 v57, v29  }
0xcc: {  	v37 =	vmul.u32 $0x3E8, v24;
	[tilespmem:$0x5B0] =	vst v34;
	v36 =	vadd.s32 v63, v32  }
0xcd: {  	v39 =	vmul.u32 $0x3E8, v27;
	v38 =	vadd.s32 v21, v35;
	[tilespmem:$0x5C0] =	vst v36  }
0xce: {  	s20 =	sld [smem:$0x7FD];
	v40 =	vadd.s32 v30, v37;
	[tilespmem:$0x5D0] =	vst v38  }
0xcf: {  	v41 =	vadd.s32 v33, v39;
	[tilespmem:$0x5E0] =	vst v40  }
0xd0: {  	s21 =	simm.s32 $0xE00;
	[tilespmem:$0x5F0] =	vst v41  }
0xd1: {  	[tilespmem:s21], [sflag:$0x3] =	stream.indirect.gather [hbm4b:s6+s9], $0x1, s20, s9, $0xb8;
	[tilespmem:$0x2280] =	vst v63  }
0xd2: {  	s19 =	simm.s32 $0x480;
	s20 =	simm.s32 $0xE80  }
0xd3: {  	[tilespmem:s20], [sflag:$0x3] =	stream.indirect.gather [hbm4b:s6+s9], $0x1, s19, s9, $0xb8;
	[tilespmem:$0x2280] =	vst v63  }
0xd4: {  	_ = 	snop  }
0xd5: {  	[tilespmem:s23], [sflag:$0x3] =	stream.indirect.gather [hbm4b:s6+s9], $0x1, s22, s9, $0xb8;
	[tilespmem:$0x2280] =	vst v63  }
0xd6: {  	_ = 	snop  }
0xd7: {  	[tilespmem:s25], [sflag:$0x3] =	stream.indirect.gather [hbm4b:s6+s9], $0x1, s24, s9, $0xb8;
	[tilespmem:$0x2280] =	vst v63  }
0xd8: {  	_ =	swait.ge [sflag:s26], $0x400  }
0xd9: {  	[sflag:s26] =	ssyncset.done $0x0  }
0xda: {  	[sflag:s26] =	ssyncadd.s32 $0xFFFFFC00  }
0xdb: {  	_ =	swait.ge [sflag:s26], $0x400  }
0xdc: {  	[sflag:s26] =	ssyncset.done $0x0  }
0xdd: {  	[sflag:s26] =	ssyncadd.s32 $0xFFFFFC00  }
0xde: {  	_ =	swait.ge [sflag:s26], $0x200  }
0xdf: {  	[sflag:s26] =	ssyncset.done $0x0  }
0xe0: {  	[sflag:s26] =	ssyncadd.s32 $0xFFFFFE00  }
0xe1: {  	_ =	swait.ge [sflag:s26], $0x200  }
0xe2: {  	[sflag:s26] =	ssyncset.done $0x0  }
0xe3: {  	[sflag:s26] =	ssyncadd.s32 $0xFFFFFE00  }
0xe4: {  	_ =	swait.ge [sflag:s26], $0x200  }
0xe5: {  	[sflag:s26] =	ssyncset.done $0x0  }
0xe6: {  	[sflag:s26] =	ssyncadd.s32 $0xFFFFFE00  }
0xe7: {  	_ =	swait.ge [sflag:s26], $0x200  }
0xe8: {  	[sflag:s26] =	ssyncset.done $0x0  }
0xe9: {  	[sflag:s26] =	ssyncadd.s32 $0xFFFFFE00  }
0xea: {  	_ =	swait.ge [sflag:s26], $0x80  }
0xeb: {  	[sflag:s26] =	ssyncset.done $0x0  }
0xec: {  	[sflag:s26] =	ssyncadd.s32 $0xFFFFFF80  }
0xed: {  	v3 =	vld [tilespmem:$0x2000]  }
0xee: {  	v2 =	vld [tilespmem:$0x2010]  }
0xef: {  	v1 =	vld [tilespmem:$0x2020]  }
0xf0: {  	v0 =	vld [tilespmem:$0x2030];
	_ =	swait.ge [sflag:s28], $0x80  }
0xf1: {  	[sflag:s28] =	ssyncset.done $0x0  }
0xf2: {  	[sflag:s28] =	ssyncadd.s32 $0xFFFFFF80  }
0xf3: {  	_ =	swait.ge [sflag:s29], $0x80  }
0xf4: {  	[sflag:s29] =	ssyncset.done $0x0  }
0xf5: {  	[sflag:s29] =	ssyncadd.s32 $0xFFFFFF80  }
0xf6: {  	_ =	swait.ge [sflag:s28], $0x80  }
0xf7: {  	[sflag:s28] =	ssyncset.done $0x0  }
0xf8: {  	[sflag:s28] =	ssyncadd.s32 $0xFFFFFF80  }
0xf9: {  	_ =	swait.ge [sflag:s29], $0x80  }
0xfa: {  	[sflag:s29] =	ssyncset.done $0x0  }
0xfb: {  	[sflag:s29] =	ssyncadd.s32 $0xFFFFFF80  }
0xfc: {  	_ =	swait.ge [sflag:s28], $0x80  }
0xfd: {  	[sflag:s28] =	ssyncset.done $0x0  }
0xfe: {  	[sflag:s28] =	ssyncadd.s32 $0xFFFFFF80  }
0xff: {  	_ =	swait.ge [sflag:s29], $0x80  }
0x100: {  	[sflag:s29] =	ssyncset.done $0x0  }
0x101: {  	[sflag:s29] =	ssyncadd.s32 $0xFFFFFF80  }
0x102: {  	_ =	swait.ge [sflag:s28], $0x80  }
0x103: {  	[sflag:s28] =	ssyncset.done $0x0  }
0x104: {  	[sflag:s28] =	ssyncadd.s32 $0xFFFFFF80  }
0x105: {  	_ =	swait.ge [sflag:s29], $0x80  }
0x106: {  	[sflag:s29] =	ssyncset.done $0x0  }
0x107: {  	[sflag:s29] =	ssyncadd.s32 $0xFFFFFF80  }
0x108: {  	_ =	swait.ge [sflag:s30], $0x80  }
0x109: {  	[sflag:s30] =	ssyncset.done $0x0  }
0x10a: {  	[sflag:s30] =	ssyncadd.s32 $0xFFFFFF80  }
0x10b: {  	_ =	swait.ge [sflag:s30], $0x80  }
0x10c: {  	[sflag:s30] =	ssyncset.done $0x0  }
0x10d: {  	[sflag:s30] =	ssyncadd.s32 $0xFFFFFF80  }
0x10e: {  	_ =	swait.ge [sflag:s30], $0x80  }
0x10f: {  	[sflag:s30] =	ssyncset.done $0x0  }
0x110: {  	[sflag:s30] =	ssyncadd.s32 $0xFFFFFF80  }
0x111: {  	_ =	swait.ge [sflag:s30], $0x80  }
0x112: {  	[sflag:s30] =	ssyncset.done $0x0  }
0x113: {  	[sflag:s30] =	ssyncadd.s32 $0xFFFFFF80  }
0x114: {  	v42 =	vld [tilespmem:$0x1800]  }
0x115: {  	v43 =	vld [tilespmem:$0x1A00]  }
0x116: {  	v44 =	vld [tilespmem:$0x1C00]  }
0x117: {  	v45 =	vld [tilespmem:$0x1E00]  }
0x118: {  	v46 =	vld [tilespmem:$0x600]  }
0x119: {  	v47 =	vld [tilespmem:$0x800]  }
0x11a: {  	v49 =	vld [tilespmem:$0xA00]  }
0x11b: {  	v51 =	vld [tilespmem:$0xC00]  }
0x11c: {  	v52 =	vld [tilespmem:$0xE00]  }
0x11d: {  	v54 =	vld [tilespmem:$0x610]  }
0x11e: {  	v55 =	vld [tilespmem:$0x1810]  }
0x11f: {  	v56 =	vld [tilespmem:$0x1A10]  }
0x120: {  	v57 =	vld [tilespmem:$0x1C10]  }
0x121: {  	v58 =	vld [tilespmem:$0x1E10]  }
0x122: {  	v59 =	vld [tilespmem:$0x810]  }
0x123: {  	v60 =	vld [tilespmem:$0xA10]  }
0x124: {  	v61 =	vld [tilespmem:$0xC10]  }
0x125: {  	v62 =	vld [tilespmem:$0x1820]  }
0x126: {  	v63 =	vld [tilespmem:$0x1A20]  }
0x127: {  	v16 =	vld [tilespmem:$0xE10]  }
0x128: {  	v17 =	vld [tilespmem:$0x1C20]  }
0x129: {  	v18 =	vld [tilespmem:$0x1E20]  }
0x12a: {  	v19 =	vld [tilespmem:$0x620]  }
0x12b: {  	v20 =	vld [tilespmem:$0x820]  }
0x12c: {  	v21 =	vld [tilespmem:$0xA20]  }
0x12d: {  	v22 =	vld [tilespmem:$0xC20]  }
0x12e: {  	v23 =	vld [tilespmem:$0xE20]  }
0x12f: {  	v26 =	vld [tilespmem:$0x630]  }
0x130: {  	v27 =	vld [tilespmem:$0x1830]  }
0x131: {  	v28 =	vld [tilespmem:$0x1A30]  }
0x132: {  	v29 =	vld [tilespmem:$0x1C30]  }
0x133: {  	v30 =	vld [tilespmem:$0x1E30]  }
0x134: {  	v31 =	vld [tilespmem:$0x830];
	v4 =	vmul.f32 v42, v3;
	v5 =	vmul.f32 v43, v2  }
0x135: {  	v32 =	vld [tilespmem:$0xA30]  }
0x136: {  	v33 =	vld [tilespmem:$0xC30];
	v48 =	vmul.f32 v44, v1;
	v4 =	vadd.f32 v5, v4  }
0x137: {  	v34 =	vld [tilespmem:$0x1840]  }
0x138: {  	v35 =	vld [tilespmem:$0x1A40];
	v50 =	vmul.f32 v45, v0;
	v4 =	vadd.f32 v48, v4  }
0x139: {  	v36 =	vld [tilespmem:$0xE30]  }
0x13a: {  	v37 =	vld [tilespmem:$0x1C40];
	v4 =	vadd.f32 v50, v4  }
0x13b: {  	v38 =	vld [tilespmem:$0x1E40]  }
0x13c: {  	v39 =	vld [tilespmem:$0x640];
	v4 =	vadd.f32 v4, v49  }
0x13d: {  	v8 =	vld.idx.msk [tilespmem:v46+s15+$0x0], $0xffff  }
0x13e: {  	v40 =	vld [tilespmem:$0x840];
	v4 =	vadd.f32 v4, v51  }
0x13f: {  	v41 =	vld [tilespmem:$0xA40]  }
0x140: {  	v14 =	vld [tilespmem:$0x670];
	v9 =	vmul.f32 v55, v3;
	v5 =	vmul.f32 v56, v2;
	v4 =	vadd.f32 v4, v52  }
0x141: {  	v53 =	vld.idx.msk [tilespmem:v47+s16+$0x0], $0xffff  }
0x142: {  	v15 =	vld [tilespmem:$0x1870];
	v5 =	vadd.f32 v5, v9;
	v4 =	vadd.f32 v4, v8;
	v8 =	vmul.f32 v57, v1  }
0x143: {  	v42 =	vld [tilespmem:$0xC40]  }
0x144: {  	v6 =	vmul.f32 v58, v0;
	v43 =	vld [tilespmem:$0xE40];
	v5 =	vadd.f32 v8, v5  }
0x145: {  	v55 =	vld [tilespmem:$0x1A60]  }
0x146: {  	v58 =	vld [tilespmem:$0x1E60];
	v4 =	vadd.f32 v4, v53;
	v5 =	vadd.f32 v6, v5  }
0x147: {  	v10 =	vmul.f32 v62, v3;
	v62 =	vld [tilespmem:$0xC60]  }
0x148: {  	v56 =	vld [tilespmem:$0xE50];
	[tilespmem:$0x2080] =	vst v4;
	v6 =	vmul.f32 v63, v2;
	v5 =	vadd.f32 v5, v60  }
0x149: {  	v7 =	vld.idx.msk [tilespmem:v54+s15+$0x0], $0xffff  }
0x14a: {  	v46 =	vld [tilespmem:$0x650];
	v9 =	vmul.f32 v17, v1;
	v6 =	vadd.f32 v6, v10;
	v5 =	vadd.f32 v5, v61  }
0x14b: {  	v4 =	vld.idx.msk [tilespmem:v59+s16+$0x0], $0xffff  }
0x14c: {  	v47 =	vld [tilespmem:$0x1850];
	v8 =	vmul.f32 v18, v0;
	v6 =	vadd.f32 v9, v6;
	v5 =	vadd.f32 v5, v16  }
0x14d: {  	v48 =	vld [tilespmem:$0x1A50]  }
0x14e: {  	v17 =	vld [tilespmem:$0x1C70];
	v6 =	vadd.f32 v8, v6;
	v5 =	vadd.f32 v5, v7  }
0x14f: {  	v50 =	vld [tilespmem:$0x1E50]  }
0x150: {  	v49 =	vld [tilespmem:$0x1C50];
	v6 =	vadd.f32 v6, v21;
	v4 =	vadd.f32 v5, v4  }
0x151: {  	v51 =	vld [tilespmem:$0x850]  }
0x152: {  	v52 =	vld [tilespmem:$0xA50];
	v5 =	vadd.f32 v6, v22;
	[tilespmem:$0x2090] =	vst v4  }
0x153: {  	v24 =	vld.idx.msk [tilespmem:v19+s15+$0x0], $0xffff  }
0x154: {  	v57 =	vld [tilespmem:$0x1C60];
	v9 =	vmul.f32 v27, v3;
	v4 =	vadd.f32 v5, v23;
	v5 =	vmul.f32 v28, v2  }
0x155: {  	v25 =	vld.idx.msk [tilespmem:v20+s16+$0x0], $0xffff  }
0x156: {  	v53 =	vld [tilespmem:$0xC50];
	v8 =	vmul.f32 v29, v1;
	v5 =	vadd.f32 v5, v9  }
0x157: {  	v18 =	vld [tilespmem:$0x1E70]  }
0x158: {  	v63 =	vld [tilespmem:$0xE60];
	v7 =	vmul.f32 v30, v0;
	v5 =	vadd.f32 v8, v5;
	v4 =	vadd.f32 v4, v24  }
0x159: {  	v54 =	vld [tilespmem:$0x1860]  }
0x15a: {  	v59 =	vld [tilespmem:$0x660];
	v5 =	vadd.f32 v7, v5;
	v4 =	vadd.f32 v4, v25  }
0x15b: {  	v60 =	vld [tilespmem:$0x860]  }
0x15c: {  	v10 =	vmul.f32 v34, v3;
	v34 =	vld [tilespmem:$0x690];
	v7 =	vmul.f32 v35, v2;
	v5 =	vadd.f32 v5, v32;
	[tilespmem:$0x20A0] =	vst v4  }
0x15d: {  	v6 =	vld.idx.msk [tilespmem:v26+s15+$0x0], $0xffff  }
0x15e: {  	v61 =	vld [tilespmem:$0xA60];
	v9 =	vmul.f32 v37, v1;
	v7 =	vadd.f32 v7, v10;
	v5 =	vadd.f32 v5, v33  }
0x15f: {  	v4 =	vld.idx.msk [tilespmem:v31+s16+$0x0], $0xffff  }
0x160: {  	v27 =	vld [tilespmem:$0x680];
	v8 =	vmul.f32 v38, v0;
	v7 =	vadd.f32 v9, v7;
	v5 =	vadd.f32 v5, v36  }
0x161: {  	v16 =	vld [tilespmem:$0x1A70]  }
0x162: {  	v29 =	vld [tilespmem:$0xA80];
	v7 =	vadd.f32 v8, v7;
	v5 =	vadd.f32 v5, v6  }
0x163: {  	v21 =	vld [tilespmem:$0xC70]  }
0x164: {  	v30 =	vld [tilespmem:$0xC80];
	v6 =	vadd.f32 v7, v41;
	v4 =	vadd.f32 v5, v4  }
0x165: {  	v22 =	vld [tilespmem:$0x1880]  }
0x166: {  	v23 =	vld [tilespmem:$0x1A80];
	v5 =	vadd.f32 v6, v42;
	[tilespmem:$0x20B0] =	vst v4  }
0x167: {  	v44 =	vld.idx.msk [tilespmem:v39+s15+$0x0], $0xffff  }
0x168: {  	v28 =	vld [tilespmem:$0x880];
	v9 =	vmul.f32 v47, v3;
	v4 =	vadd.f32 v5, v43;
	v5 =	vmul.f32 v48, v2  }
0x169: {  	v45 =	vld.idx.msk [tilespmem:v40+s16+$0x0], $0xffff  }
0x16a: {  	v19 =	vld [tilespmem:$0x870];
	v8 =	vmul.f32 v49, v1;
	v5 =	vadd.f32 v5, v9  }
0x16b: {  	v20 =	vld [tilespmem:$0xA70]  }
0x16c: {  	v37 =	vld [tilespmem:$0x1C90];
	v7 =	vmul.f32 v50, v0;
	v5 =	vadd.f32 v8, v5;
	v4 =	vadd.f32 v4, v44  }
0x16d: {  	v38 =	vld [tilespmem:$0x1E90]  }
0x16e: {  	v24 =	vld [tilespmem:$0xE70];
	v5 =	vadd.f32 v7, v5;
	v4 =	vadd.f32 v4, v45  }
0x16f: {  	v35 =	vld [tilespmem:$0x1890]  }
0x170: {  	v10 =	vmul.f32 v54, v3;
	v25 =	vld [tilespmem:$0x1C80];
	v7 =	vmul.f32 v55, v2;
	v5 =	vadd.f32 v5, v52;
	[tilespmem:$0x20C0] =	vst v4  }
0x171: {  	v6 =	vld.idx.msk [tilespmem:v46+s15+$0x0], $0xffff  }
0x172: {  	v54 =	vld [tilespmem:$0x6B0];
	v9 =	vmul.f32 v57, v1;
	v7 =	vadd.f32 v7, v10;
	v5 =	vadd.f32 v5, v53  }
0x173: {  	v4 =	vld.idx.msk [tilespmem:v51+s16+$0x0], $0xffff  }
0x174: {  	v47 =	vld [tilespmem:$0x6A0];
	v8 =	vmul.f32 v58, v0;
	v7 =	vadd.f32 v9, v7;
	v5 =	vadd.f32 v5, v56  }
0x175: {  	v26 =	vld [tilespmem:$0x1E80]  }
0x176: {  	v31 =	vld [tilespmem:$0xE80];
	v7 =	vadd.f32 v8, v7;
	v5 =	vadd.f32 v5, v6  }
0x177: {  	v36 =	vld [tilespmem:$0x1A90]  }
0x178: {  	v49 =	vld [tilespmem:$0xAA0];
	v6 =	vadd.f32 v7, v61;
	v4 =	vadd.f32 v5, v4  }
0x179: {  	v41 =	vld [tilespmem:$0xC90]  }
0x17a: {  	v50 =	vld [tilespmem:$0xCA0];
	v5 =	vadd.f32 v6, v62;
	[tilespmem:$0x20D0] =	vst v4  }
0x17b: {  	v12 =	vld.idx.msk [tilespmem:v59+s15+$0x0], $0xffff  }
0x17c: {  	v42 =	vld [tilespmem:$0x18A0];
	v9 =	vmul.f32 v15, v3;
	v4 =	vadd.f32 v5, v63;
	v5 =	vmul.f32 v16, v2  }
0x17d: {  	v13 =	vld.idx.msk [tilespmem:v60+s16+$0x0], $0xffff  }
0x17e: {  	v43 =	vld [tilespmem:$0x1AA0];
	v8 =	vmul.f32 v17, v1;
	v5 =	vadd.f32 v5, v9  }
0x17f: {  	v48 =	vld [tilespmem:$0x8A0]  }
0x180: {  	v39 =	vld [tilespmem:$0x890];
	v7 =	vmul.f32 v18, v0;
	v5 =	vadd.f32 v8, v5;
	v4 =	vadd.f32 v4, v12  }
0x181: {  	v40 =	vld [tilespmem:$0xA90]  }
0x182: {  	v57 =	vld [tilespmem:$0x1CB0];
	v5 =	vadd.f32 v7, v5;
	v4 =	vadd.f32 v4, v13  }
0x183: {  	v58 =	vld [tilespmem:$0x1EB0]  }
0x184: {  	v44 =	vld [tilespmem:$0xE90];
	v10 =	vmul.f32 v22, v3;
	v7 =	vmul.f32 v23, v2;
	v5 =	vadd.f32 v5, v20;
	[tilespmem:$0x20E0] =	vst v4  }
0x185: {  	v6 =	vld.idx.msk [tilespmem:v14+s15+$0x0], $0xffff  }
0x186: {  	v55 =	vld [tilespmem:$0x18B0];
	v9 =	vmul.f32 v25, v1;
	v7 =	vadd.f32 v7, v10;
	v5 =	vadd.f32 v5, v21  }
0x187: {  	v4 =	vld.idx.msk [tilespmem:v19+s16+$0x0], $0xffff  }
0x188: {  	v45 =	vld [tilespmem:$0x1CA0];
	v8 =	vmul.f32 v26, v0;
	v7 =	vadd.f32 v9, v7;
	v5 =	vadd.f32 v5, v24  }
0x189: {  	v22 =	vld [tilespmem:$0xCC0]  }
0x18a: {  	v15 =	vld [tilespmem:$0x1910];
	v7 =	vadd.f32 v8, v7;
	v5 =	vadd.f32 v5, v6  }
0x18b: {  	v46 =	vld [tilespmem:$0x1EA0]  }
0x18c: {  	v51 =	vld [tilespmem:$0xEA0];
	v6 =	vadd.f32 v7, v29;
	v4 =	vadd.f32 v5, v4  }
0x18d: {  	v56 =	vld [tilespmem:$0x1AB0]  }
0x18e: {  	v17 =	vld [tilespmem:$0x1CC0];
	v5 =	vadd.f32 v6, v30;
	[tilespmem:$0x20F0] =	vst v4  }
0x18f: {  	v32 =	vld.idx.msk [tilespmem:v27+s15+$0x0], $0xffff  }
0x190: {  	v61 =	vld [tilespmem:$0xCB0];
	v9 =	vmul.f32 v35, v3;
	v4 =	vadd.f32 v5, v31;
	v5 =	vmul.f32 v36, v2  }
0x191: {  	v33 =	vld.idx.msk [tilespmem:v28+s16+$0x0], $0xffff  }
0x192: {  	v18 =	vld [tilespmem:$0x1EC0];
	v8 =	vmul.f32 v37, v1;
	v5 =	vadd.f32 v5, v9  }
0x193: {  	v62 =	vld [tilespmem:$0x18C0]  }
0x194: {  	v63 =	vld [tilespmem:$0x1AC0];
	v7 =	vmul.f32 v38, v0;
	v5 =	vadd.f32 v8, v5;
	v4 =	vadd.f32 v4, v32  }
0x195: {  	v16 =	vld [tilespmem:$0xEB0]  }
0x196: {  	v59 =	vld [tilespmem:$0x8B0];
	v5 =	vadd.f32 v7, v5;
	v4 =	vadd.f32 v4, v33  }
0x197: {  	v60 =	vld [tilespmem:$0xAB0]  }
0x198: {  	v26 =	vld [tilespmem:$0x6D0];
	v10 =	vmul.f32 v42, v3;
	v7 =	vmul.f32 v43, v2;
	v5 =	vadd.f32 v5, v40;
	[tilespmem:$0x2100] =	vst v4  }
0x199: {  	v6 =	vld.idx.msk [tilespmem:v34+s15+$0x0], $0xffff  }
0x19a: {  	v23 =	vld [tilespmem:$0xEC0];
	v9 =	vmul.f32 v45, v1;
	v7 =	vadd.f32 v7, v10;
	v5 =	vadd.f32 v5, v41  }
0x19b: {  	v4 =	vld.idx.msk [tilespmem:v39+s16+$0x0], $0xffff  }
0x19c: {  	v20 =	vld [tilespmem:$0x8C0];
	v8 =	vmul.f32 v46, v0;
	v7 =	vadd.f32 v9, v7;
	v5 =	vadd.f32 v5, v44  }
0x19d: {  	v42 =	vld [tilespmem:$0xCE0]  }
0x19e: {  	v21 =	vld [tilespmem:$0xAC0];
	v7 =	vadd.f32 v8, v7;
	v5 =	vadd.f32 v5, v6  }
0x19f: {  	v35 =	vld [tilespmem:$0x1AE0]  }
0x1a0: {  	v19 =	vld [tilespmem:$0x6C0];
	v6 =	vadd.f32 v7, v49;
	v4 =	vadd.f32 v5, v4  }
0x1a1: {  	v14 =	vld [tilespmem:$0x710]  }
0x1a2: {  	v37 =	vld [tilespmem:$0x1CE0];
	v5 =	vadd.f32 v6, v50;
	[tilespmem:$0x2110] =	vst v4  }
0x1a3: {  	v52 =	vld.idx.msk [tilespmem:v47+s15+$0x0], $0xffff  }
0x1a4: {  	v29 =	vld [tilespmem:$0x1CD0];
	v9 =	vmul.f32 v55, v3;
	v4 =	vadd.f32 v5, v51;
	v5 =	vmul.f32 v56, v2  }
0x1a5: {  	v53 =	vld.idx.msk [tilespmem:v48+s16+$0x0], $0xffff  }
0x1a6: {  	v38 =	vld [tilespmem:$0x1EE0];
	v8 =	vmul.f32 v57, v1;
	v5 =	vadd.f32 v5, v9  }
0x1a7: {  	v30 =	vld [tilespmem:$0x1ED0]  }
0x1a8: {  	v31 =	vld [tilespmem:$0x8D0];
	v7 =	vmul.f32 v58, v0;
	v5 =	vadd.f32 v8, v5;
	v4 =	vadd.f32 v4, v52  }
0x1a9: {  	v36 =	vld [tilespmem:$0xED0]  }
0x1aa: {  	v27 =	vld [tilespmem:$0x18D0];
	v5 =	vadd.f32 v7, v5;
	v4 =	vadd.f32 v4, v53  }
0x1ab: {  	v28 =	vld [tilespmem:$0x1AD0]  }
0x1ac: {  	v46 =	vld [tilespmem:$0x6F0];
	v10 =	vmul.f32 v62, v3;
	v7 =	vmul.f32 v63, v2;
	v5 =	vadd.f32 v5, v60;
	[tilespmem:$0x2120] =	vst v4  }
0x1ad: {  	v6 =	vld.idx.msk [tilespmem:v54+s15+$0x0], $0xffff  }
0x1ae: {  	v32 =	vld [tilespmem:$0xAD0];
	v9 =	vmul.f32 v17, v1;
	v7 =	vadd.f32 v7, v10;
	v5 =	vadd.f32 v5, v61  }
0x1af: {  	v4 =	vld.idx.msk [tilespmem:v59+s16+$0x0], $0xffff  }
0x1b0: {  	v43 =	vld [tilespmem:$0xEE0];
	v8 =	vmul.f32 v18, v0;
	v7 =	vadd.f32 v9, v7;
	v5 =	vadd.f32 v5, v16  }
0x1b1: {  	v33 =	vld [tilespmem:$0xCD0]  }
0x1b2: {  	v40 =	vld [tilespmem:$0x8E0];
	v7 =	vadd.f32 v8, v7;
	v5 =	vadd.f32 v5, v6  }
0x1b3: {  	v62 =	vld [tilespmem:$0xD00]  }
0x1b4: {  	v41 =	vld [tilespmem:$0xAE0];
	v6 =	vadd.f32 v7, v21;
	v4 =	vadd.f32 v5, v4  }
0x1b5: {  	v55 =	vld [tilespmem:$0x1B00]  }
0x1b6: {  	v34 =	vld [tilespmem:$0x18E0];
	v5 =	vadd.f32 v6, v22;
	[tilespmem:$0x2130] =	vst v4  }
0x1b7: {  	v24 =	vld.idx.msk [tilespmem:v19+s15+$0x0], $0xffff  }
0x1b8: {  	v39 =	vld [tilespmem:$0x6E0];
	v9 =	vmul.f32 v27, v3;
	v4 =	vadd.f32 v5, v23;
	v5 =	vmul.f32 v28, v2  }
0x1b9: {  	v25 =	vld.idx.msk [tilespmem:v20+s16+$0x0], $0xffff  }
0x1ba: {  	v57 =	vld [tilespmem:$0x1D00];
	v8 =	vmul.f32 v29, v1;
	v5 =	vadd.f32 v5, v9  }
0x1bb: {  	v49 =	vld [tilespmem:$0x1CF0]  }
0x1bc: {  	v58 =	vld [tilespmem:$0x1F00];
	v7 =	vmul.f32 v30, v0;
	v5 =	vadd.f32 v8, v5;
	v4 =	vadd.f32 v4, v24  }
0x1bd: {  	v50 =	vld [tilespmem:$0x1EF0]  }
0x1be: {  	v51 =	vld [tilespmem:$0x8F0];
	v5 =	vadd.f32 v7, v5;
	v4 =	vadd.f32 v4, v25  }
0x1bf: {  	v56 =	vld [tilespmem:$0xEF0]  }
0x1c0: {  	v47 =	vld [tilespmem:$0x18F0];
	v10 =	vmul.f32 v34, v3;
	v7 =	vmul.f32 v35, v2;
	v5 =	vadd.f32 v5, v32;
	[tilespmem:$0x2140] =	vst v4  }
0x1c1: {  	v6 =	vld.idx.msk [tilespmem:v26+s15+$0x0], $0xffff  }
0x1c2: {  	v48 =	vld [tilespmem:$0x1AF0];
	v9 =	vmul.f32 v37, v1;
	v7 =	vadd.f32 v7, v10;
	v5 =	vadd.f32 v5, v33  }
0x1c3: {  	v4 =	vld.idx.msk [tilespmem:v31+s16+$0x0], $0xffff  }
0x1c4: {  	v17 =	vld [tilespmem:$0x1D10];
	v8 =	vmul.f32 v38, v0;
	v7 =	vadd.f32 v9, v7;
	v5 =	vadd.f32 v5, v36  }
0x1c5: {  	v18 =	vld [tilespmem:$0x1F10]  }
0x1c6: {  	v52 =	vld [tilespmem:$0xAF0];
	v7 =	vadd.f32 v8, v7;
	v5 =	vadd.f32 v5, v6  }
0x1c7: {  	v63 =	vld [tilespmem:$0xF00]  }
0x1c8: {  	v53 =	vld [tilespmem:$0xCF0];
	v6 =	vadd.f32 v7, v41;
	v4 =	vadd.f32 v5, v4  }
0x1c9: {  	v60 =	vld [tilespmem:$0x900]  }
0x1ca: {  	v34 =	vld [tilespmem:$0x730];
	v5 =	vadd.f32 v6, v42;
	[tilespmem:$0x2150] =	vst v4  }
0x1cb: {  	v44 =	vld.idx.msk [tilespmem:v39+s15+$0x0], $0xffff  }
0x1cc: {  	v61 =	vld [tilespmem:$0xB00];
	v9 =	vmul.f32 v47, v3;
	v4 =	vadd.f32 v5, v43;
	v5 =	vmul.f32 v48, v2  }
0x1cd: {  	v45 =	vld.idx.msk [tilespmem:v40+s16+$0x0], $0xffff  }
0x1ce: {  	v27 =	vld [tilespmem:$0x720];
	v8 =	vmul.f32 v49, v1;
	v5 =	vadd.f32 v5, v9  }
0x1cf: {  	v54 =	vld [tilespmem:$0x1900]  }
0x1d0: {  	v59 =	vld [tilespmem:$0x700];
	v7 =	vmul.f32 v50, v0;
	v5 =	vadd.f32 v8, v5;
	v4 =	vadd.f32 v4, v44  }
0x1d1: {  	v16 =	vld [tilespmem:$0x1B10]  }
0x1d2: {  	v29 =	vld [tilespmem:$0xB20];
	v5 =	vadd.f32 v7, v5;
	v4 =	vadd.f32 v4, v45  }
0x1d3: {  	v21 =	vld [tilespmem:$0xD10]  }
0x1d4: {  	v30 =	vld [tilespmem:$0xD20];
	v10 =	vmul.f32 v54, v3;
	v7 =	vmul.f32 v55, v2;
	v5 =	vadd.f32 v5, v52;
	[tilespmem:$0x2160] =	vst v4  }
0x1d5: {  	v6 =	vld.idx.msk [tilespmem:v46+s15+$0x0], $0xffff  }
0x1d6: {  	v22 =	vld [tilespmem:$0x1920];
	v9 =	vmul.f32 v57, v1;
	v7 =	vadd.f32 v7, v10;
	v5 =	vadd.f32 v5, v53  }
0x1d7: {  	v4 =	vld.idx.msk [tilespmem:v51+s16+$0x0], $0xffff  }
0x1d8: {  	v23 =	vld [tilespmem:$0x1B20];
	v8 =	vmul.f32 v58, v0;
	v7 =	vadd.f32 v9, v7;
	v5 =	vadd.f32 v5, v56  }
0x1d9: {  	v28 =	vld [tilespmem:$0x920]  }
0x1da: {  	v19 =	vld [tilespmem:$0x910];
	v7 =	vadd.f32 v8, v7;
	v5 =	vadd.f32 v5, v6  }
0x1db: {  	v20 =	vld [tilespmem:$0xB10]  }
0x1dc: {  	v37 =	vld [tilespmem:$0x1D30];
	v6 =	vadd.f32 v7, v61;
	v4 =	vadd.f32 v5, v4  }
0x1dd: {  	v38 =	vld [tilespmem:$0x1F30]  }
0x1de: {  	v24 =	vld [tilespmem:$0xF10];
	v5 =	vadd.f32 v6, v62;
	[tilespmem:$0x2170] =	vst v4  }
0x1df: {  	v12 =	vld.idx.msk [tilespmem:v59+s15+$0x0], $0xffff  }
0x1e0: {  	v35 =	vld [tilespmem:$0x1930];
	v9 =	vmul.f32 v15, v3;
	v4 =	vadd.f32 v5, v63;
	v5 =	vmul.f32 v16, v2  }
0x1e1: {  	v13 =	vld.idx.msk [tilespmem:v60+s16+$0x0], $0xffff  }
0x1e2: {  	v25 =	vld [tilespmem:$0x1D20];
	v8 =	vmul.f32 v17, v1;
	v5 =	vadd.f32 v5, v9  }
0x1e3: {  	v54 =	vld [tilespmem:$0x750]  }
0x1e4: {  	v47 =	vld [tilespmem:$0x740];
	v7 =	vmul.f32 v18, v0;
	v5 =	vadd.f32 v8, v5;
	v4 =	vadd.f32 v4, v12  }
0x1e5: {  	v26 =	vld [tilespmem:$0x1F20]  }
0x1e6: {  	v31 =	vld [tilespmem:$0xF20];
	v5 =	vadd.f32 v7, v5;
	v4 =	vadd.f32 v4, v13  }
0x1e7: {  	v36 =	vld [tilespmem:$0x1B30]  }
0x1e8: {  	v49 =	vld [tilespmem:$0xB40];
	v10 =	vmul.f32 v22, v3;
	v7 =	vmul.f32 v23, v2;
	v5 =	vadd.f32 v5, v20;
	[tilespmem:$0x2180] =	vst v4  }
0x1e9: {  	v6 =	vld.idx.msk [tilespmem:v14+s15+$0x0], $0xffff  }
0x1ea: {  	v41 =	vld [tilespmem:$0xD30];
	v9 =	vmul.f32 v25, v1;
	v7 =	vadd.f32 v7, v10;
	v5 =	vadd.f32 v5, v21  }
0x1eb: {  	v4 =	vld.idx.msk [tilespmem:v19+s16+$0x0], $0xffff  }
0x1ec: {  	v50 =	vld [tilespmem:$0xD40];
	v8 =	vmul.f32 v26, v0;
	v7 =	vadd.f32 v9, v7;
	v5 =	vadd.f32 v5, v24  }
0x1ed: {  	v42 =	vld [tilespmem:$0x1940]  }
0x1ee: {  	v43 =	vld [tilespmem:$0x1B40];
	v7 =	vadd.f32 v8, v7;
	v5 =	vadd.f32 v5, v6  }
0x1ef: {  	v48 =	vld [tilespmem:$0x940]  }
0x1f0: {  	v39 =	vld [tilespmem:$0x930];
	v6 =	vadd.f32 v7, v29;
	v4 =	vadd.f32 v5, v4  }
0x1f1: {  	v40 =	vld [tilespmem:$0xB30]  }
0x1f2: {  	v57 =	vld [tilespmem:$0x1D50];
	v5 =	vadd.f32 v6, v30;
	[tilespmem:$0x2190] =	vst v4  }
0x1f3: {  	v32 =	vld.idx.msk [tilespmem:v27+s15+$0x0], $0xffff  }
0x1f4: {  	v58 =	vld [tilespmem:$0x1F50];
	v9 =	vmul.f32 v35, v3;
	v4 =	vadd.f32 v5, v31;
	v5 =	vmul.f32 v36, v2  }
0x1f5: {  	v33 =	vld.idx.msk [tilespmem:v28+s16+$0x0], $0xffff  }
0x1f6: {  	v44 =	vld [tilespmem:$0xF30];
	v8 =	vmul.f32 v37, v1;
	v5 =	vadd.f32 v5, v9  }
0x1f7: {  	v55 =	vld [tilespmem:$0x1950]  }
0x1f8: {  	v45 =	vld [tilespmem:$0x1D40];
	v7 =	vmul.f32 v38, v0;
	v5 =	vadd.f32 v8, v5;
	v4 =	vadd.f32 v4, v32  }
0x1f9: {  	v22 =	vld [tilespmem:$0xD60]  }
0x1fa: {  	v15 =	vld [tilespmem:$0x19B0];
	v5 =	vadd.f32 v7, v5;
	v4 =	vadd.f32 v4, v33  }
0x1fb: {  	v46 =	vld [tilespmem:$0x1F40]  }
0x1fc: {  	v51 =	vld [tilespmem:$0xF40];
	v10 =	vmul.f32 v42, v3;
	v7 =	vmul.f32 v43, v2;
	v5 =	vadd.f32 v5, v40;
	[tilespmem:$0x21A0] =	vst v4  }
0x1fd: {  	v6 =	vld.idx.msk [tilespmem:v34+s15+$0x0], $0xffff  }
0x1fe: {  	v56 =	vld [tilespmem:$0x1B50];
	v9 =	vmul.f32 v45, v1;
	v7 =	vadd.f32 v7, v10;
	v5 =	vadd.f32 v5, v41  }
0x1ff: {  	v4 =	vld.idx.msk [tilespmem:v39+s16+$0x0], $0xffff  }
0x200: {  	v17 =	vld [tilespmem:$0x1D60];
	v8 =	vmul.f32 v46, v0;
	v7 =	vadd.f32 v9, v7;
	v5 =	vadd.f32 v5, v44  }
0x201: {  	v61 =	vld [tilespmem:$0xD50]  }
0x202: {  	v18 =	vld [tilespmem:$0x1F60];
	v7 =	vadd.f32 v8, v7;
	v5 =	vadd.f32 v5, v6  }
0x203: {  	v62 =	vld [tilespmem:$0x1960]  }
0x204: {  	v63 =	vld [tilespmem:$0x1B60];
	v6 =	vadd.f32 v7, v49;
	v4 =	vadd.f32 v5, v4  }
0x205: {  	v16 =	vld [tilespmem:$0xF50]  }
0x206: {  	v59 =	vld [tilespmem:$0x950];
	v5 =	vadd.f32 v6, v50;
	[tilespmem:$0x21B0] =	vst v4  }
0x207: {  	v52 =	vld.idx.msk [tilespmem:v47+s15+$0x0], $0xffff  }
0x208: {  	v60 =	vld [tilespmem:$0xB50];
	v9 =	vmul.f32 v55, v3;
	v4 =	vadd.f32 v5, v51;
	v5 =	vmul.f32 v56, v2  }
0x209: {  	v53 =	vld.idx.msk [tilespmem:v48+s16+$0x0], $0xffff  }
0x20a: {  	v26 =	vld [tilespmem:$0x770];
	v8 =	vmul.f32 v57, v1;
	v5 =	vadd.f32 v5, v9  }
0x20b: {  	v23 =	vld [tilespmem:$0xF60]  }
0x20c: {  	v20 =	vld [tilespmem:$0x960];
	v7 =	vmul.f32 v58, v0;
	v5 =	vadd.f32 v8, v5;
	v4 =	vadd.f32 v4, v52  }
0x20d: {  	v42 =	vld [tilespmem:$0xD80]  }
0x20e: {  	v21 =	vld [tilespmem:$0xB60];
	v5 =	vadd.f32 v7, v5;
	v4 =	vadd.f32 v4, v53  }
0x20f: {  	v35 =	vld [tilespmem:$0x1B80]  }
0x210: {  	v19 =	vld [tilespmem:$0x760];
	v10 =	vmul.f32 v62, v3;
	v7 =	vmul.f32 v63, v2;
	v5 =	vadd.f32 v5, v60;
	[tilespmem:$0x21C0] =	vst v4  }
0x211: {  	v6 =	vld.idx.msk [tilespmem:v54+s15+$0x0], $0xffff  }
0x212: {  	v14 =	vld [tilespmem:$0x7B0];
	v9 =	vmul.f32 v17, v1;
	v7 =	vadd.f32 v7, v10;
	v5 =	vadd.f32 v5, v61  }
0x213: {  	v4 =	vld.idx.msk [tilespmem:v59+s16+$0x0], $0xffff  }
0x214: {  	v37 =	vld [tilespmem:$0x1D80];
	v8 =	vmul.f32 v18, v0;
	v7 =	vadd.f32 v9, v7;
	v5 =	vadd.f32 v5, v16  }
0x215: {  	v29 =	vld [tilespmem:$0x1D70]  }
0x216: {  	v27 =	vld [tilespmem:$0x1970];
	v7 =	vadd.f32 v8, v7;
	v5 =	vadd.f32 v5, v6  }
0x217: {  	v28 =	vld [tilespmem:$0x1B70]  }
0x218: {  	v38 =	vld [tilespmem:$0x1F80];
	v6 =	vadd.f32 v7, v21;
	v4 =	vadd.f32 v5, v4  }
0x219: {  	v30 =	vld [tilespmem:$0x1F70]  }
0x21a: {  	v31 =	vld [tilespmem:$0x970];
	v5 =	vadd.f32 v6, v22;
	[tilespmem:$0x21D0] =	vst v4  }
0x21b: {  	v24 =	vld.idx.msk [tilespmem:v19+s15+$0x0], $0xffff  }
0x21c: {  	v36 =	vld [tilespmem:$0xF70];
	v9 =	vmul.f32 v27, v3;
	v4 =	vadd.f32 v5, v23;
	v5 =	vmul.f32 v28, v2  }
0x21d: {  	v25 =	vld.idx.msk [tilespmem:v20+s16+$0x0], $0xffff  }
0x21e: {  	v32 =	vld [tilespmem:$0xB70];
	v8 =	vmul.f32 v29, v1;
	v5 =	vadd.f32 v5, v9  }
0x21f: {  	v34 =	vld [tilespmem:$0x1980]  }
0x220: {  	v46 =	vld [tilespmem:$0x790];
	v7 =	vmul.f32 v30, v0;
	v5 =	vadd.f32 v8, v5;
	v4 =	vadd.f32 v4, v24  }
0x221: {  	v33 =	vld [tilespmem:$0xD70]  }
0x222: {  	v43 =	vld [tilespmem:$0xF80];
	v5 =	vadd.f32 v7, v5;
	v4 =	vadd.f32 v4, v25  }
0x223: {  	v40 =	vld [tilespmem:$0x980]  }
0x224: {  	v41 =	vld [tilespmem:$0xB80];
	v10 =	vmul.f32 v34, v3;
	v7 =	vmul.f32 v35, v2;
	v5 =	vadd.f32 v5, v32;
	[tilespmem:$0x21E0] =	vst v4  }
0x225: {  	v6 =	vld.idx.msk [tilespmem:v26+s15+$0x0], $0xffff  }
0x226: {  	v39 =	vld [tilespmem:$0x780];
	v9 =	vmul.f32 v37, v1;
	v7 =	vadd.f32 v7, v10;
	v5 =	vadd.f32 v5, v33  }
0x227: {  	v4 =	vld.idx.msk [tilespmem:v31+s16+$0x0], $0xffff  }
0x228: {  	v62 =	vld [tilespmem:$0xDA0];
	v8 =	vmul.f32 v38, v0;
	v7 =	vadd.f32 v9, v7;
	v5 =	vadd.f32 v5, v36  }
0x229: {  	v55 =	vld [tilespmem:$0x1BA0]  }
0x22a: {  	v47 =	vld [tilespmem:$0x1990];
	v7 =	vadd.f32 v8, v7;
	v5 =	vadd.f32 v5, v6  }
0x22b: {  	v48 =	vld [tilespmem:$0x1B90]  }
0x22c: {  	v57 =	vld [tilespmem:$0x1DA0];
	v6 =	vadd.f32 v7, v41;
	v4 =	vadd.f32 v5, v4  }
0x22d: {  	v49 =	vld [tilespmem:$0x1D90]  }
0x22e: {  	v50 =	vld [tilespmem:$0x1F90];
	v5 =	vadd.f32 v6, v42;
	[tilespmem:$0x21F0] =	vst v4  }
0x22f: {  	v44 =	vld.idx.msk [tilespmem:v39+s15+$0x0], $0xffff  }
0x230: {  	v51 =	vld [tilespmem:$0x990];
	v9 =	vmul.f32 v47, v3;
	v4 =	vadd.f32 v5, v43;
	v5 =	vmul.f32 v48, v2  }
0x231: {  	v45 =	vld.idx.msk [tilespmem:v40+s16+$0x0], $0xffff  }
0x232: {  	v52 =	vld [tilespmem:$0xB90];
	v8 =	vmul.f32 v49, v1;
	v5 =	vadd.f32 v5, v9  }
0x233: {  	v54 =	vld [tilespmem:$0x19A0]  }
0x234: {  	v58 =	vld [tilespmem:$0x1FA0];
	v7 =	vmul.f32 v50, v0;
	v5 =	vadd.f32 v8, v5;
	v4 =	vadd.f32 v4, v44  }
0x235: {  	v53 =	vld [tilespmem:$0xD90]  }
0x236: {  	v56 =	vld [tilespmem:$0xF90];
	v5 =	vadd.f32 v7, v5;
	v4 =	vadd.f32 v4, v45  }
0x237: {  	v17 =	vld [tilespmem:$0x1DB0]  }
0x238: {  	v61 =	vld [tilespmem:$0xBA0];
	v10 =	vmul.f32 v54, v3;
	v7 =	vmul.f32 v55, v2;
	v5 =	vadd.f32 v5, v52;
	[tilespmem:$0x2200] =	vst v4  }
0x239: {  	v6 =	vld.idx.msk [tilespmem:v46+s15+$0x0], $0xffff  }
0x23a: {  	v59 =	vld [tilespmem:$0x7A0];
	v9 =	vmul.f32 v57, v1;
	v7 =	vadd.f32 v7, v10;
	v5 =	vadd.f32 v5, v53  }
0x23b: {  	v4 =	vld.idx.msk [tilespmem:v51+s16+$0x0], $0xffff  }
0x23c: {  	v18 =	vld [tilespmem:$0x1FB0];
	v8 =	vmul.f32 v58, v0;
	v7 =	vadd.f32 v9, v7;
	v5 =	vadd.f32 v5, v56  }
0x23d: {  	v60 =	vld [tilespmem:$0x9A0]  }
0x23e: {  	v63 =	vld [tilespmem:$0xFA0];
	v7 =	vadd.f32 v8, v7;
	v5 =	vadd.f32 v5, v6  }
0x23f: {  	v16 =	vld [tilespmem:$0x1BB0]  }
0x240: {  	v34 =	vld [tilespmem:$0x7D0];
	v6 =	vadd.f32 v7, v61;
	v4 =	vadd.f32 v5, v4  }
0x241: {  	v27 =	vld [tilespmem:$0x7C0]  }
0x242: {  	v22 =	vld [tilespmem:$0x19C0];
	v5 =	vadd.f32 v6, v62;
	[tilespmem:$0x2210] =	vst v4  }
0x243: {  	v12 =	vld.idx.msk [tilespmem:v59+s15+$0x0], $0xffff  }
0x244: {  	v23 =	vld [tilespmem:$0x1BC0];
	v9 =	vmul.f32 v15, v3;
	v4 =	vadd.f32 v5, v63;
	v5 =	vmul.f32 v16, v2  }
0x245: {  	v13 =	vld.idx.msk [tilespmem:v60+s16+$0x0], $0xffff  }
0x246: {  	v19 =	vld [tilespmem:$0x9B0];
	v8 =	vmul.f32 v17, v1;
	v5 =	vadd.f32 v5, v9  }
0x247: {  	v20 =	vld [tilespmem:$0xBB0]  }
0x248: {  	v21 =	vld [tilespmem:$0xDB0];
	v7 =	vmul.f32 v18, v0;
	v5 =	vadd.f32 v8, v5;
	v4 =	vadd.f32 v4, v12  }
0x249: {  	v25 =	vld [tilespmem:$0x1DC0]  }
0x24a: {  	v24 =	vld [tilespmem:$0xFB0];
	v5 =	vadd.f32 v7, v5;
	v4 =	vadd.f32 v4, v13  }
0x24b: {  	v26 =	vld [tilespmem:$0x1FC0]  }
0x24c: {  	v29 =	vld [tilespmem:$0xBC0];
	v10 =	vmul.f32 v22, v3;
	v7 =	vmul.f32 v23, v2;
	v5 =	vadd.f32 v5, v20;
	[tilespmem:$0x2220] =	vst v4  }
0x24d: {  	v6 =	vld.idx.msk [tilespmem:v14+s15+$0x0], $0xffff  }
0x24e: {  	v30 =	vld [tilespmem:$0xDC0];
	v9 =	vmul.f32 v25, v1;
	v7 =	vadd.f32 v7, v10;
	v5 =	vadd.f32 v5, v21  }
0x24f: {  	v4 =	vld.idx.msk [tilespmem:v19+s16+$0x0], $0xffff  }
0x250: {  	v28 =	vld [tilespmem:$0x9C0];
	v8 =	vmul.f32 v26, v0;
	v7 =	vadd.f32 v9, v7;
	v5 =	vadd.f32 v5, v24  }
0x251: {  	v35 =	vld [tilespmem:$0x19D0]  }
0x252: {  	v31 =	vld [tilespmem:$0xFC0];
	v7 =	vadd.f32 v8, v7;
	v5 =	vadd.f32 v5, v6  }
0x253: {  	v36 =	vld [tilespmem:$0x1BD0]  }
0x254: {  	v37 =	vld [tilespmem:$0x1DD0];
	v6 =	vadd.f32 v7, v29;
	v4 =	vadd.f32 v5, v4  }
0x255: {  	v38 =	vld [tilespmem:$0x1FD0]  }
0x256: {  	v47 =	vld [tilespmem:$0x7E0];
	v5 =	vadd.f32 v6, v30;
	[tilespmem:$0x2230] =	vst v4  }
0x257: {  	v32 =	vld.idx.msk [tilespmem:v27+s15+$0x0], $0xffff  }
0x258: {  	v41 =	vld [tilespmem:$0xDD0];
	v9 =	vmul.f32 v35, v3;
	v4 =	vadd.f32 v5, v31;
	v5 =	vmul.f32 v36, v2  }
0x259: {  	v33 =	vld.idx.msk [tilespmem:v28+s16+$0x0], $0xffff  }
0x25a: {  	v39 =	vld [tilespmem:$0x9D0];
	v8 =	vmul.f32 v37, v1;
	v5 =	vadd.f32 v5, v9  }
0x25b: {  	v40 =	vld [tilespmem:$0xBD0]  }
0x25c: {  	v42 =	vld [tilespmem:$0x19E0];
	v7 =	vmul.f32 v38, v0;
	v5 =	vadd.f32 v8, v5;
	v4 =	vadd.f32 v4, v32  }
0x25d: {  	v43 =	vld [tilespmem:$0x1BE0]  }
0x25e: {  	v44 =	vld [tilespmem:$0xFD0];
	v5 =	vadd.f32 v7, v5;
	v4 =	vadd.f32 v4, v33  }
0x25f: {  	v45 =	vld [tilespmem:$0x1DE0]  }
0x260: {  	v46 =	vld [tilespmem:$0x1FE0];
	v5 =	vadd.f32 v5, v40;
	[tilespmem:$0x2240] =	vst v4  }
0x261: {  	v6 =	vld.idx.msk [tilespmem:v34+s15+$0x0], $0xffff  }
0x262: {  	v49 =	vld [tilespmem:$0xBE0];
	v10 =	vmul.f32 v42, v3;
	v7 =	vmul.f32 v43, v2;
	v5 =	vadd.f32 v5, v41  }
0x263: {  	v4 =	vld.idx.msk [tilespmem:v39+s16+$0x0], $0xffff  }
0x264: {  	v50 =	vld [tilespmem:$0xDE0];
	v9 =	vmul.f32 v45, v1;
	v7 =	vadd.f32 v7, v10;
	v5 =	vadd.f32 v5, v44  }
0x265: {  	v48 =	vld [tilespmem:$0x9E0]  }
0x266: {  	v52 =	vld [tilespmem:$0x1BF0];
	v8 =	vmul.f32 v46, v0;
	v7 =	vadd.f32 v9, v7;
	v5 =	vadd.f32 v5, v6  }
0x267: {  	v51 =	vld [tilespmem:$0x19F0]  }
0x268: {  	v54 =	vld [tilespmem:$0x1DF0];
	v7 =	vadd.f32 v8, v7;
	v4 =	vadd.f32 v5, v4  }
0x269: {  	v53 =	vld [tilespmem:$0xFE0]  }
0x26a: {  	v55 =	vld [tilespmem:$0x1FF0];
	v7 =	vadd.f32 v7, v49;
	[tilespmem:$0x2250] =	vst v4  }
0x26b: {  	v12 =	vld.idx.msk [tilespmem:v47+s15+$0x0], $0xffff  }
0x26c: {  	v57 =	vld [tilespmem:$0x7F0];
	v3 =	vmul.f32 v51, v3;
	v2 =	vmul.f32 v52, v2;
	v6 =	vadd.f32 v7, v50  }
0x26d: {  	v56 =	vld.idx.msk [tilespmem:v48+s16+$0x0], $0xffff  }
0x26e: {  	v58 =	vld [tilespmem:$0x9F0];
	v1 =	vmul.f32 v54, v1;
	v2 =	vadd.f32 v2, v3;
	v6 =	vadd.f32 v6, v53  }
0x26f: {  	v59 =	vld [tilespmem:$0xBF0]  }
0x270: {  	v0 =	vmul.f32 v55, v0;
	v1 =	vadd.f32 v1, v2;
	v6 =	vadd.f32 v6, v12  }
0x271: {  	v60 =	vld [tilespmem:$0xDF0]  }
0x272: {  	v0 =	vadd.f32 v0, v1;
	v6 =	vadd.f32 v6, v56  }
0x273: {  	v61 =	vld [tilespmem:$0xFF0]  }
0x274: {  	v0 =	vadd.f32 v0, v59;
	[tilespmem:$0x2260] =	vst v6  }
0x275: {  	v62 =	vld.idx.msk [tilespmem:v57+s15+$0x0], $0xffff  }
0x276: {  	v0 =	vadd.f32 v0, v60  }
0x277: {  	v63 =	vld.idx.msk [tilespmem:v58+s16+$0x0], $0xffff  }
0x278: {  	v0 =	vadd.f32 v0, v61;
	_ =	sdelay $0x1  }
0x279: {  	v0 =	vadd.f32 v0, v62;
	_ =	sdelay $0x1  }
0x27a: {  	v0 =	vadd.f32 v0, v63  }
0x27b: {  	p0 =	sne.s32 s7, $0x1  }
.Ltmp0:
0x27c: {  	s21 =	rddreg [dreg:$0x1b];
	[tilespmem:$0x2270] =	vst v0;
	(pc) =	sbr.rel @p0 .LBB2_1-.Ltmp0, $4  }
0x27d: {  	[hbm4b:s21+s3] =	stream.linear.scatter [tilespmem:s31], [sflag:$0x7], $0x200, $0x38;
	[tilespmem:$0x2280] =	vst v63  }
0x27e: {  	_ =	swait.ge [sflag:s0], $0x200  }
0x27f: {  	[sflag:s0] =	ssyncset.done $0x0  }
0x280: {  	s7 =	sadd.s32 $0xFFFFFFFF, s7;
	[sflag:s0] =	ssyncadd.s32 $0xFFFFFE00  }
0x281: {  	_ =	sfence.sel $0x180000  }
0x282: {  	[bflag:$0x0] =	sbarrier.arrive $0xFFFF  }
0x283: {  	_ =	strace $0x90000047  }
0x284: {  	s0 =	stileid.u32;
	[bflag:$0x2] =	sbarrier.arrive $0xFFFF  }
0x285: {  	p0 =	sne.s32 s0, $0x0;
	s0 =	rddreg [dreg:$0xa]  }
0x286: {  	s0 =	sadd.s32 @!p0 $0x100000, s0  }
0x287: {  	[sflag:s0] =	ssyncadd.tile.s32 @!p0 $0x1;
	_ =	shalt  }
.Lfunc_end2:
_tile_overlayer_lowered:
.L_overlay_start_2:
0x288: {  	(tag) =	ssettag $0x2  }
0x289: {  	s0 =	rddreg [dreg:$0x0];
	s2 =	stileid.u32  }
0x28a: {  	s1 =	rddreg [dreg:$0x1];
	p0 =	sne.s32 s2, $0x0  }
0x28b: {  	s3 =	rddreg [dreg:$0x2];
	[bflag:$0x3] =	sbarrier.arrive $0xFFFF;
	s2 =	simm.s32 @!p0 $0x1C07  }
0x28c: {  	[timem:s3], [sflag:s2] =	dma.local @!p0 [hbm:s0], s1  }
0x28d: {  	s0 =	simm.s32 @!p0 $0x7  }
0x28e: {  	_ =	swait.ge @!p0 [sflag:s0], s1  }
0x28f: {  	s1 =	ssub.s32 @!p0 $0x0, s1;
	[sflag:s0] =	ssyncset.done @!p0 $0x0  }
0x290: {  	[sflag:s0] =	ssyncadd.s32 @!p0 s1  }
0x291: {  	[bflag:$0x3] =	sbarrier.arrive $0xFFFF  }
0x292: {  	_ =	shalt  }

</sc_bundles>
